<compile_context>
chip_gen: v7x
topology: tpu7x:2x2x1
jax: 0.10.2.dev20260603
libtpu: 0.0.44.dev20260713+nightly
codegen_flags: <defaults>
</compile_context>

<pallas_src>
import functools
import math

import jax
import jax.numpy as jnp
from jax import lax
from jax.experimental import pallas as pl
from jax.experimental.pallas import tpu as pltpu
from jax.experimental.pallas import tpu_sc as plsc

N = 10000
E = 160000
D = 128

NC = 2
NS = 16
L = 16
NW = NC * NS
G = D // L
CHUNK = 64
RCH = E // CHUNK
CPT = 80
PCH = NW * CPT
NROW = N + 8
RPT = 624
ZREM = NROW - NS * RPT
OREM = N - NS * RPT
LOG2PI = math.log(2.0 * math.pi)


def _sc_layer_body(src_hbm, dst_hbm, table_hbm, eps_hbm, mu_hbm, sig_hbm,
                   part_hbm, nll_hbm,
                   srcs_v, dsts_v, rows0, rows1, eps0, eps1,
                   mu_v, sig_v, nll_v, hacc_sh,
                   g0, g1, e0, e1, s0, s1):
    rows = (rows0, rows1)
    epsb = (eps0, eps1)
    gsem = (g0, g1)
    esem = (e0, e1)
    ssem = (s0, s1)
    cc = lax.axis_index("c")
    ss = lax.axis_index("s")
    wid = cc * NS + ss
    crow0 = wid * CPT

    pltpu.sync_copy(mu_hbm, mu_v)
    pltpu.sync_copy(sig_hbm, sig_v)
    mu_r = [mu_v[g, :] for g in range(G)]
    sig_r = [sig_v[g, :] for g in range(G)]

    def zero_row(r, carry):
        for g in range(G):
            rows0[r, pl.ds(g * L, L)] = jnp.zeros((L,), jnp.float32)
        return carry
    lax.fori_loop(0, CHUNK, zero_row, 0)
    row0 = ss * RPT
    for k in range(RPT // CHUNK):
        pltpu.sync_copy(rows0, hacc_sh.at[pl.ds(row0 + k * CHUNK, CHUNK)])
    zrem = RPT - (RPT // CHUNK) * CHUNK
    if zrem:
        pltpu.sync_copy(rows0.at[pl.ds(0, zrem)],
                        hacc_sh.at[pl.ds(row0 + (RPT // CHUNK) * CHUNK, zrem)])

    @pl.when(ss == NS - 1)
    def _zero_leftover():
        pltpu.sync_copy(rows0.at[pl.ds(0, ZREM)],
                        hacc_sh.at[pl.ds(NS * RPT, ZREM)])

    pltpu.sync_copy(src_hbm.at[pl.ds(crow0 * CHUNK, CPT * CHUNK)], srcs_v)
    pltpu.sync_copy(dst_hbm.at[pl.ds(crow0, CPT)], dsts_v)
    plsc.subcore_barrier()

    def issue(c, b):
        gc = crow0 + c
        ec = jnp.minimum(gc, RCH - 1) * CHUNK
        pltpu.async_copy(table_hbm.at[srcs_v.at[pl.ds(c * CHUNK, CHUNK)]],
                         rows[b], gsem[b])
        pltpu.async_copy(eps_hbm.at[pl.ds(ec, CHUNK)], epsb[b], esem[b])

    def wait_in(c, b):
        pltpu.make_async_copy(table_hbm.at[srcs_v.at[pl.ds(c * CHUNK, CHUNK)]],
                              rows[b], gsem[b]).wait()
        pltpu.make_async_copy(eps_hbm.at[pl.ds(0, CHUNK)], epsb[b],
                              esem[b]).wait()

    def wait_scat(c, b):
        pltpu.make_async_copy(rows[b], hacc_sh.at[dsts_v.at[c]],
                              ssem[b]).wait()

    def scale_chunk(rows_ref, eps_ref):
        def row_body(r, acc):
            for g in range(G):
                sl = pl.ds(g * L, L)
                a = mu_r[g] + sig_r[g] * eps_ref[r, sl]
                t = a - 1.0
                acc = acc + t * t
                rows_ref[r, sl] = rows_ref[r, sl] * a
            return acc
        return lax.fori_loop(0, CHUNK, row_body, jnp.zeros((L,), jnp.float32))

    def step(c, b, acc):
        wait_in(c, b)

        @pl.when(c >= 1)
        def _drain_prev():
            wait_scat(c - 1, 1 - b)

        @pl.when(c + 1 < CPT)
        def _prefetch():
            issue(c + 1, 1 - b)

        gc = crow0 + c
        mask = jnp.where(gc < RCH, 1.0, 0.0).astype(jnp.float32)
        acc = acc + mask * scale_chunk(rows[b], epsb[b])
        pltpu.async_copy(rows[b], hacc_sh.at[dsts_v.at[c]], ssem[b], add=True)
        return acc

    issue(jnp.int32(0), 0)

    def pair_body(t, acc):
        for k in range(2):
            acc = step(t * 2 + k, k, acc)
        return acc

    acc = lax.fori_loop(0, CPT // 2, pair_body,
                        jnp.zeros((L,), jnp.float32))
    wait_scat(jnp.int32(CPT - 1), (CPT - 1) % 2)

    nll_v[...] = acc
    pltpu.sync_copy(nll_v, nll_hbm.at[pl.ds(wid * L, L)])

    plsc.subcore_barrier()
    pltpu.sync_copy(hacc_sh.at[pl.ds(row0, RPT)],
                    part_hbm.at[pl.ds(cc * N + row0, RPT)])

    @pl.when(ss == NS - 1)
    def _read_leftover():
        pltpu.sync_copy(hacc_sh.at[pl.ds(NS * RPT, OREM)],
                        part_hbm.at[pl.ds(cc * N + NS * RPT, OREM)])


def _make_sc_layer():
    mesh = plsc.VectorSubcoreMesh(core_axis_name="c", subcore_axis_name="s",
                                  num_cores=NC, num_subcores=NS)
    return pl.kernel(
        _sc_layer_body,
        out_type=(
            jax.ShapeDtypeStruct((NC * N, D), jnp.float32),
            jax.ShapeDtypeStruct((NW * L,), jnp.float32),
        ),
        mesh=mesh,
        scratch_types=[
            pltpu.VMEM((CPT * CHUNK,), jnp.int32),
            pltpu.VMEM((CPT, CHUNK), jnp.int32),
            pltpu.VMEM((CHUNK, D), jnp.float32),
            pltpu.VMEM((CHUNK, D), jnp.float32),
            pltpu.VMEM((CHUNK, D), jnp.float32),
            pltpu.VMEM((CHUNK, D), jnp.float32),
            pltpu.VMEM((G, L), jnp.float32),
            pltpu.VMEM((G, L), jnp.float32),
            pltpu.VMEM((L,), jnp.float32),
            pltpu.VMEM_SHARED((NROW, D), jnp.float32),
            pltpu.SemaphoreType.DMA,
            pltpu.SemaphoreType.DMA,
            pltpu.SemaphoreType.DMA,
            pltpu.SemaphoreType.DMA,
            pltpu.SemaphoreType.DMA,
            pltpu.SemaphoreType.DMA,
        ],
    )


_ROWS_BLK = 1000
_GRID = N // _ROWS_BLK


def _tc_mid_body(p0_ref, p1_ref, w_ref, b_ref, o_ref):
    s = p0_ref[...] + p1_ref[...]
    y = jnp.dot(s, w_ref[...], preferred_element_type=jnp.float32)
    o_ref[...] = jnp.maximum(y + b_ref[...], 0.0)


def _tc_final_body(p0_ref, p1_ref, w_ref, b_ref, n1_ref, n2_ref,
                   o_ref, nll_ref):
    s = p0_ref[...] + p1_ref[...]
    y = jnp.dot(s, w_ref[...], preferred_element_type=jnp.float32)
    o_ref[...] = y + b_ref[...]

    @pl.when(pl.program_id(0) == 0)
    def _():
        tot = jnp.sum(n1_ref[...]) + jnp.sum(n2_ref[...])
        nll_ref[...] = jnp.reshape(0.5 * tot / float(E * D) + LOG2PI, (1, 1))


def _tc_mid(parts, w, b):
    return pl.pallas_call(
        _tc_mid_body,
        grid=(_GRID,),
        in_specs=[
            pl.BlockSpec((_ROWS_BLK, D), lambda i: (i, 0)),
            pl.BlockSpec((_ROWS_BLK, D), lambda i: (i + _GRID, 0)),
            pl.BlockSpec((D, D), lambda i: (0, 0)),
            pl.BlockSpec((1, D), lambda i: (0, 0)),
        ],
        out_specs=pl.BlockSpec((_ROWS_BLK, D), lambda i: (i, 0)),
        out_shape=jax.ShapeDtypeStruct((N, D), jnp.float32),
    )(parts, parts, w, b)


def _tc_final(parts, w, b, n1, n2):
    return pl.pallas_call(
        _tc_final_body,
        grid=(_GRID,),
        in_specs=[
            pl.BlockSpec((_ROWS_BLK, D), lambda i: (i, 0)),
            pl.BlockSpec((_ROWS_BLK, D), lambda i: (i + _GRID, 0)),
            pl.BlockSpec((D, D), lambda i: (0, 0)),
            pl.BlockSpec((1, D), lambda i: (0, 0)),
            pl.BlockSpec((NW * L // D, D), lambda i: (0, 0)),
            pl.BlockSpec((NW * L // D, D), lambda i: (0, 0)),
        ],
        out_specs=[
            pl.BlockSpec((_ROWS_BLK, D), lambda i: (i, 0)),
            pl.BlockSpec((1, 1), lambda i: (0, 0)),
        ],
        out_shape=[
            jax.ShapeDtypeStruct((N, D), jnp.float32),
            jax.ShapeDtypeStruct((1, 1), jnp.float32),
        ],
    )(parts, parts, w, b, n1, n2)


def kernel(x, edge_index, W0, b0, W1, b1, a_mu, a_log_sigma,
           a_mu_first, a_log_sigma_first, eps_first, eps_rest):
    src1d = jnp.pad(edge_index[0], (0, (PCH - RCH) * CHUNK))
    dst2d = jnp.pad(edge_index[1].reshape(RCH, CHUNK),
                    ((0, PCH - RCH), (0, 0)), constant_values=N)
    sc_layer = _make_sc_layer()

    mu0 = a_mu_first.reshape(G, L)
    sig0 = a_log_sigma_first.reshape(G, L)
    part0, nllp0 = sc_layer(src1d, dst2d, x, eps_first, mu0, sig0)
    h = _tc_mid(part0, W0, b0.reshape(1, D))

    mu1 = a_mu[0].reshape(G, L)
    sig1 = a_log_sigma[0].reshape(G, L)
    eps1 = eps_rest.reshape(E, D)
    part1, nllp1 = sc_layer(src1d, dst2d, h, eps1, mu1, sig1)
    out, nll = _tc_final(part1, W1, b1.reshape(1, D),
                         nllp0.reshape(NW * L // D, D),
                         nllp1.reshape(NW * L // D, D))
    return (out, nll[0, 0])

# --- scband reference (transcript-rebuilt; emitter-appended) ---
"""Pipeline reference for scband-net-25383256720058 (READ-ONLY COPY).

The authoritative reference and input builder live on the scoring server;
editing this copy changes nothing except your own understanding.
"""

import jax, jax.numpy as jnp
import numpy as np

N = 10000
E = 160000
D_IN = 128
D_HID = 128
D_OUT = 128
DEPTH = 2
A_PRIOR_SIGMA = 1.0      # args.a_prior
A_MU_INIT_STD = 0.1      # args.a_mu_init_std
A_LOG_SIGMA_INIT = 0.1   # args.a_log_sigma_init (used directly as Normal scale, as in the torch code)


def setup_inputs(seed: int = 0) -> dict:
    key = jax.random.key(seed)
    ks = jax.random.split(key, 10)
    x = jax.random.normal(ks[0], (N, D_IN), dtype=jnp.float32)
    edge_index = jax.random.randint(ks[1], (2, E), 0, N, dtype=jnp.int32)
    # GraphConv layer weights (gn0 ... gn{depth-1})
    W0 = jax.random.normal(ks[2], (D_IN, D_HID), dtype=jnp.float32) * (1.0 / np.sqrt(D_IN))
    b0 = jnp.zeros((D_HID,), dtype=jnp.float32)
    W1 = jax.random.normal(ks[3], (D_HID, D_OUT), dtype=jnp.float32) * (1.0 / np.sqrt(D_HID))
    b1 = jnp.zeros((D_OUT,), dtype=jnp.float32)
    # Bayesian edge-weight variational parameters
    a_mu = 1.0 + A_MU_INIT_STD * jax.random.normal(ks[4], (DEPTH - 1, D_HID), dtype=jnp.float32)
    a_log_sigma = A_LOG_SIGMA_INIT * jnp.ones((DEPTH - 1, D_HID), dtype=jnp.float32)
    a_mu_first = 1.0 + A_MU_INIT_STD * jax.random.normal(ks[5], (D_IN,), dtype=jnp.float32)
    a_log_sigma_first = A_LOG_SIGMA_INIT * jnp.ones((D_IN,), dtype=jnp.float32)
    # reparameterization noise (rsample eps), fixed for determinism
    eps_first = jax.random.normal(ks[6], (E, D_IN), dtype=jnp.float32)
    eps_rest = jax.random.normal(ks[7], (E, DEPTH - 1, D_HID), dtype=jnp.float32)
    return {"x": x, "edge_index": edge_index, "W0": W0, "b0": b0, "W1": W1, "b1": b1,
            "a_mu": a_mu, "a_log_sigma": a_log_sigma, "a_mu_first": a_mu_first,
            "a_log_sigma_first": a_log_sigma_first, "eps_first": eps_first, "eps_rest": eps_rest}


def _prior_log_prob(v):
    # Normal(1.0, A_PRIOR_SIGMA).log_prob(v)
    return (-0.5 * ((v - 1.0) / A_PRIOR_SIGMA) ** 2
            - jnp.log(A_PRIOR_SIGMA) - 0.5 * jnp.log(2.0 * jnp.pi))


def _graph_conv(x, src, dst, a_edge, W, b, activation):
    # message = src feature elementwise-scaled by per-edge weight a; sum-aggregate by dst
    m = x[src] * a_edge
    h = jax.ops.segment_sum(m, dst, num_segments=N)
    h = h @ W + b
    if activation is not None:
        h = activation(h)
    return h


def reference(x, edge_index, W0, b0, W1, b1, a_mu, a_log_sigma,
              a_mu_first, a_log_sigma_first, eps_first, eps_rest):
    src = edge_index[0]
    dst = edge_index[1]
    # rsample: Normal(mu, sigma) with sigma = a_log_sigma param value (as in torch code)
    a_first = a_mu_first[None, :] + a_log_sigma_first[None, :] * eps_first          # [E, D_IN]
    a_rest = a_mu[None, :, :] + a_log_sigma[None, :, :] * eps_rest                  # [E, DEPTH-1, D_HID]
    nll_reg = -jnp.mean(_prior_log_prob(a_first)) - jnp.mean(_prior_log_prob(a_rest))
    # gn0 with edata['a'] = a_first, activation=relu
    h = _graph_conv(x, src, dst, a_first, W0, b0, jax.nn.relu)
    # gn1 (last layer) with edata['a'] = a_rest[:, 0, :], no activation
    h = _graph_conv(h, src, dst, a_rest[:, 0, :], W1, b1, None)
    return (h, nll_reg)

if __name__ == "__main__":
    import jax
    _d = setup_inputs()
    print(jax.jit(kernel)(*tuple(_d.values())))

</pallas_src>

<mosaic_0001>
#map = affine_map<(d0, d1) -> (0)>
#map1 = affine_map<(d0, d1) -> (0, 0)>
module attributes {stable_mosaic.version = 14 : i64} {
  func.func @_sc_layer_body(%arg0: i32, %arg1: i32, %arg2: memref<163840xi32, #tpu.memory_space<hbm>>, %arg3: memref<2560x64xi32, #tpu.memory_space<hbm>>, %arg4: memref<10000x128xf32, #tpu.memory_space<hbm>>, %arg5: memref<160000x128xf32, #tpu.memory_space<hbm>>, %arg6: memref<8x16xf32, #tpu.memory_space<hbm>>, %arg7: memref<8x16xf32, #tpu.memory_space<hbm>>, %arg8: memref<20000x128xf32, #tpu.memory_space<hbm>>, %arg9: memref<512xf32, #tpu.memory_space<hbm>>, %arg10: memref<5120xi32, #tpu.memory_space<vmem>>, %arg11: memref<80x64xi32, #tpu.memory_space<vmem>>, %arg12: memref<64x128xf32, #tpu.memory_space<vmem>>, %arg13: memref<64x128xf32, #tpu.memory_space<vmem>>, %arg14: memref<64x128xf32, #tpu.memory_space<vmem>>, %arg15: memref<64x128xf32, #tpu.memory_space<vmem>>, %arg16: memref<8x16xf32, #tpu.memory_space<vmem>>, %arg17: memref<8x16xf32, #tpu.memory_space<vmem>>, %arg18: memref<16xf32, #tpu.memory_space<vmem>>, %arg19: memref<10008x128xf32, #tpu.memory_space<vmem_shared>>, %arg20: memref<!tpu.dma_semaphore, #tpu.memory_space<semaphore_mem>>, %arg21: memref<!tpu.dma_semaphore, #tpu.memory_space<semaphore_mem>>, %arg22: memref<!tpu.dma_semaphore, #tpu.memory_space<semaphore_mem>>, %arg23: memref<!tpu.dma_semaphore, #tpu.memory_space<semaphore_mem>>, %arg24: memref<!tpu.dma_semaphore, #tpu.memory_space<semaphore_mem>>, %arg25: memref<!tpu.dma_semaphore, #tpu.memory_space<semaphore_mem>>) attributes {dimension_semantics = [#tpu.dimension_semantics<core_parallel>, #tpu.dimension_semantics<subcore_parallel>], iteration_bounds = array<i64: 2, 16>, scalar_prefetch = 0 : i64, scratch_operands = 16 : i64, tpu.core_type = #tpu.core_type<sc_vector_subcore>, window_params = [{transform_indices = #map}, {transform_indices = #map1}, {transform_indices = #map1}, {transform_indices = #map1}, {transform_indices = #map1}, {transform_indices = #map1}, {transform_indices = #map1}, {transform_indices = #map}]} {
    %mul3A = arith.constant 16 : i32
    %mul3A_0 = arith.muli %arg0, %mul3A : i32
    %add3A = arith.addi %mul3A_0, %arg1 : i32
    %mul3A_1 = arith.constant 80 : i32
    %mul3A_2 = arith.muli %add3A, %mul3A_1 : i32
    "tpu.region"() ({
      %run_scoped3A = tpu.sem_alloc : memref<!tpu.dma_semaphore, #tpu.memory_space<semaphore_mem>>
      tpu.enqueue_dma source(%arg6 : memref<8x16xf32, #tpu.memory_space<hbm>>) target(%arg16 : memref<8x16xf32, #tpu.memory_space<vmem>>) target_semaphore(%run_scoped3A : memref<!tpu.dma_semaphore, #tpu.memory_space<semaphore_mem>>)
      tpu.wait_dma2 semaphore(%run_scoped3A : memref<!tpu.dma_semaphore, #tpu.memory_space<semaphore_mem>>) src(%arg6 : memref<8x16xf32, #tpu.memory_space<hbm>>) dst(%arg16 : memref<8x16xf32, #tpu.memory_space<vmem>>)
      tpu.yield
    }) : () -> ()
    "tpu.region"() ({
      %run_scoped3A = tpu.sem_alloc : memref<!tpu.dma_semaphore, #tpu.memory_space<semaphore_mem>>
      tpu.enqueue_dma source(%arg7 : memref<8x16xf32, #tpu.memory_space<hbm>>) target(%arg17 : memref<8x16xf32, #tpu.memory_space<vmem>>) target_semaphore(%run_scoped3A : memref<!tpu.dma_semaphore, #tpu.memory_space<semaphore_mem>>)
      tpu.wait_dma2 semaphore(%run_scoped3A : memref<!tpu.dma_semaphore, #tpu.memory_space<semaphore_mem>>) src(%arg7 : memref<8x16xf32, #tpu.memory_space<hbm>>) dst(%arg17 : memref<8x16xf32, #tpu.memory_space<vmem>>)
      tpu.yield
    }) : () -> ()
    %get3A = arith.constant 0 : i32
    %get3A_3 = arith.index_cast %get3A : i32 to index
    %get3A_4 = arith.constant 0 : index
    %get3A_5 = tpu.vector_load %arg16[%get3A_3, %get3A_4] {strides = array<i32>} : memref<8x16xf32, #tpu.memory_space<vmem>>, vector<1x16xf32>,
    %get3A_6 = vector.shape_cast %get3A_5 : vector<1x16xf32> to vector<16xf32>
    %get3A_7 = arith.constant 1 : i32
    %get3A_8 = arith.index_cast %get3A_7 : i32 to index
    %get3A_9 = arith.constant 0 : index
    %get3A_10 = tpu.vector_load %arg16[%get3A_8, %get3A_9] {strides = array<i32>} : memref<8x16xf32, #tpu.memory_space<vmem>>, vector<1x16xf32>,
    %get3A_11 = vector.shape_cast %get3A_10 : vector<1x16xf32> to vector<16xf32>
    %get3A_12 = arith.constant 2 : i32
    %get3A_13 = arith.index_cast %get3A_12 : i32 to index
    %get3A_14 = arith.constant 0 : index
    %get3A_15 = tpu.vector_load %arg16[%get3A_13, %get3A_14] {strides = array<i32>} : memref<8x16xf32, #tpu.memory_space<vmem>>, vector<1x16xf32>,
    %get3A_16 = vector.shape_cast %get3A_15 : vector<1x16xf32> to vector<16xf32>
    %get3A_17 = arith.constant 3 : i32
    %get3A_18 = arith.index_cast %get3A_17 : i32 to index
    %get3A_19 = arith.constant 0 : index
    %get3A_20 = tpu.vector_load %arg16[%get3A_18, %get3A_19] {strides = array<i32>} : memref<8x16xf32, #tpu.memory_space<vmem>>, vector<1x16xf32>,
    %get3A_21 = vector.shape_cast %get3A_20 : vector<1x16xf32> to vector<16xf32>
    %get3A_22 = arith.constant 4 : i32
    %get3A_23 = arith.index_cast %get3A_22 : i32 to index
    %get3A_24 = arith.constant 0 : index
    %get3A_25 = tpu.vector_load %arg16[%get3A_23, %get3A_24] {strides = array<i32>} : memref<8x16xf32, #tpu.memory_space<vmem>>, vector<1x16xf32>,
    %get3A_26 = vector.shape_cast %get3A_25 : vector<1x16xf32> to vector<16xf32>
    %get3A_27 = arith.constant 5 : i32
    %get3A_28 = arith.index_cast %get3A_27 : i32 to index
    %get3A_29 = arith.constant 0 : index
    %get3A_30 = tpu.vector_load %arg16[%get3A_28, %get3A_29] {strides = array<i32>} : memref<8x16xf32, #tpu.memory_space<vmem>>, vector<1x16xf32>,
    %get3A_31 = vector.shape_cast %get3A_30 : vector<1x16xf32> to vector<16xf32>
    %get3A_32 = arith.constant 6 : i32
    %get3A_33 = arith.index_cast %get3A_32 : i32 to index
    %get3A_34 = arith.constant 0 : index
    %get3A_35 = tpu.vector_load %arg16[%get3A_33, %get3A_34] {strides = array<i32>} : memref<8x16xf32, #tpu.memory_space<vmem>>, vector<1x16xf32>,
    %get3A_36 = vector.shape_cast %get3A_35 : vector<1x16xf32> to vector<16xf32>
    %get3A_37 = arith.constant 7 : i32
    %get3A_38 = arith.index_cast %get3A_37 : i32 to index
    %get3A_39 = arith.constant 0 : index
    %get3A_40 = tpu.vector_load %arg16[%get3A_38, %get3A_39] {strides = array<i32>} : memref<8x16xf32, #tpu.memory_space<vmem>>, vector<1x16xf32>,
    %get3A_41 = vector.shape_cast %get3A_40 : vector<1x16xf32> to vector<16xf32>
    %get3A_42 = arith.constant 0 : i32
    %get3A_43 = arith.index_cast %get3A_42 : i32 to index
    %get3A_44 = arith.constant 0 : index
    %get3A_45 = tpu.vector_load %arg17[%get3A_43, %get3A_44] {strides = array<i32>} : memref<8x16xf32, #tpu.memory_space<vmem>>, vector<1x16xf32>,
    %get3A_46 = vector.shape_cast %get3A_45 : vector<1x16xf32> to vector<16xf32>
    %get3A_47 = arith.constant 1 : i32
    %get3A_48 = arith.index_cast %get3A_47 : i32 to index
    %get3A_49 = arith.constant 0 : index
    %get3A_50 = tpu.vector_load %arg17[%get3A_48, %get3A_49] {strides = array<i32>} : memref<8x16xf32, #tpu.memory_space<vmem>>, vector<1x16xf32>,
    %get3A_51 = vector.shape_cast %get3A_50 : vector<1x16xf32> to vector<16xf32>
    %get3A_52 = arith.constant 2 : i32
    %get3A_53 = arith.index_cast %get3A_52 : i32 to index
    %get3A_54 = arith.constant 0 : index
    %get3A_55 = tpu.vector_load %arg17[%get3A_53, %get3A_54] {strides = array<i32>} : memref<8x16xf32, #tpu.memory_space<vmem>>, vector<1x16xf32>,
    %get3A_56 = vector.shape_cast %get3A_55 : vector<1x16xf32> to vector<16xf32>
    %get3A_57 = arith.constant 3 : i32
    %get3A_58 = arith.index_cast %get3A_57 : i32 to index
    %get3A_59 = arith.constant 0 : index
    %get3A_60 = tpu.vector_load %arg17[%get3A_58, %get3A_59] {strides = array<i32>} : memref<8x16xf32, #tpu.memory_space<vmem>>, vector<1x16xf32>,
    %get3A_61 = vector.shape_cast %get3A_60 : vector<1x16xf32> to vector<16xf32>
    %get3A_62 = arith.constant 4 : i32
    %get3A_63 = arith.index_cast %get3A_62 : i32 to index
    %get3A_64 = arith.constant 0 : index
    %get3A_65 = tpu.vector_load %arg17[%get3A_63, %get3A_64] {strides = array<i32>} : memref<8x16xf32, #tpu.memory_space<vmem>>, vector<1x16xf32>,
    %get3A_66 = vector.shape_cast %get3A_65 : vector<1x16xf32> to vector<16xf32>
    %get3A_67 = arith.constant 5 : i32
    %get3A_68 = arith.index_cast %get3A_67 : i32 to index
    %get3A_69 = arith.constant 0 : index
    %get3A_70 = tpu.vector_load %arg17[%get3A_68, %get3A_69] {strides = array<i32>} : memref<8x16xf32, #tpu.memory_space<vmem>>, vector<1x16xf32>,
    %get3A_71 = vector.shape_cast %get3A_70 : vector<1x16xf32> to vector<16xf32>
    %get3A_72 = arith.constant 6 : i32
    %get3A_73 = arith.index_cast %get3A_72 : i32 to index
    %get3A_74 = arith.constant 0 : index
    %get3A_75 = tpu.vector_load %arg17[%get3A_73, %get3A_74] {strides = array<i32>} : memref<8x16xf32, #tpu.memory_space<vmem>>, vector<1x16xf32>,
    %get3A_76 = vector.shape_cast %get3A_75 : vector<1x16xf32> to vector<16xf32>
    %get3A_77 = arith.constant 7 : i32
    %get3A_78 = arith.index_cast %get3A_77 : i32 to index
    %get3A_79 = arith.constant 0 : index
    %get3A_80 = tpu.vector_load %arg17[%get3A_78, %get3A_79] {strides = array<i32>} : memref<8x16xf32, #tpu.memory_space<vmem>>, vector<1x16xf32>,
    %get3A_81 = vector.shape_cast %get3A_80 : vector<1x16xf32> to vector<16xf32>
    %scan3A = arith.constant 0 : i32
    %scan3A_82 = arith.constant 0 : i32
    %scan3A_83 = arith.constant 64 : i32
    %scan3A_84 = arith.addi %scan3A_82, %scan3A_83 : i32
    %scan3A_85 = arith.constant 1 : i32
    scf.for %scan3A_155 = %scan3A_82 to %scan3A_84 step %scan3A_85  : i32 {
      %broadcast_in_dim3A_156 = arith.constant 0.000000e+00 : f32
      %broadcast_in_dim3A_157 = vector.broadcast %broadcast_in_dim3A_156 : f32 to vector<16xf32>
      %swap3A_158 = arith.index_cast %scan3A_155 : i32 to index
      %swap3A_159 = arith.constant 0 : index
      %swap3A_160 = tpu.vector_load %arg12[%swap3A_158, %swap3A_159] {strides = array<i32>} : memref<64x128xf32, #tpu.memory_space<vmem>>, vector<1x16xf32>,
      %swap3A_161 = vector.shape_cast %swap3A_160 : vector<1x16xf32> to vector<16xf32>
      %swap3A_162 = vector.shape_cast %broadcast_in_dim3A_157 : vector<16xf32> to vector<1x16xf32>
      tpu.vector_store %arg12[%swap3A_158, %swap3A_159], %swap3A_162 {strides = array<i32>} : memref<64x128xf32, #tpu.memory_space<vmem>>, vector<1x16xf32>,
      %broadcast_in_dim3A_163 = arith.constant 0.000000e+00 : f32
      %broadcast_in_dim3A_164 = vector.broadcast %broadcast_in_dim3A_163 : f32 to vector<16xf32>
      %swap3A_165 = arith.index_cast %scan3A_155 : i32 to index
      %swap3A_166 = arith.constant 16 : index
      %swap3A_167 = tpu.vector_load %arg12[%swap3A_165, %swap3A_166] {strides = array<i32>} : memref<64x128xf32, #tpu.memory_space<vmem>>, vector<1x16xf32>,
      %swap3A_168 = vector.shape_cast %swap3A_167 : vector<1x16xf32> to vector<16xf32>
      %swap3A_169 = vector.shape_cast %broadcast_in_dim3A_164 : vector<16xf32> to vector<1x16xf32>
      tpu.vector_store %arg12[%swap3A_165, %swap3A_166], %swap3A_169 {strides = array<i32>} : memref<64x128xf32, #tpu.memory_space<vmem>>, vector<1x16xf32>,
      %broadcast_in_dim3A_170 = arith.constant 0.000000e+00 : f32
      %broadcast_in_dim3A_171 = vector.broadcast %broadcast_in_dim3A_170 : f32 to vector<16xf32>
      %swap3A_172 = arith.index_cast %scan3A_155 : i32 to index
      %swap3A_173 = arith.constant 32 : index
      %swap3A_174 = tpu.vector_load %arg12[%swap3A_172, %swap3A_173] {strides = array<i32>} : memref<64x128xf32, #tpu.memory_space<vmem>>, vector<1x16xf32>,
      %swap3A_175 = vector.shape_cast %swap3A_174 : vector<1x16xf32> to vector<16xf32>
      %swap3A_176 = vector.shape_cast %broadcast_in_dim3A_171 : vector<16xf32> to vector<1x16xf32>
      tpu.vector_store %arg12[%swap3A_172, %swap3A_173], %swap3A_176 {strides = array<i32>} : memref<64x128xf32, #tpu.memory_space<vmem>>, vector<1x16xf32>,
      %broadcast_in_dim3A_177 = arith.constant 0.000000e+00 : f32
      %broadcast_in_dim3A_178 = vector.broadcast %broadcast_in_dim3A_177 : f32 to vector<16xf32>
      %swap3A_179 = arith.index_cast %scan3A_155 : i32 to index
      %swap3A_180 = arith.constant 48 : index
      %swap3A_181 = tpu.vector_load %arg12[%swap3A_179, %swap3A_180] {strides = array<i32>} : memref<64x128xf32, #tpu.memory_space<vmem>>, vector<1x16xf32>,
      %swap3A_182 = vector.shape_cast %swap3A_181 : vector<1x16xf32> to vector<16xf32>
      %swap3A_183 = vector.shape_cast %broadcast_in_dim3A_178 : vector<16xf32> to vector<1x16xf32>
      tpu.vector_store %arg12[%swap3A_179, %swap3A_180], %swap3A_183 {strides = array<i32>} : memref<64x128xf32, #tpu.memory_space<vmem>>, vector<1x16xf32>,
      %broadcast_in_dim3A_184 = arith.constant 0.000000e+00 : f32
      %broadcast_in_dim3A_185 = vector.broadcast %broadcast_in_dim3A_184 : f32 to vector<16xf32>
      %swap3A_186 = arith.index_cast %scan3A_155 : i32 to index
      %swap3A_187 = arith.constant 64 : index
      %swap3A_188 = tpu.vector_load %arg12[%swap3A_186, %swap3A_187] {strides = array<i32>} : memref<64x128xf32, #tpu.memory_space<vmem>>, vector<1x16xf32>,
      %swap3A_189 = vector.shape_cast %swap3A_188 : vector<1x16xf32> to vector<16xf32>
      %swap3A_190 = vector.shape_cast %broadcast_in_dim3A_185 : vector<16xf32> to vector<1x16xf32>
      tpu.vector_store %arg12[%swap3A_186, %swap3A_187], %swap3A_190 {strides = array<i32>} : memref<64x128xf32, #tpu.memory_space<vmem>>, vector<1x16xf32>,
      %broadcast_in_dim3A_191 = arith.constant 0.000000e+00 : f32
      %broadcast_in_dim3A_192 = vector.broadcast %broadcast_in_dim3A_191 : f32 to vector<16xf32>
      %swap3A_193 = arith.index_cast %scan3A_155 : i32 to index
      %swap3A_194 = arith.constant 80 : index
      %swap3A_195 = tpu.vector_load %arg12[%swap3A_193, %swap3A_194] {strides = array<i32>} : memref<64x128xf32, #tpu.memory_space<vmem>>, vector<1x16xf32>,
      %swap3A_196 = vector.shape_cast %swap3A_195 : vector<1x16xf32> to vector<16xf32>
      %swap3A_197 = vector.shape_cast %broadcast_in_dim3A_192 : vector<16xf32> to vector<1x16xf32>
      tpu.vector_store %arg12[%swap3A_193, %swap3A_194], %swap3A_197 {strides = array<i32>} : memref<64x128xf32, #tpu.memory_space<vmem>>, vector<1x16xf32>,
      %broadcast_in_dim3A_198 = arith.constant 0.000000e+00 : f32
      %broadcast_in_dim3A_199 = vector.broadcast %broadcast_in_dim3A_198 : f32 to vector<16xf32>
      %swap3A_200 = arith.index_cast %scan3A_155 : i32 to index
      %swap3A_201 = arith.constant 96 : index
      %swap3A_202 = tpu.vector_load %arg12[%swap3A_200, %swap3A_201] {strides = array<i32>} : memref<64x128xf32, #tpu.memory_space<vmem>>, vector<1x16xf32>,
      %swap3A_203 = vector.shape_cast %swap3A_202 : vector<1x16xf32> to vector<16xf32>
      %swap3A_204 = vector.shape_cast %broadcast_in_dim3A_199 : vector<16xf32> to vector<1x16xf32>
      tpu.vector_store %arg12[%swap3A_200, %swap3A_201], %swap3A_204 {strides = array<i32>} : memref<64x128xf32, #tpu.memory_space<vmem>>, vector<1x16xf32>,
      %broadcast_in_dim3A_205 = arith.constant 0.000000e+00 : f32
      %broadcast_in_dim3A_206 = vector.broadcast %broadcast_in_dim3A_205 : f32 to vector<16xf32>
      %swap3A_207 = arith.index_cast %scan3A_155 : i32 to index
      %swap3A_208 = arith.constant 112 : index
      %swap3A_209 = tpu.vector_load %arg12[%swap3A_207, %swap3A_208] {strides = array<i32>} : memref<64x128xf32, #tpu.memory_space<vmem>>, vector<1x16xf32>,
      %swap3A_210 = vector.shape_cast %swap3A_209 : vector<1x16xf32> to vector<16xf32>
      %swap3A_211 = vector.shape_cast %broadcast_in_dim3A_206 : vector<16xf32> to vector<1x16xf32>
      tpu.vector_store %arg12[%swap3A_207, %swap3A_208], %swap3A_211 {strides = array<i32>} : memref<64x128xf32, #tpu.memory_space<vmem>>, vector<1x16xf32>,
    }
    %scan3A_86 = arith.constant 64 : i32
    %mul3A_87 = arith.constant 624 : i32
    %mul3A_88 = arith.muli %arg1, %mul3A_87 : i32
    %add3A_89 = arith.constant 0 : i32
    %add3A_90 = arith.addi %mul3A_88, %add3A_89 : i32
    "tpu.region"() ({
      %run_scoped3A = tpu.sem_alloc : memref<!tpu.dma_semaphore, #tpu.memory_space<semaphore_mem>>
      %dma_start3A_155 = arith.constant 0 : i32
      %dma_start3A_156 = tpu.memref_slice %arg19[%add3A_90, %dma_start3A_155] : memref<10008x128xf32, #tpu.memory_space<vmem_shared>> -> memref<64x128xf32, #tpu.memory_space<vmem_shared>>
      %dma_start3A_157 = arith.constant 0 : i32
      %dma_start3A_158 = tpu.memref_slice %arg19[%add3A_90, %dma_start3A_157] : memref<10008x128xf32, #tpu.memory_space<vmem_shared>> -> memref<64x128xf32, #tpu.memory_space<vmem_shared>>
      tpu.enqueue_dma source(%arg12 : memref<64x128xf32, #tpu.memory_space<vmem>>) target(%dma_start3A_158 : memref<64x128xf32, #tpu.memory_space<vmem_shared>>) target_semaphore(%run_scoped3A : memref<!tpu.dma_semaphore, #tpu.memory_space<semaphore_mem>>)
      %dma_wait3A_159 = arith.constant 0 : i32
      %dma_wait3A_160 = tpu.memref_slice %arg19[%add3A_90, %dma_wait3A_159] : memref<10008x128xf32, #tpu.memory_space<vmem_shared>> -> memref<64x128xf32, #tpu.memory_space<vmem_shared>>
      %dma_wait3A_161 = arith.constant 0 : i32
      %dma_wait3A_162 = tpu.memref_slice %arg19[%add3A_90, %dma_wait3A_161] : memref<10008x128xf32, #tpu.memory_space<vmem_shared>> -> memref<64x128xf32, #tpu.memory_space<vmem_shared>>
      tpu.wait_dma2 semaphore(%run_scoped3A : memref<!tpu.dma_semaphore, #tpu.memory_space<semaphore_mem>>) src(%arg12 : memref<64x128xf32, #tpu.memory_space<vmem>>) dst(%dma_wait3A_162 : memref<64x128xf32, #tpu.memory_space<vmem_shared>>)
      tpu.yield
    }) : () -> ()
    %add3A_91 = arith.constant 64 : i32
    %add3A_92 = arith.addi %mul3A_88, %add3A_91 : i32
    "tpu.region"() ({
      %run_scoped3A = tpu.sem_alloc : memref<!tpu.dma_semaphore, #tpu.memory_space<semaphore_mem>>
      %dma_start3A_155 = arith.constant 0 : i32
      %dma_start3A_156 = tpu.memref_slice %arg19[%add3A_92, %dma_start3A_155] : memref<10008x128xf32, #tpu.memory_space<vmem_shared>> -> memref<64x128xf32, #tpu.memory_space<vmem_shared>>
      %dma_start3A_157 = arith.constant 0 : i32
      %dma_start3A_158 = tpu.memref_slice %arg19[%add3A_92, %dma_start3A_157] : memref<10008x128xf32, #tpu.memory_space<vmem_shared>> -> memref<64x128xf32, #tpu.memory_space<vmem_shared>>
      tpu.enqueue_dma source(%arg12 : memref<64x128xf32, #tpu.memory_space<vmem>>) target(%dma_start3A_158 : memref<64x128xf32, #tpu.memory_space<vmem_shared>>) target_semaphore(%run_scoped3A : memref<!tpu.dma_semaphore, #tpu.memory_space<semaphore_mem>>)
      %dma_wait3A_159 = arith.constant 0 : i32
      %dma_wait3A_160 = tpu.memref_slice %arg19[%add3A_92, %dma_wait3A_159] : memref<10008x128xf32, #tpu.memory_space<vmem_shared>> -> memref<64x128xf32, #tpu.memory_space<vmem_shared>>
      %dma_wait3A_161 = arith.constant 0 : i32
      %dma_wait3A_162 = tpu.memref_slice %arg19[%add3A_92, %dma_wait3A_161] : memref<10008x128xf32, #tpu.memory_space<vmem_shared>> -> memref<64x128xf32, #tpu.memory_space<vmem_shared>>
      tpu.wait_dma2 semaphore(%run_scoped3A : memref<!tpu.dma_semaphore, #tpu.memory_space<semaphore_mem>>) src(%arg12 : memref<64x128xf32, #tpu.memory_space<vmem>>) dst(%dma_wait3A_162 : memref<64x128xf32, #tpu.memory_space<vmem_shared>>)
      tpu.yield
    }) : () -> ()
    %add3A_93 = arith.constant 128 : i32
    %add3A_94 = arith.addi %mul3A_88, %add3A_93 : i32
    "tpu.region"() ({
      %run_scoped3A = tpu.sem_alloc : memref<!tpu.dma_semaphore, #tpu.memory_space<semaphore_mem>>
      %dma_start3A_155 = arith.constant 0 : i32
      %dma_start3A_156 = tpu.memref_slice %arg19[%add3A_94, %dma_start3A_155] : memref<10008x128xf32, #tpu.memory_space<vmem_shared>> -> memref<64x128xf32, #tpu.memory_space<vmem_shared>>
      %dma_start3A_157 = arith.constant 0 : i32
      %dma_start3A_158 = tpu.memref_slice %arg19[%add3A_94, %dma_start3A_157] : memref<10008x128xf32, #tpu.memory_space<vmem_shared>> -> memref<64x128xf32, #tpu.memory_space<vmem_shared>>
      tpu.enqueue_dma source(%arg12 : memref<64x128xf32, #tpu.memory_space<vmem>>) target(%dma_start3A_158 : memref<64x128xf32, #tpu.memory_space<vmem_shared>>) target_semaphore(%run_scoped3A : memref<!tpu.dma_semaphore, #tpu.memory_space<semaphore_mem>>)
      %dma_wait3A_159 = arith.constant 0 : i32
      %dma_wait3A_160 = tpu.memref_slice %arg19[%add3A_94, %dma_wait3A_159] : memref<10008x128xf32, #tpu.memory_space<vmem_shared>> -> memref<64x128xf32, #tpu.memory_space<vmem_shared>>
      %dma_wait3A_161 = arith.constant 0 : i32
      %dma_wait3A_162 = tpu.memref_slice %arg19[%add3A_94, %dma_wait3A_161] : memref<10008x128xf32, #tpu.memory_space<vmem_shared>> -> memref<64x128xf32, #tpu.memory_space<vmem_shared>>
      tpu.wait_dma2 semaphore(%run_scoped3A : memref<!tpu.dma_semaphore, #tpu.memory_space<semaphore_mem>>) src(%arg12 : memref<64x128xf32, #tpu.memory_space<vmem>>) dst(%dma_wait3A_162 : memref<64x128xf32, #tpu.memory_space<vmem_shared>>)
      tpu.yield
    }) : () -> ()
    %add3A_95 = arith.constant 192 : i32
    %add3A_96 = arith.addi %mul3A_88, %add3A_95 : i32
    "tpu.region"() ({
      %run_scoped3A = tpu.sem_alloc : memref<!tpu.dma_semaphore, #tpu.memory_space<semaphore_mem>>
      %dma_start3A_155 = arith.constant 0 : i32
      %dma_start3A_156 = tpu.memref_slice %arg19[%add3A_96, %dma_start3A_155] : memref<10008x128xf32, #tpu.memory_space<vmem_shared>> -> memref<64x128xf32, #tpu.memory_space<vmem_shared>>
      %dma_start3A_157 = arith.constant 0 : i32
      %dma_start3A_158 = tpu.memref_slice %arg19[%add3A_96, %dma_start3A_157] : memref<10008x128xf32, #tpu.memory_space<vmem_shared>> -> memref<64x128xf32, #tpu.memory_space<vmem_shared>>
      tpu.enqueue_dma source(%arg12 : memref<64x128xf32, #tpu.memory_space<vmem>>) target(%dma_start3A_158 : memref<64x128xf32, #tpu.memory_space<vmem_shared>>) target_semaphore(%run_scoped3A : memref<!tpu.dma_semaphore, #tpu.memory_space<semaphore_mem>>)
      %dma_wait3A_159 = arith.constant 0 : i32
      %dma_wait3A_160 = tpu.memref_slice %arg19[%add3A_96, %dma_wait3A_159] : memref<10008x128xf32, #tpu.memory_space<vmem_shared>> -> memref<64x128xf32, #tpu.memory_space<vmem_shared>>
      %dma_wait3A_161 = arith.constant 0 : i32
      %dma_wait3A_162 = tpu.memref_slice %arg19[%add3A_96, %dma_wait3A_161] : memref<10008x128xf32, #tpu.memory_space<vmem_shared>> -> memref<64x128xf32, #tpu.memory_space<vmem_shared>>
      tpu.wait_dma2 semaphore(%run_scoped3A : memref<!tpu.dma_semaphore, #tpu.memory_space<semaphore_mem>>) src(%arg12 : memref<64x128xf32, #tpu.memory_space<vmem>>) dst(%dma_wait3A_162 : memref<64x128xf32, #tpu.memory_space<vmem_shared>>)
      tpu.yield
    }) : () -> ()
    %add3A_97 = arith.constant 256 : i32
    %add3A_98 = arith.addi %mul3A_88, %add3A_97 : i32
    "tpu.region"() ({
      %run_scoped3A = tpu.sem_alloc : memref<!tpu.dma_semaphore, #tpu.memory_space<semaphore_mem>>
      %dma_start3A_155 = arith.constant 0 : i32
      %dma_start3A_156 = tpu.memref_slice %arg19[%add3A_98, %dma_start3A_155] : memref<10008x128xf32, #tpu.memory_space<vmem_shared>> -> memref<64x128xf32, #tpu.memory_space<vmem_shared>>
      %dma_start3A_157 = arith.constant 0 : i32
      %dma_start3A_158 = tpu.memref_slice %arg19[%add3A_98, %dma_start3A_157] : memref<10008x128xf32, #tpu.memory_space<vmem_shared>> -> memref<64x128xf32, #tpu.memory_space<vmem_shared>>
      tpu.enqueue_dma source(%arg12 : memref<64x128xf32, #tpu.memory_space<vmem>>) target(%dma_start3A_158 : memref<64x128xf32, #tpu.memory_space<vmem_shared>>) target_semaphore(%run_scoped3A : memref<!tpu.dma_semaphore, #tpu.memory_space<semaphore_mem>>)
      %dma_wait3A_159 = arith.constant 0 : i32
      %dma_wait3A_160 = tpu.memref_slice %arg19[%add3A_98, %dma_wait3A_159] : memref<10008x128xf32, #tpu.memory_space<vmem_shared>> -> memref<64x128xf32, #tpu.memory_space<vmem_shared>>
      %dma_wait3A_161 = arith.constant 0 : i32
      %dma_wait3A_162 = tpu.memref_slice %arg19[%add3A_98, %dma_wait3A_161] : memref<10008x128xf32, #tpu.memory_space<vmem_shared>> -> memref<64x128xf32, #tpu.memory_space<vmem_shared>>
      tpu.wait_dma2 semaphore(%run_scoped3A : memref<!tpu.dma_semaphore, #tpu.memory_space<semaphore_mem>>) src(%arg12 : memref<64x128xf32, #tpu.memory_space<vmem>>) dst(%dma_wait3A_162 : memref<64x128xf32, #tpu.memory_space<vmem_shared>>)
      tpu.yield
    }) : () -> ()
    %add3A_99 = arith.constant 320 : i32
    %add3A_100 = arith.addi %mul3A_88, %add3A_99 : i32
    "tpu.region"() ({
      %run_scoped3A = tpu.sem_alloc : memref<!tpu.dma_semaphore, #tpu.memory_space<semaphore_mem>>
      %dma_start3A_155 = arith.constant 0 : i32
      %dma_start3A_156 = tpu.memref_slice %arg19[%add3A_100, %dma_start3A_155] : memref<10008x128xf32, #tpu.memory_space<vmem_shared>> -> memref<64x128xf32, #tpu.memory_space<vmem_shared>>
      %dma_start3A_157 = arith.constant 0 : i32
      %dma_start3A_158 = tpu.memref_slice %arg19[%add3A_100, %dma_start3A_157] : memref<10008x128xf32, #tpu.memory_space<vmem_shared>> -> memref<64x128xf32, #tpu.memory_space<vmem_shared>>
      tpu.enqueue_dma source(%arg12 : memref<64x128xf32, #tpu.memory_space<vmem>>) target(%dma_start3A_158 : memref<64x128xf32, #tpu.memory_space<vmem_shared>>) target_semaphore(%run_scoped3A : memref<!tpu.dma_semaphore, #tpu.memory_space<semaphore_mem>>)
      %dma_wait3A_159 = arith.constant 0 : i32
      %dma_wait3A_160 = tpu.memref_slice %arg19[%add3A_100, %dma_wait3A_159] : memref<10008x128xf32, #tpu.memory_space<vmem_shared>> -> memref<64x128xf32, #tpu.memory_space<vmem_shared>>
      %dma_wait3A_161 = arith.constant 0 : i32
      %dma_wait3A_162 = tpu.memref_slice %arg19[%add3A_100, %dma_wait3A_161] : memref<10008x128xf32, #tpu.memory_space<vmem_shared>> -> memref<64x128xf32, #tpu.memory_space<vmem_shared>>
      tpu.wait_dma2 semaphore(%run_scoped3A : memref<!tpu.dma_semaphore, #tpu.memory_space<semaphore_mem>>) src(%arg12 : memref<64x128xf32, #tpu.memory_space<vmem>>) dst(%dma_wait3A_162 : memref<64x128xf32, #tpu.memory_space<vmem_shared>>)
      tpu.yield
    }) : () -> ()
    %add3A_101 = arith.constant 384 : i32
    %add3A_102 = arith.addi %mul3A_88, %add3A_101 : i32
    "tpu.region"() ({
      %run_scoped3A = tpu.sem_alloc : memref<!tpu.dma_semaphore, #tpu.memory_space<semaphore_mem>>
      %dma_start3A_155 = arith.constant 0 : i32
      %dma_start3A_156 = tpu.memref_slice %arg19[%add3A_102, %dma_start3A_155] : memref<10008x128xf32, #tpu.memory_space<vmem_shared>> -> memref<64x128xf32, #tpu.memory_space<vmem_shared>>
      %dma_start3A_157 = arith.constant 0 : i32
      %dma_start3A_158 = tpu.memref_slice %arg19[%add3A_102, %dma_start3A_157] : memref<10008x128xf32, #tpu.memory_space<vmem_shared>> -> memref<64x128xf32, #tpu.memory_space<vmem_shared>>
      tpu.enqueue_dma source(%arg12 : memref<64x128xf32, #tpu.memory_space<vmem>>) target(%dma_start3A_158 : memref<64x128xf32, #tpu.memory_space<vmem_shared>>) target_semaphore(%run_scoped3A : memref<!tpu.dma_semaphore, #tpu.memory_space<semaphore_mem>>)
      %dma_wait3A_159 = arith.constant 0 : i32
      %dma_wait3A_160 = tpu.memref_slice %arg19[%add3A_102, %dma_wait3A_159] : memref<10008x128xf32, #tpu.memory_space<vmem_shared>> -> memref<64x128xf32, #tpu.memory_space<vmem_shared>>
      %dma_wait3A_161 = arith.constant 0 : i32
      %dma_wait3A_162 = tpu.memref_slice %arg19[%add3A_102, %dma_wait3A_161] : memref<10008x128xf32, #tpu.memory_space<vmem_shared>> -> memref<64x128xf32, #tpu.memory_space<vmem_shared>>
      tpu.wait_dma2 semaphore(%run_scoped3A : memref<!tpu.dma_semaphore, #tpu.memory_space<semaphore_mem>>) src(%arg12 : memref<64x128xf32, #tpu.memory_space<vmem>>) dst(%dma_wait3A_162 : memref<64x128xf32, #tpu.memory_space<vmem_shared>>)
      tpu.yield
    }) : () -> ()
    %add3A_103 = arith.constant 448 : i32
    %add3A_104 = arith.addi %mul3A_88, %add3A_103 : i32
    "tpu.region"() ({
      %run_scoped3A = tpu.sem_alloc : memref<!tpu.dma_semaphore, #tpu.memory_space<semaphore_mem>>
      %dma_start3A_155 = arith.constant 0 : i32
      %dma_start3A_156 = tpu.memref_slice %arg19[%add3A_104, %dma_start3A_155] : memref<10008x128xf32, #tpu.memory_space<vmem_shared>> -> memref<64x128xf32, #tpu.memory_space<vmem_shared>>
      %dma_start3A_157 = arith.constant 0 : i32
      %dma_start3A_158 = tpu.memref_slice %arg19[%add3A_104, %dma_start3A_157] : memref<10008x128xf32, #tpu.memory_space<vmem_shared>> -> memref<64x128xf32, #tpu.memory_space<vmem_shared>>
      tpu.enqueue_dma source(%arg12 : memref<64x128xf32, #tpu.memory_space<vmem>>) target(%dma_start3A_158 : memref<64x128xf32, #tpu.memory_space<vmem_shared>>) target_semaphore(%run_scoped3A : memref<!tpu.dma_semaphore, #tpu.memory_space<semaphore_mem>>)
      %dma_wait3A_159 = arith.constant 0 : i32
      %dma_wait3A_160 = tpu.memref_slice %arg19[%add3A_104, %dma_wait3A_159] : memref<10008x128xf32, #tpu.memory_space<vmem_shared>> -> memref<64x128xf32, #tpu.memory_space<vmem_shared>>
      %dma_wait3A_161 = arith.constant 0 : i32
      %dma_wait3A_162 = tpu.memref_slice %arg19[%add3A_104, %dma_wait3A_161] : memref<10008x128xf32, #tpu.memory_space<vmem_shared>> -> memref<64x128xf32, #tpu.memory_space<vmem_shared>>
      tpu.wait_dma2 semaphore(%run_scoped3A : memref<!tpu.dma_semaphore, #tpu.memory_space<semaphore_mem>>) src(%arg12 : memref<64x128xf32, #tpu.memory_space<vmem>>) dst(%dma_wait3A_162 : memref<64x128xf32, #tpu.memory_space<vmem_shared>>)
      tpu.yield
    }) : () -> ()
    %add3A_105 = arith.constant 512 : i32
    %add3A_106 = arith.addi %mul3A_88, %add3A_105 : i32
    "tpu.region"() ({
      %run_scoped3A = tpu.sem_alloc : memref<!tpu.dma_semaphore, #tpu.memory_space<semaphore_mem>>
      %dma_start3A_155 = arith.constant 0 : i32
      %dma_start3A_156 = tpu.memref_slice %arg19[%add3A_106, %dma_start3A_155] : memref<10008x128xf32, #tpu.memory_space<vmem_shared>> -> memref<64x128xf32, #tpu.memory_space<vmem_shared>>
      %dma_start3A_157 = arith.constant 0 : i32
      %dma_start3A_158 = tpu.memref_slice %arg19[%add3A_106, %dma_start3A_157] : memref<10008x128xf32, #tpu.memory_space<vmem_shared>> -> memref<64x128xf32, #tpu.memory_space<vmem_shared>>
      tpu.enqueue_dma source(%arg12 : memref<64x128xf32, #tpu.memory_space<vmem>>) target(%dma_start3A_158 : memref<64x128xf32, #tpu.memory_space<vmem_shared>>) target_semaphore(%run_scoped3A : memref<!tpu.dma_semaphore, #tpu.memory_space<semaphore_mem>>)
      %dma_wait3A_159 = arith.constant 0 : i32
      %dma_wait3A_160 = tpu.memref_slice %arg19[%add3A_106, %dma_wait3A_159] : memref<10008x128xf32, #tpu.memory_space<vmem_shared>> -> memref<64x128xf32, #tpu.memory_space<vmem_shared>>
      %dma_wait3A_161 = arith.constant 0 : i32
      %dma_wait3A_162 = tpu.memref_slice %arg19[%add3A_106, %dma_wait3A_161] : memref<10008x128xf32, #tpu.memory_space<vmem_shared>> -> memref<64x128xf32, #tpu.memory_space<vmem_shared>>
      tpu.wait_dma2 semaphore(%run_scoped3A : memref<!tpu.dma_semaphore, #tpu.memory_space<semaphore_mem>>) src(%arg12 : memref<64x128xf32, #tpu.memory_space<vmem>>) dst(%dma_wait3A_162 : memref<64x128xf32, #tpu.memory_space<vmem_shared>>)
      tpu.yield
    }) : () -> ()
    %add3A_107 = arith.constant 576 : i32
    %add3A_108 = arith.addi %mul3A_88, %add3A_107 : i32
    "tpu.region"() ({
      %run_scoped3A = tpu.sem_alloc : memref<!tpu.dma_semaphore, #tpu.memory_space<semaphore_mem>>
      %dma_start3A_155 = arith.constant 0 : i32
      %dma_start3A_156 = arith.constant 0 : i32
      %dma_start3A_157 = tpu.memref_slice %arg12[%dma_start3A_155, %dma_start3A_156] : memref<64x128xf32, #tpu.memory_space<vmem>> -> memref<48x128xf32, #tpu.memory_space<vmem>>
      %dma_start3A_158 = arith.constant 0 : i32
      %dma_start3A_159 = tpu.memref_slice %arg19[%add3A_108, %dma_start3A_158] : memref<10008x128xf32, #tpu.memory_space<vmem_shared>> -> memref<48x128xf32, #tpu.memory_space<vmem_shared>>
      %dma_start3A_160 = arith.constant 0 : i32
      %dma_start3A_161 = tpu.memref_slice %arg19[%add3A_108, %dma_start3A_160] : memref<10008x128xf32, #tpu.memory_space<vmem_shared>> -> memref<48x128xf32, #tpu.memory_space<vmem_shared>>
      %dma_start3A_162 = arith.constant 0 : i32
      %dma_start3A_163 = arith.constant 0 : i32
      %dma_start3A_164 = tpu.memref_slice %arg12[%dma_start3A_162, %dma_start3A_163] : memref<64x128xf32, #tpu.memory_space<vmem>> -> memref<48x128xf32, #tpu.memory_space<vmem>>
      tpu.enqueue_dma source(%dma_start3A_164 : memref<48x128xf32, #tpu.memory_space<vmem>>) target(%dma_start3A_161 : memref<48x128xf32, #tpu.memory_space<vmem_shared>>) target_semaphore(%run_scoped3A : memref<!tpu.dma_semaphore, #tpu.memory_space<semaphore_mem>>)
      %dma_wait3A_165 = arith.constant 0 : i32
      %dma_wait3A_166 = arith.constant 0 : i32
      %dma_wait3A_167 = tpu.memref_slice %arg12[%dma_wait3A_165, %dma_wait3A_166] : memref<64x128xf32, #tpu.memory_space<vmem>> -> memref<48x128xf32, #tpu.memory_space<vmem>>
      %dma_wait3A_168 = arith.constant 0 : i32
      %dma_wait3A_169 = tpu.memref_slice %arg19[%add3A_108, %dma_wait3A_168] : memref<10008x128xf32, #tpu.memory_space<vmem_shared>> -> memref<48x128xf32, #tpu.memory_space<vmem_shared>>
      %dma_wait3A_170 = arith.constant 0 : i32
      %dma_wait3A_171 = tpu.memref_slice %arg19[%add3A_108, %dma_wait3A_170] : memref<10008x128xf32, #tpu.memory_space<vmem_shared>> -> memref<48x128xf32, #tpu.memory_space<vmem_shared>>
      %dma_wait3A_172 = arith.constant 0 : i32
      %dma_wait3A_173 = arith.constant 0 : i32
      %dma_wait3A_174 = tpu.memref_slice %arg12[%dma_wait3A_172, %dma_wait3A_173] : memref<64x128xf32, #tpu.memory_space<vmem>> -> memref<48x128xf32, #tpu.memory_space<vmem>>
      tpu.wait_dma2 semaphore(%run_scoped3A : memref<!tpu.dma_semaphore, #tpu.memory_space<semaphore_mem>>) src(%dma_wait3A_174 : memref<48x128xf32, #tpu.memory_space<vmem>>) dst(%dma_wait3A_171 : memref<48x128xf32, #tpu.memory_space<vmem_shared>>)
      tpu.yield
    }) : () -> ()
    %eq3A = arith.constant 15 : i32
    %eq3A_109 = arith.cmpi eq, %arg1, %eq3A : i32
    %convert_element_type3A = arith.extui %eq3A_109 : i1 to i32
    %cond3A = arith.constant 0 : i32
    %cond3A_110 = arith.cmpi ne, %convert_element_type3A, %cond3A : i32
    scf.if %cond3A_110 {
      "tpu.region"() ({
        %run_scoped3A = tpu.sem_alloc : memref<!tpu.dma_semaphore, #tpu.memory_space<semaphore_mem>>
        %dma_start3A_155 = arith.constant 0 : i32
        %dma_start3A_156 = arith.constant 0 : i32
        %dma_start3A_157 = tpu.memref_slice %arg12[%dma_start3A_155, %dma_start3A_156] : memref<64x128xf32, #tpu.memory_space<vmem>> -> memref<24x128xf32, #tpu.memory_space<vmem>>
        %dma_start3A_158 = arith.constant 9984 : i32
        %dma_start3A_159 = arith.constant 0 : i32
        %dma_start3A_160 = tpu.memref_slice %arg19[%dma_start3A_158, %dma_start3A_159] : memref<10008x128xf32, #tpu.memory_space<vmem_shared>> -> memref<24x128xf32, #tpu.memory_space<vmem_shared>>
        %dma_start3A_161 = arith.constant 9984 : i32
        %dma_start3A_162 = arith.constant 0 : i32
        %dma_start3A_163 = tpu.memref_slice %arg19[%dma_start3A_161, %dma_start3A_162] : memref<10008x128xf32, #tpu.memory_space<vmem_shared>> -> memref<24x128xf32, #tpu.memory_space<vmem_shared>>
        %dma_start3A_164 = arith.constant 0 : i32
        %dma_start3A_165 = arith.constant 0 : i32
        %dma_start3A_166 = tpu.memref_slice %arg12[%dma_start3A_164, %dma_start3A_165] : memref<64x128xf32, #tpu.memory_space<vmem>> -> memref<24x128xf32, #tpu.memory_space<vmem>>
        tpu.enqueue_dma source(%dma_start3A_166 : memref<24x128xf32, #tpu.memory_space<vmem>>) target(%dma_start3A_163 : memref<24x128xf32, #tpu.memory_space<vmem_shared>>) target_semaphore(%run_scoped3A : memref<!tpu.dma_semaphore, #tpu.memory_space<semaphore_mem>>)
        %dma_wait3A_167 = arith.constant 0 : i32
        %dma_wait3A_168 = arith.constant 0 : i32
        %dma_wait3A_169 = tpu.memref_slice %arg12[%dma_wait3A_167, %dma_wait3A_168] : memref<64x128xf32, #tpu.memory_space<vmem>> -> memref<24x128xf32, #tpu.memory_space<vmem>>
        %dma_wait3A_170 = arith.constant 9984 : i32
        %dma_wait3A_171 = arith.constant 0 : i32
        %dma_wait3A_172 = tpu.memref_slice %arg19[%dma_wait3A_170, %dma_wait3A_171] : memref<10008x128xf32, #tpu.memory_space<vmem_shared>> -> memref<24x128xf32, #tpu.memory_space<vmem_shared>>
        %dma_wait3A_173 = arith.constant 9984 : i32
        %dma_wait3A_174 = arith.constant 0 : i32
        %dma_wait3A_175 = tpu.memref_slice %arg19[%dma_wait3A_173, %dma_wait3A_174] : memref<10008x128xf32, #tpu.memory_space<vmem_shared>> -> memref<24x128xf32, #tpu.memory_space<vmem_shared>>
        %dma_wait3A_176 = arith.constant 0 : i32
        %dma_wait3A_177 = arith.constant 0 : i32
        %dma_wait3A_178 = tpu.memref_slice %arg12[%dma_wait3A_176, %dma_wait3A_177] : memref<64x128xf32, #tpu.memory_space<vmem>> -> memref<24x128xf32, #tpu.memory_space<vmem>>
        tpu.wait_dma2 semaphore(%run_scoped3A : memref<!tpu.dma_semaphore, #tpu.memory_space<semaphore_mem>>) src(%dma_wait3A_178 : memref<24x128xf32, #tpu.memory_space<vmem>>) dst(%dma_wait3A_175 : memref<24x128xf32, #tpu.memory_space<vmem_shared>>)
        tpu.yield
      }) : () -> ()
    } else {
    }
    %mul3A_111 = arith.constant 64 : i32
    %mul3A_112 = arith.muli %mul3A_2, %mul3A_111 : i32
    "tpu.region"() ({
      %run_scoped3A = tpu.sem_alloc : memref<!tpu.dma_semaphore, #tpu.memory_space<semaphore_mem>>
      %dma_start3A_155 = tpu.memref_slice %arg2[%mul3A_112] : memref<163840xi32, #tpu.memory_space<hbm>> -> memref<5120xi32, #tpu.memory_space<hbm>>
      %dma_start3A_156 = tpu.memref_slice %arg2[%mul3A_112] : memref<163840xi32, #tpu.memory_space<hbm>> -> memref<5120xi32, #tpu.memory_space<hbm>>
      tpu.enqueue_dma source(%dma_start3A_156 : memref<5120xi32, #tpu.memory_space<hbm>>) target(%arg10 : memref<5120xi32, #tpu.memory_space<vmem>>) target_semaphore(%run_scoped3A : memref<!tpu.dma_semaphore, #tpu.memory_space<semaphore_mem>>)
      %dma_wait3A_157 = tpu.memref_slice %arg2[%mul3A_112] : memref<163840xi32, #tpu.memory_space<hbm>> -> memref<5120xi32, #tpu.memory_space<hbm>>
      %dma_wait3A_158 = tpu.memref_slice %arg2[%mul3A_112] : memref<163840xi32, #tpu.memory_space<hbm>> -> memref<5120xi32, #tpu.memory_space<hbm>>
      tpu.wait_dma2 semaphore(%run_scoped3A : memref<!tpu.dma_semaphore, #tpu.memory_space<semaphore_mem>>) src(%dma_wait3A_158 : memref<5120xi32, #tpu.memory_space<hbm>>) dst(%arg10 : memref<5120xi32, #tpu.memory_space<vmem>>)
      tpu.yield
    }) : () -> ()
    "tpu.region"() ({
      %run_scoped3A = tpu.sem_alloc : memref<!tpu.dma_semaphore, #tpu.memory_space<semaphore_mem>>
      %dma_start3A_155 = arith.constant 0 : i32
      %dma_start3A_156 = tpu.memref_slice %arg3[%mul3A_2, %dma_start3A_155] : memref<2560x64xi32, #tpu.memory_space<hbm>> -> memref<80x64xi32, #tpu.memory_space<hbm>>
      %dma_start3A_157 = arith.constant 0 : i32
      %dma_start3A_158 = tpu.memref_slice %arg3[%mul3A_2, %dma_start3A_157] : memref<2560x64xi32, #tpu.memory_space<hbm>> -> memref<80x64xi32, #tpu.memory_space<hbm>>
      tpu.enqueue_dma source(%dma_start3A_158 : memref<80x64xi32, #tpu.memory_space<hbm>>) target(%arg11 : memref<80x64xi32, #tpu.memory_space<vmem>>) target_semaphore(%run_scoped3A : memref<!tpu.dma_semaphore, #tpu.memory_space<semaphore_mem>>)
      %dma_wait3A_159 = arith.constant 0 : i32
      %dma_wait3A_160 = tpu.memref_slice %arg3[%mul3A_2, %dma_wait3A_159] : memref<2560x64xi32, #tpu.memory_space<hbm>> -> memref<80x64xi32, #tpu.memory_space<hbm>>
      %dma_wait3A_161 = arith.constant 0 : i32
      %dma_wait3A_162 = tpu.memref_slice %arg3[%mul3A_2, %dma_wait3A_161] : memref<2560x64xi32, #tpu.memory_space<hbm>> -> memref<80x64xi32, #tpu.memory_space<hbm>>
      tpu.wait_dma2 semaphore(%run_scoped3A : memref<!tpu.dma_semaphore, #tpu.memory_space<semaphore_mem>>) src(%dma_wait3A_162 : memref<80x64xi32, #tpu.memory_space<hbm>>) dst(%arg11 : memref<80x64xi32, #tpu.memory_space<vmem>>)
      tpu.yield
    }) : () -> ()
    %barrier3A = arith.constant 0 : index
    tpu.barrier barrier_id(%barrier3A)
    %add3A_113 = arith.constant 0 : i32
    %add3A_114 = arith.addi %mul3A_2, %add3A_113 : i32
    %min3A = arith.constant 2499 : i32
    %min3A_115 = arith.minsi %add3A_114, %min3A : i32
    %mul3A_116 = arith.constant 64 : i32
    %mul3A_117 = arith.muli %min3A_115, %mul3A_116 : i32
    %mul3A_118 = arith.constant 0 : i32
    %mul3A_119 = arith.constant 64 : i32
    %mul3A_120 = arith.muli %mul3A_118, %mul3A_119 : i32
    %dma_start3A = tpu.memref_slice %arg10[%mul3A_120] : memref<5120xi32, #tpu.memory_space<vmem>> -> memref<64xi32, #tpu.memory_space<vmem>>
    %dma_start3A_121 = arith.constant 0 : i32
    %dma_start3A_122 = arith.constant 0 : i32
    %dma_start3A_123 = tpu.memref_slice %arg4[%dma_start3A_121, %dma_start3A_122] : memref<10000x128xf32, #tpu.memory_space<hbm>> -> memref<10000x128xf32, #tpu.memory_space<hbm>>
    tpu.enqueue_indirect_dma source(%dma_start3A_123 : memref<10000x128xf32, #tpu.memory_space<hbm>>) target(%arg12 : memref<64x128xf32, #tpu.memory_space<vmem>>) offsets(%dma_start3A : memref<64xi32, #tpu.memory_space<vmem>>) semaphore(%arg20 : memref<!tpu.dma_semaphore, #tpu.memory_space<semaphore_mem>>)
    %dma_start3A_124 = arith.constant 0 : i32
    %dma_start3A_125 = tpu.memref_slice %arg5[%mul3A_117, %dma_start3A_124] : memref<160000x128xf32, #tpu.memory_space<hbm>> -> memref<64x128xf32, #tpu.memory_space<hbm>>
    %dma_start3A_126 = arith.constant 0 : i32
    %dma_start3A_127 = tpu.memref_slice %arg5[%mul3A_117, %dma_start3A_126] : memref<160000x128xf32, #tpu.memory_space<hbm>> -> memref<64x128xf32, #tpu.memory_space<hbm>>
    tpu.enqueue_dma source(%dma_start3A_127 : memref<64x128xf32, #tpu.memory_space<hbm>>) target(%arg14 : memref<64x128xf32, #tpu.memory_space<vmem>>) target_semaphore(%arg22 : memref<!tpu.dma_semaphore, #tpu.memory_space<semaphore_mem>>)
    %broadcast_in_dim3A = arith.constant 0.000000e+00 : f32
    %broadcast_in_dim3A_128 = vector.broadcast %broadcast_in_dim3A : f32 to vector<16xf32>
    %scan3A_129 = arith.constant 0 : i32
    %scan3A_130 = arith.constant 40 : i32
    %scan3A_131 = arith.addi %scan3A_129, %scan3A_130 : i32
    %scan3A_132 = arith.constant 1 : i32
    %scan3A_133 = scf.for %scan3A_155 = %scan3A_129 to %scan3A_131 step %scan3A_132 iter_args(%scan3A_156 = %broadcast_in_dim3A_128) -> (vector<16xf32>)  : i32 {
      %mul3A_157 = arith.constant 2 : i32
      %mul3A_158 = arith.muli %scan3A_155, %mul3A_157 : i32
      %add3A_159 = arith.constant 0 : i32
      %add3A_160 = arith.addi %mul3A_158, %add3A_159 : i32
      %mul3A_161 = arith.constant 64 : i32
      %mul3A_162 = arith.muli %add3A_160, %mul3A_161 : i32
      %dma_wait3A_163 = tpu.memref_slice %arg10[%mul3A_162] : memref<5120xi32, #tpu.memory_space<vmem>> -> memref<64xi32, #tpu.memory_space<vmem>>
      %dma_wait3A_164 = arith.constant 0 : i32
      %dma_wait3A_165 = arith.constant 0 : i32
      %dma_wait3A_166 = tpu.memref_slice %arg4[%dma_wait3A_164, %dma_wait3A_165] : memref<10000x128xf32, #tpu.memory_space<hbm>> -> memref<10000x128xf32, #tpu.memory_space<hbm>>
      tpu.wait_indirect_dma semaphore(%arg20 : memref<!tpu.dma_semaphore, #tpu.memory_space<semaphore_mem>>) src(%dma_wait3A_166 : memref<10000x128xf32, #tpu.memory_space<hbm>>) dst(%arg12 : memref<64x128xf32, #tpu.memory_space<vmem>>)
      %dma_wait3A_167 = arith.constant 0 : i32
      %dma_wait3A_168 = arith.constant 0 : i32
      %dma_wait3A_169 = tpu.memref_slice %arg5[%dma_wait3A_167, %dma_wait3A_168] : memref<160000x128xf32, #tpu.memory_space<hbm>> -> memref<64x128xf32, #tpu.memory_space<hbm>>
      %dma_wait3A_170 = arith.constant 0 : i32
      %dma_wait3A_171 = arith.constant 0 : i32
      %dma_wait3A_172 = tpu.memref_slice %arg5[%dma_wait3A_170, %dma_wait3A_171] : memref<160000x128xf32, #tpu.memory_space<hbm>> -> memref<64x128xf32, #tpu.memory_space<hbm>>
      tpu.wait_dma2 semaphore(%arg22 : memref<!tpu.dma_semaphore, #tpu.memory_space<semaphore_mem>>) src(%dma_wait3A_172 : memref<64x128xf32, #tpu.memory_space<hbm>>) dst(%arg14 : memref<64x128xf32, #tpu.memory_space<vmem>>)
      %ge3A = arith.constant 1 : i32
      %ge3A_173 = arith.cmpi sge, %add3A_160, %ge3A : i32
      %convert_element_type3A_174 = arith.extui %ge3A_173 : i1 to i32
      %cond3A_175 = arith.constant 0 : i32
      %cond3A_176 = arith.cmpi ne, %convert_element_type3A_174, %cond3A_175 : i32
      scf.if %cond3A_176 {
        %sub3A = arith.constant 1 : i32
        %sub3A_255 = arith.subi %add3A_160, %sub3A : i32
        %dma_wait3A_256 = arith.constant 0 : i32
        %dma_wait3A_257 = tpu.memref_slice %arg11[%sub3A_255, %dma_wait3A_256] : memref<80x64xi32, #tpu.memory_space<vmem>> -> memref<1x64xi32, #tpu.memory_space<vmem>>
        %dma_wait3A_258 = tpu.memref_squeeze %dma_wait3A_257 : memref<1x64xi32, #tpu.memory_space<vmem>> -> memref<64xi32, #tpu.memory_space<vmem>>
        %dma_wait3A_259 = arith.constant 0 : i32
        %dma_wait3A_260 = arith.constant 0 : i32
        %dma_wait3A_261 = tpu.memref_slice %arg19[%dma_wait3A_259, %dma_wait3A_260] : memref<10008x128xf32, #tpu.memory_space<vmem_shared>> -> memref<10008x128xf32, #tpu.memory_space<vmem_shared>>
        tpu.wait_indirect_dma semaphore(%arg25 : memref<!tpu.dma_semaphore, #tpu.memory_space<semaphore_mem>>) src(%arg13 : memref<64x128xf32, #tpu.memory_space<vmem>>) dst(%dma_wait3A_261 : memref<10008x128xf32, #tpu.memory_space<vmem_shared>>)
      } else {
      }
      %add3A_177 = arith.constant 1 : i32
      %add3A_178 = arith.addi %add3A_160, %add3A_177 : i32
      %lt3A = arith.constant 80 : i32
      %lt3A_179 = arith.cmpi slt, %add3A_178, %lt3A : i32
      %convert_element_type3A_180 = arith.extui %lt3A_179 : i1 to i32
      %cond3A_181 = arith.constant 0 : i32
      %cond3A_182 = arith.cmpi ne, %convert_element_type3A_180, %cond3A_181 : i32
      scf.if %cond3A_182 {
        %add3A_255 = arith.constant 1 : i32
        %add3A_256 = arith.addi %add3A_160, %add3A_255 : i32
        %add3A_257 = arith.addi %mul3A_2, %add3A_256 : i32
        %min3A_258 = arith.constant 2499 : i32
        %min3A_259 = arith.minsi %add3A_257, %min3A_258 : i32
        %mul3A_260 = arith.constant 64 : i32
        %mul3A_261 = arith.muli %min3A_259, %mul3A_260 : i32
        %mul3A_262 = arith.constant 64 : i32
        %mul3A_263 = arith.muli %add3A_256, %mul3A_262 : i32
        %dma_start3A_264 = tpu.memref_slice %arg10[%mul3A_263] : memref<5120xi32, #tpu.memory_space<vmem>> -> memref<64xi32, #tpu.memory_space<vmem>>
        %dma_start3A_265 = arith.constant 0 : i32
        %dma_start3A_266 = arith.constant 0 : i32
        %dma_start3A_267 = tpu.memref_slice %arg4[%dma_start3A_265, %dma_start3A_266] : memref<10000x128xf32, #tpu.memory_space<hbm>> -> memref<10000x128xf32, #tpu.memory_space<hbm>>
        tpu.enqueue_indirect_dma source(%dma_start3A_267 : memref<10000x128xf32, #tpu.memory_space<hbm>>) target(%arg13 : memref<64x128xf32, #tpu.memory_space<vmem>>) offsets(%dma_start3A_264 : memref<64xi32, #tpu.memory_space<vmem>>) semaphore(%arg21 : memref<!tpu.dma_semaphore, #tpu.memory_space<semaphore_mem>>)
        %dma_start3A_268 = arith.constant 0 : i32
        %dma_start3A_269 = tpu.memref_slice %arg5[%mul3A_261, %dma_start3A_268] : memref<160000x128xf32, #tpu.memory_space<hbm>> -> memref<64x128xf32, #tpu.memory_space<hbm>>
        %dma_start3A_270 = arith.constant 0 : i32
        %dma_start3A_271 = tpu.memref_slice %arg5[%mul3A_261, %dma_start3A_270] : memref<160000x128xf32, #tpu.memory_space<hbm>> -> memref<64x128xf32, #tpu.memory_space<hbm>>
        tpu.enqueue_dma source(%dma_start3A_271 : memref<64x128xf32, #tpu.memory_space<hbm>>) target(%arg15 : memref<64x128xf32, #tpu.memory_space<vmem>>) target_semaphore(%arg23 : memref<!tpu.dma_semaphore, #tpu.memory_space<semaphore_mem>>)
      } else {
      }
      %add3A_183 = arith.addi %mul3A_2, %add3A_160 : i32
      %lt3A_184 = arith.constant 2500 : i32
      %lt3A_185 = arith.cmpi slt, %add3A_183, %lt3A_184 : i32
      %jit3A = arith.constant 1.000000e+00 : f32
      %jit3A_186 = arith.constant 0.000000e+00 : f32
      %select_n3A = arith.select %lt3A_185, %jit3A, %jit3A_186 : f32
      %broadcast_in_dim3A_187 = arith.constant 0.000000e+00 : f32
      %broadcast_in_dim3A_188 = vector.broadcast %broadcast_in_dim3A_187 : f32 to vector<16xf32>
      %scan3A_189 = arith.constant 0 : i32
      %scan3A_190 = arith.constant 64 : i32
      %scan3A_191 = arith.addi %scan3A_189, %scan3A_190 : i32
      %scan3A_192 = arith.constant 1 : i32
      %scan3A_193 = scf.for %scan3A_255 = %scan3A_189 to %scan3A_191 step %scan3A_192 iter_args(%scan3A_256 = %broadcast_in_dim3A_188) -> (vector<16xf32>)  : i32 {
        %get3A_257 = arith.index_cast %scan3A_255 : i32 to index
        %get3A_258 = arith.constant 0 : index
        %get3A_259 = tpu.vector_load %arg14[%get3A_257, %get3A_258] {strides = array<i32>} : memref<64x128xf32, #tpu.memory_space<vmem>>, vector<1x16xf32>,
        %get3A_260 = vector.shape_cast %get3A_259 : vector<1x16xf32> to vector<16xf32>
        %mul3A_261 = arith.mulf %get3A_46, %get3A_260 : vector<16xf32>
        %add3A_262 = arith.addf %get3A_6, %mul3A_261 : vector<16xf32>
        %sub3A = arith.constant 1.000000e+00 : f32
        %sub3A_263 = vector.broadcast %sub3A : f32 to vector<16xf32>
        %sub3A_264 = arith.subf %add3A_262, %sub3A_263 : vector<16xf32>
        %mul3A_265 = arith.mulf %sub3A_264, %sub3A_264 : vector<16xf32>
        %add3A_266 = arith.addf %scan3A_256, %mul3A_265 : vector<16xf32>
        %get3A_267 = arith.index_cast %scan3A_255 : i32 to index
        %get3A_268 = arith.constant 0 : index
        %get3A_269 = tpu.vector_load %arg12[%get3A_267, %get3A_268] {strides = array<i32>} : memref<64x128xf32, #tpu.memory_space<vmem>>, vector<1x16xf32>,
        %get3A_270 = vector.shape_cast %get3A_269 : vector<1x16xf32> to vector<16xf32>
        %mul3A_271 = arith.mulf %get3A_270, %add3A_262 : vector<16xf32>
        %swap3A_272 = arith.index_cast %scan3A_255 : i32 to index
        %swap3A_273 = arith.constant 0 : index
        %swap3A_274 = tpu.vector_load %arg12[%swap3A_272, %swap3A_273] {strides = array<i32>} : memref<64x128xf32, #tpu.memory_space<vmem>>, vector<1x16xf32>,
        %swap3A_275 = vector.shape_cast %swap3A_274 : vector<1x16xf32> to vector<16xf32>
        %swap3A_276 = vector.shape_cast %mul3A_271 : vector<16xf32> to vector<1x16xf32>
        tpu.vector_store %arg12[%swap3A_272, %swap3A_273], %swap3A_276 {strides = array<i32>} : memref<64x128xf32, #tpu.memory_space<vmem>>, vector<1x16xf32>,
        %get3A_277 = arith.index_cast %scan3A_255 : i32 to index
        %get3A_278 = arith.constant 16 : index
        %get3A_279 = tpu.vector_load %arg14[%get3A_277, %get3A_278] {strides = array<i32>} : memref<64x128xf32, #tpu.memory_space<vmem>>, vector<1x16xf32>,
        %get3A_280 = vector.shape_cast %get3A_279 : vector<1x16xf32> to vector<16xf32>
        %mul3A_281 = arith.mulf %get3A_51, %get3A_280 : vector<16xf32>
        %add3A_282 = arith.addf %get3A_11, %mul3A_281 : vector<16xf32>
        %sub3A_283 = arith.constant 1.000000e+00 : f32
        %sub3A_284 = vector.broadcast %sub3A_283 : f32 to vector<16xf32>
        %sub3A_285 = arith.subf %add3A_282, %sub3A_284 : vector<16xf32>
        %mul3A_286 = arith.mulf %sub3A_285, %sub3A_285 : vector<16xf32>
        %add3A_287 = arith.addf %add3A_266, %mul3A_286 : vector<16xf32>
        %get3A_288 = arith.index_cast %scan3A_255 : i32 to index
        %get3A_289 = arith.constant 16 : index
        %get3A_290 = tpu.vector_load %arg12[%get3A_288, %get3A_289] {strides = array<i32>} : memref<64x128xf32, #tpu.memory_space<vmem>>, vector<1x16xf32>,
        %get3A_291 = vector.shape_cast %get3A_290 : vector<1x16xf32> to vector<16xf32>
        %mul3A_292 = arith.mulf %get3A_291, %add3A_282 : vector<16xf32>
        %swap3A_293 = arith.index_cast %scan3A_255 : i32 to index
        %swap3A_294 = arith.constant 16 : index
        %swap3A_295 = tpu.vector_load %arg12[%swap3A_293, %swap3A_294] {strides = array<i32>} : memref<64x128xf32, #tpu.memory_space<vmem>>, vector<1x16xf32>,
        %swap3A_296 = vector.shape_cast %swap3A_295 : vector<1x16xf32> to vector<16xf32>
        %swap3A_297 = vector.shape_cast %mul3A_292 : vector<16xf32> to vector<1x16xf32>
        tpu.vector_store %arg12[%swap3A_293, %swap3A_294], %swap3A_297 {strides = array<i32>} : memref<64x128xf32, #tpu.memory_space<vmem>>, vector<1x16xf32>,
        %get3A_298 = arith.index_cast %scan3A_255 : i32 to index
        %get3A_299 = arith.constant 32 : index
        %get3A_300 = tpu.vector_load %arg14[%get3A_298, %get3A_299] {strides = array<i32>} : memref<64x128xf32, #tpu.memory_space<vmem>>, vector<1x16xf32>,
        %get3A_301 = vector.shape_cast %get3A_300 : vector<1x16xf32> to vector<16xf32>
        %mul3A_302 = arith.mulf %get3A_56, %get3A_301 : vector<16xf32>
        %add3A_303 = arith.addf %get3A_16, %mul3A_302 : vector<16xf32>
        %sub3A_304 = arith.constant 1.000000e+00 : f32
        %sub3A_305 = vector.broadcast %sub3A_304 : f32 to vector<16xf32>
        %sub3A_306 = arith.subf %add3A_303, %sub3A_305 : vector<16xf32>
        %mul3A_307 = arith.mulf %sub3A_306, %sub3A_306 : vector<16xf32>
        %add3A_308 = arith.addf %add3A_287, %mul3A_307 : vector<16xf32>
        %get3A_309 = arith.index_cast %scan3A_255 : i32 to index
        %get3A_310 = arith.constant 32 : index
        %get3A_311 = tpu.vector_load %arg12[%get3A_309, %get3A_310] {strides = array<i32>} : memref<64x128xf32, #tpu.memory_space<vmem>>, vector<1x16xf32>,
        %get3A_312 = vector.shape_cast %get3A_311 : vector<1x16xf32> to vector<16xf32>
        %mul3A_313 = arith.mulf %get3A_312, %add3A_303 : vector<16xf32>
        %swap3A_314 = arith.index_cast %scan3A_255 : i32 to index
        %swap3A_315 = arith.constant 32 : index
        %swap3A_316 = tpu.vector_load %arg12[%swap3A_314, %swap3A_315] {strides = array<i32>} : memref<64x128xf32, #tpu.memory_space<vmem>>, vector<1x16xf32>,
        %swap3A_317 = vector.shape_cast %swap3A_316 : vector<1x16xf32> to vector<16xf32>
        %swap3A_318 = vector.shape_cast %mul3A_313 : vector<16xf32> to vector<1x16xf32>
        tpu.vector_store %arg12[%swap3A_314, %swap3A_315], %swap3A_318 {strides = array<i32>} : memref<64x128xf32, #tpu.memory_space<vmem>>, vector<1x16xf32>,
        %get3A_319 = arith.index_cast %scan3A_255 : i32 to index
        %get3A_320 = arith.constant 48 : index
        %get3A_321 = tpu.vector_load %arg14[%get3A_319, %get3A_320] {strides = array<i32>} : memref<64x128xf32, #tpu.memory_space<vmem>>, vector<1x16xf32>,
        %get3A_322 = vector.shape_cast %get3A_321 : vector<1x16xf32> to vector<16xf32>
        %mul3A_323 = arith.mulf %get3A_61, %get3A_322 : vector<16xf32>
        %add3A_324 = arith.addf %get3A_21, %mul3A_323 : vector<16xf32>
        %sub3A_325 = arith.constant 1.000000e+00 : f32
        %sub3A_326 = vector.broadcast %sub3A_325 : f32 to vector<16xf32>
        %sub3A_327 = arith.subf %add3A_324, %sub3A_326 : vector<16xf32>
        %mul3A_328 = arith.mulf %sub3A_327, %sub3A_327 : vector<16xf32>
        %add3A_329 = arith.addf %add3A_308, %mul3A_328 : vector<16xf32>
        %get3A_330 = arith.index_cast %scan3A_255 : i32 to index
        %get3A_331 = arith.constant 48 : index
        %get3A_332 = tpu.vector_load %arg12[%get3A_330, %get3A_331] {strides = array<i32>} : memref<64x128xf32, #tpu.memory_space<vmem>>, vector<1x16xf32>,
        %get3A_333 = vector.shape_cast %get3A_332 : vector<1x16xf32> to vector<16xf32>
        %mul3A_334 = arith.mulf %get3A_333, %add3A_324 : vector<16xf32>
        %swap3A_335 = arith.index_cast %scan3A_255 : i32 to index
        %swap3A_336 = arith.constant 48 : index
        %swap3A_337 = tpu.vector_load %arg12[%swap3A_335, %swap3A_336] {strides = array<i32>} : memref<64x128xf32, #tpu.memory_space<vmem>>, vector<1x16xf32>,
        %swap3A_338 = vector.shape_cast %swap3A_337 : vector<1x16xf32> to vector<16xf32>
        %swap3A_339 = vector.shape_cast %mul3A_334 : vector<16xf32> to vector<1x16xf32>
        tpu.vector_store %arg12[%swap3A_335, %swap3A_336], %swap3A_339 {strides = array<i32>} : memref<64x128xf32, #tpu.memory_space<vmem>>, vector<1x16xf32>,
        %get3A_340 = arith.index_cast %scan3A_255 : i32 to index
        %get3A_341 = arith.constant 64 : index
        %get3A_342 = tpu.vector_load %arg14[%get3A_340, %get3A_341] {strides = array<i32>} : memref<64x128xf32, #tpu.memory_space<vmem>>, vector<1x16xf32>,
        %get3A_343 = vector.shape_cast %get3A_342 : vector<1x16xf32> to vector<16xf32>
        %mul3A_344 = arith.mulf %get3A_66, %get3A_343 : vector<16xf32>
        %add3A_345 = arith.addf %get3A_26, %mul3A_344 : vector<16xf32>
        %sub3A_346 = arith.constant 1.000000e+00 : f32
        %sub3A_347 = vector.broadcast %sub3A_346 : f32 to vector<16xf32>
        %sub3A_348 = arith.subf %add3A_345, %sub3A_347 : vector<16xf32>
        %mul3A_349 = arith.mulf %sub3A_348, %sub3A_348 : vector<16xf32>
        %add3A_350 = arith.addf %add3A_329, %mul3A_349 : vector<16xf32>
        %get3A_351 = arith.index_cast %scan3A_255 : i32 to index
        %get3A_352 = arith.constant 64 : index
        %get3A_353 = tpu.vector_load %arg12[%get3A_351, %get3A_352] {strides = array<i32>} : memref<64x128xf32, #tpu.memory_space<vmem>>, vector<1x16xf32>,
        %get3A_354 = vector.shape_cast %get3A_353 : vector<1x16xf32> to vector<16xf32>
        %mul3A_355 = arith.mulf %get3A_354, %add3A_345 : vector<16xf32>
        %swap3A_356 = arith.index_cast %scan3A_255 : i32 to index
        %swap3A_357 = arith.constant 64 : index
        %swap3A_358 = tpu.vector_load %arg12[%swap3A_356, %swap3A_357] {strides = array<i32>} : memref<64x128xf32, #tpu.memory_space<vmem>>, vector<1x16xf32>,
        %swap3A_359 = vector.shape_cast %swap3A_358 : vector<1x16xf32> to vector<16xf32>
        %swap3A_360 = vector.shape_cast %mul3A_355 : vector<16xf32> to vector<1x16xf32>
        tpu.vector_store %arg12[%swap3A_356, %swap3A_357], %swap3A_360 {strides = array<i32>} : memref<64x128xf32, #tpu.memory_space<vmem>>, vector<1x16xf32>,
        %get3A_361 = arith.index_cast %scan3A_255 : i32 to index
        %get3A_362 = arith.constant 80 : index
        %get3A_363 = tpu.vector_load %arg14[%get3A_361, %get3A_362] {strides = array<i32>} : memref<64x128xf32, #tpu.memory_space<vmem>>, vector<1x16xf32>,
        %get3A_364 = vector.shape_cast %get3A_363 : vector<1x16xf32> to vector<16xf32>
        %mul3A_365 = arith.mulf %get3A_71, %get3A_364 : vector<16xf32>
        %add3A_366 = arith.addf %get3A_31, %mul3A_365 : vector<16xf32>
        %sub3A_367 = arith.constant 1.000000e+00 : f32
        %sub3A_368 = vector.broadcast %sub3A_367 : f32 to vector<16xf32>
        %sub3A_369 = arith.subf %add3A_366, %sub3A_368 : vector<16xf32>
        %mul3A_370 = arith.mulf %sub3A_369, %sub3A_369 : vector<16xf32>
        %add3A_371 = arith.addf %add3A_350, %mul3A_370 : vector<16xf32>
        %get3A_372 = arith.index_cast %scan3A_255 : i32 to index
        %get3A_373 = arith.constant 80 : index
        %get3A_374 = tpu.vector_load %arg12[%get3A_372, %get3A_373] {strides = array<i32>} : memref<64x128xf32, #tpu.memory_space<vmem>>, vector<1x16xf32>,
        %get3A_375 = vector.shape_cast %get3A_374 : vector<1x16xf32> to vector<16xf32>
        %mul3A_376 = arith.mulf %get3A_375, %add3A_366 : vector<16xf32>
        %swap3A_377 = arith.index_cast %scan3A_255 : i32 to index
        %swap3A_378 = arith.constant 80 : index
        %swap3A_379 = tpu.vector_load %arg12[%swap3A_377, %swap3A_378] {strides = array<i32>} : memref<64x128xf32, #tpu.memory_space<vmem>>, vector<1x16xf32>,
        %swap3A_380 = vector.shape_cast %swap3A_379 : vector<1x16xf32> to vector<16xf32>
        %swap3A_381 = vector.shape_cast %mul3A_376 : vector<16xf32> to vector<1x16xf32>
        tpu.vector_store %arg12[%swap3A_377, %swap3A_378], %swap3A_381 {strides = array<i32>} : memref<64x128xf32, #tpu.memory_space<vmem>>, vector<1x16xf32>,
        %get3A_382 = arith.index_cast %scan3A_255 : i32 to index
        %get3A_383 = arith.constant 96 : index
        %get3A_384 = tpu.vector_load %arg14[%get3A_382, %get3A_383] {strides = array<i32>} : memref<64x128xf32, #tpu.memory_space<vmem>>, vector<1x16xf32>,
        %get3A_385 = vector.shape_cast %get3A_384 : vector<1x16xf32> to vector<16xf32>
        %mul3A_386 = arith.mulf %get3A_76, %get3A_385 : vector<16xf32>
        %add3A_387 = arith.addf %get3A_36, %mul3A_386 : vector<16xf32>
        %sub3A_388 = arith.constant 1.000000e+00 : f32
        %sub3A_389 = vector.broadcast %sub3A_388 : f32 to vector<16xf32>
        %sub3A_390 = arith.subf %add3A_387, %sub3A_389 : vector<16xf32>
        %mul3A_391 = arith.mulf %sub3A_390, %sub3A_390 : vector<16xf32>
        %add3A_392 = arith.addf %add3A_371, %mul3A_391 : vector<16xf32>
        %get3A_393 = arith.index_cast %scan3A_255 : i32 to index
        %get3A_394 = arith.constant 96 : index
        %get3A_395 = tpu.vector_load %arg12[%get3A_393, %get3A_394] {strides = array<i32>} : memref<64x128xf32, #tpu.memory_space<vmem>>, vector<1x16xf32>,
        %get3A_396 = vector.shape_cast %get3A_395 : vector<1x16xf32> to vector<16xf32>
        %mul3A_397 = arith.mulf %get3A_396, %add3A_387 : vector<16xf32>
        %swap3A_398 = arith.index_cast %scan3A_255 : i32 to index
        %swap3A_399 = arith.constant 96 : index
        %swap3A_400 = tpu.vector_load %arg12[%swap3A_398, %swap3A_399] {strides = array<i32>} : memref<64x128xf32, #tpu.memory_space<vmem>>, vector<1x16xf32>,
        %swap3A_401 = vector.shape_cast %swap3A_400 : vector<1x16xf32> to vector<16xf32>
        %swap3A_402 = vector.shape_cast %mul3A_397 : vector<16xf32> to vector<1x16xf32>
        tpu.vector_store %arg12[%swap3A_398, %swap3A_399], %swap3A_402 {strides = array<i32>} : memref<64x128xf32, #tpu.memory_space<vmem>>, vector<1x16xf32>,
        %get3A_403 = arith.index_cast %scan3A_255 : i32 to index
        %get3A_404 = arith.constant 112 : index
        %get3A_405 = tpu.vector_load %arg14[%get3A_403, %get3A_404] {strides = array<i32>} : memref<64x128xf32, #tpu.memory_space<vmem>>, vector<1x16xf32>,
        %get3A_406 = vector.shape_cast %get3A_405 : vector<1x16xf32> to vector<16xf32>
        %mul3A_407 = arith.mulf %get3A_81, %get3A_406 : vector<16xf32>
        %add3A_408 = arith.addf %get3A_41, %mul3A_407 : vector<16xf32>
        %sub3A_409 = arith.constant 1.000000e+00 : f32
        %sub3A_410 = vector.broadcast %sub3A_409 : f32 to vector<16xf32>
        %sub3A_411 = arith.subf %add3A_408, %sub3A_410 : vector<16xf32>
        %mul3A_412 = arith.mulf %sub3A_411, %sub3A_411 : vector<16xf32>
        %add3A_413 = arith.addf %add3A_392, %mul3A_412 : vector<16xf32>
        %get3A_414 = arith.index_cast %scan3A_255 : i32 to index
        %get3A_415 = arith.constant 112 : index
        %get3A_416 = tpu.vector_load %arg12[%get3A_414, %get3A_415] {strides = array<i32>} : memref<64x128xf32, #tpu.memory_space<vmem>>, vector<1x16xf32>,
        %get3A_417 = vector.shape_cast %get3A_416 : vector<1x16xf32> to vector<16xf32>
        %mul3A_418 = arith.mulf %get3A_417, %add3A_408 : vector<16xf32>
        %swap3A_419 = arith.index_cast %scan3A_255 : i32 to index
        %swap3A_420 = arith.constant 112 : index
        %swap3A_421 = tpu.vector_load %arg12[%swap3A_419, %swap3A_420] {strides = array<i32>} : memref<64x128xf32, #tpu.memory_space<vmem>>, vector<1x16xf32>,
        %swap3A_422 = vector.shape_cast %swap3A_421 : vector<1x16xf32> to vector<16xf32>
        %swap3A_423 = vector.shape_cast %mul3A_418 : vector<16xf32> to vector<1x16xf32>
        tpu.vector_store %arg12[%swap3A_419, %swap3A_420], %swap3A_423 {strides = array<i32>} : memref<64x128xf32, #tpu.memory_space<vmem>>, vector<1x16xf32>,
        scf.yield %add3A_413 : vector<16xf32>
      }
      %scan3A_194 = arith.constant 64 : i32
      %mul3A_195 = vector.broadcast %select_n3A : f32 to vector<16xf32>
      %mul3A_196 = arith.mulf %mul3A_195, %scan3A_193 : vector<16xf32>
      %add3A_197 = arith.addf %scan3A_156, %mul3A_196 : vector<16xf32>
      %dma_start3A_198 = arith.constant 0 : i32
      %dma_start3A_199 = tpu.memref_slice %arg11[%add3A_160, %dma_start3A_198] : memref<80x64xi32, #tpu.memory_space<vmem>> -> memref<1x64xi32, #tpu.memory_space<vmem>>
      %dma_start3A_200 = tpu.memref_squeeze %dma_start3A_199 : memref<1x64xi32, #tpu.memory_space<vmem>> -> memref<64xi32, #tpu.memory_space<vmem>>
      %dma_start3A_201 = arith.constant 0 : i32
      %dma_start3A_202 = arith.constant 0 : i32
      %dma_start3A_203 = tpu.memref_slice %arg19[%dma_start3A_201, %dma_start3A_202] : memref<10008x128xf32, #tpu.memory_space<vmem_shared>> -> memref<10008x128xf32, #tpu.memory_space<vmem_shared>>
      tpu.enqueue_indirect_dma source(%arg12 : memref<64x128xf32, #tpu.memory_space<vmem>>) target(%dma_start3A_203 : memref<10008x128xf32, #tpu.memory_space<vmem_shared>>) offsets(%dma_start3A_200 : memref<64xi32, #tpu.memory_space<vmem>>) semaphore(%arg24 : memref<!tpu.dma_semaphore, #tpu.memory_space<semaphore_mem>>) {add = true}
      %mul3A_204 = arith.constant 2 : i32
      %mul3A_205 = arith.muli %scan3A_155, %mul3A_204 : i32
      %add3A_206 = arith.constant 1 : i32
      %add3A_207 = arith.addi %mul3A_205, %add3A_206 : i32
      %mul3A_208 = arith.constant 64 : i32
      %mul3A_209 = arith.muli %add3A_207, %mul3A_208 : i32
      %dma_wait3A_210 = tpu.memref_slice %arg10[%mul3A_209] : memref<5120xi32, #tpu.memory_space<vmem>> -> memref<64xi32, #tpu.memory_space<vmem>>
      %dma_wait3A_211 = arith.constant 0 : i32
      %dma_wait3A_212 = arith.constant 0 : i32
      %dma_wait3A_213 = tpu.memref_slice %arg4[%dma_wait3A_211, %dma_wait3A_212] : memref<10000x128xf32, #tpu.memory_space<hbm>> -> memref<10000x128xf32, #tpu.memory_space<hbm>>
      tpu.wait_indirect_dma semaphore(%arg21 : memref<!tpu.dma_semaphore, #tpu.memory_space<semaphore_mem>>) src(%dma_wait3A_213 : memref<10000x128xf32, #tpu.memory_space<hbm>>) dst(%arg13 : memref<64x128xf32, #tpu.memory_space<vmem>>)
      %dma_wait3A_214 = arith.constant 0 : i32
      %dma_wait3A_215 = arith.constant 0 : i32
      %dma_wait3A_216 = tpu.memref_slice %arg5[%dma_wait3A_214, %dma_wait3A_215] : memref<160000x128xf32, #tpu.memory_space<hbm>> -> memref<64x128xf32, #tpu.memory_space<hbm>>
      %dma_wait3A_217 = arith.constant 0 : i32
      %dma_wait3A_218 = arith.constant 0 : i32
      %dma_wait3A_219 = tpu.memref_slice %arg5[%dma_wait3A_217, %dma_wait3A_218] : memref<160000x128xf32, #tpu.memory_space<hbm>> -> memref<64x128xf32, #tpu.memory_space<hbm>>
      tpu.wait_dma2 semaphore(%arg23 : memref<!tpu.dma_semaphore, #tpu.memory_space<semaphore_mem>>) src(%dma_wait3A_219 : memref<64x128xf32, #tpu.memory_space<hbm>>) dst(%arg15 : memref<64x128xf32, #tpu.memory_space<vmem>>)
      %ge3A_220 = arith.constant 1 : i32
      %ge3A_221 = arith.cmpi sge, %add3A_207, %ge3A_220 : i32
      %convert_element_type3A_222 = arith.extui %ge3A_221 : i1 to i32
      %cond3A_223 = arith.constant 0 : i32
      %cond3A_224 = arith.cmpi ne, %convert_element_type3A_222, %cond3A_223 : i32
      scf.if %cond3A_224 {
        %sub3A = arith.constant 1 : i32
        %sub3A_255 = arith.subi %add3A_207, %sub3A : i32
        %dma_wait3A_256 = arith.constant 0 : i32
        %dma_wait3A_257 = tpu.memref_slice %arg11[%sub3A_255, %dma_wait3A_256] : memref<80x64xi32, #tpu.memory_space<vmem>> -> memref<1x64xi32, #tpu.memory_space<vmem>>
        %dma_wait3A_258 = tpu.memref_squeeze %dma_wait3A_257 : memref<1x64xi32, #tpu.memory_space<vmem>> -> memref<64xi32, #tpu.memory_space<vmem>>
        %dma_wait3A_259 = arith.constant 0 : i32
        %dma_wait3A_260 = arith.constant 0 : i32
        %dma_wait3A_261 = tpu.memref_slice %arg19[%dma_wait3A_259, %dma_wait3A_260] : memref<10008x128xf32, #tpu.memory_space<vmem_shared>> -> memref<10008x128xf32, #tpu.memory_space<vmem_shared>>
        tpu.wait_indirect_dma semaphore(%arg24 : memref<!tpu.dma_semaphore, #tpu.memory_space<semaphore_mem>>) src(%arg12 : memref<64x128xf32, #tpu.memory_space<vmem>>) dst(%dma_wait3A_261 : memref<10008x128xf32, #tpu.memory_space<vmem_shared>>)
      } else {
      }
      %add3A_225 = arith.constant 1 : i32
      %add3A_226 = arith.addi %add3A_207, %add3A_225 : i32
      %lt3A_227 = arith.constant 80 : i32
      %lt3A_228 = arith.cmpi slt, %add3A_226, %lt3A_227 : i32
      %convert_element_type3A_229 = arith.extui %lt3A_228 : i1 to i32
      %cond3A_230 = arith.constant 0 : i32
      %cond3A_231 = arith.cmpi ne, %convert_element_type3A_229, %cond3A_230 : i32
      scf.if %cond3A_231 {
        %add3A_255 = arith.constant 1 : i32
        %add3A_256 = arith.addi %add3A_207, %add3A_255 : i32
        %add3A_257 = arith.addi %mul3A_2, %add3A_256 : i32
        %min3A_258 = arith.constant 2499 : i32
        %min3A_259 = arith.minsi %add3A_257, %min3A_258 : i32
        %mul3A_260 = arith.constant 64 : i32
        %mul3A_261 = arith.muli %min3A_259, %mul3A_260 : i32
        %mul3A_262 = arith.constant 64 : i32
        %mul3A_263 = arith.muli %add3A_256, %mul3A_262 : i32
        %dma_start3A_264 = tpu.memref_slice %arg10[%mul3A_263] : memref<5120xi32, #tpu.memory_space<vmem>> -> memref<64xi32, #tpu.memory_space<vmem>>
        %dma_start3A_265 = arith.constant 0 : i32
        %dma_start3A_266 = arith.constant 0 : i32
        %dma_start3A_267 = tpu.memref_slice %arg4[%dma_start3A_265, %dma_start3A_266] : memref<10000x128xf32, #tpu.memory_space<hbm>> -> memref<10000x128xf32, #tpu.memory_space<hbm>>
        tpu.enqueue_indirect_dma source(%dma_start3A_267 : memref<10000x128xf32, #tpu.memory_space<hbm>>) target(%arg12 : memref<64x128xf32, #tpu.memory_space<vmem>>) offsets(%dma_start3A_264 : memref<64xi32, #tpu.memory_space<vmem>>) semaphore(%arg20 : memref<!tpu.dma_semaphore, #tpu.memory_space<semaphore_mem>>)
        %dma_start3A_268 = arith.constant 0 : i32
        %dma_start3A_269 = tpu.memref_slice %arg5[%mul3A_261, %dma_start3A_268] : memref<160000x128xf32, #tpu.memory_space<hbm>> -> memref<64x128xf32, #tpu.memory_space<hbm>>
        %dma_start3A_270 = arith.constant 0 : i32
        %dma_start3A_271 = tpu.memref_slice %arg5[%mul3A_261, %dma_start3A_270] : memref<160000x128xf32, #tpu.memory_space<hbm>> -> memref<64x128xf32, #tpu.memory_space<hbm>>
        tpu.enqueue_dma source(%dma_start3A_271 : memref<64x128xf32, #tpu.memory_space<hbm>>) target(%arg14 : memref<64x128xf32, #tpu.memory_space<vmem>>) target_semaphore(%arg22 : memref<!tpu.dma_semaphore, #tpu.memory_space<semaphore_mem>>)
      } else {
      }
      %add3A_232 = arith.addi %mul3A_2, %add3A_207 : i32
      %lt3A_233 = arith.constant 2500 : i32
      %lt3A_234 = arith.cmpi slt, %add3A_232, %lt3A_233 : i32
      %jit3A_235 = arith.constant 1.000000e+00 : f32
      %jit3A_236 = arith.constant 0.000000e+00 : f32
      %select_n3A_237 = arith.select %lt3A_234, %jit3A_235, %jit3A_236 : f32
      %broadcast_in_dim3A_238 = arith.constant 0.000000e+00 : f32
      %broadcast_in_dim3A_239 = vector.broadcast %broadcast_in_dim3A_238 : f32 to vector<16xf32>
      %scan3A_240 = arith.constant 0 : i32
      %scan3A_241 = arith.constant 64 : i32
      %scan3A_242 = arith.addi %scan3A_240, %scan3A_241 : i32
      %scan3A_243 = arith.constant 1 : i32
      %scan3A_244 = scf.for %scan3A_255 = %scan3A_240 to %scan3A_242 step %scan3A_243 iter_args(%scan3A_256 = %broadcast_in_dim3A_239) -> (vector<16xf32>)  : i32 {
        %get3A_257 = arith.index_cast %scan3A_255 : i32 to index
        %get3A_258 = arith.constant 0 : index
        %get3A_259 = tpu.vector_load %arg15[%get3A_257, %get3A_258] {strides = array<i32>} : memref<64x128xf32, #tpu.memory_space<vmem>>, vector<1x16xf32>,
        %get3A_260 = vector.shape_cast %get3A_259 : vector<1x16xf32> to vector<16xf32>
        %mul3A_261 = arith.mulf %get3A_46, %get3A_260 : vector<16xf32>
        %add3A_262 = arith.addf %get3A_6, %mul3A_261 : vector<16xf32>
        %sub3A = arith.constant 1.000000e+00 : f32
        %sub3A_263 = vector.broadcast %sub3A : f32 to vector<16xf32>
        %sub3A_264 = arith.subf %add3A_262, %sub3A_263 : vector<16xf32>
        %mul3A_265 = arith.mulf %sub3A_264, %sub3A_264 : vector<16xf32>
        %add3A_266 = arith.addf %scan3A_256, %mul3A_265 : vector<16xf32>
        %get3A_267 = arith.index_cast %scan3A_255 : i32 to index
        %get3A_268 = arith.constant 0 : index
        %get3A_269 = tpu.vector_load %arg13[%get3A_267, %get3A_268] {strides = array<i32>} : memref<64x128xf32, #tpu.memory_space<vmem>>, vector<1x16xf32>,
        %get3A_270 = vector.shape_cast %get3A_269 : vector<1x16xf32> to vector<16xf32>
        %mul3A_271 = arith.mulf %get3A_270, %add3A_262 : vector<16xf32>
        %swap3A_272 = arith.index_cast %scan3A_255 : i32 to index
        %swap3A_273 = arith.constant 0 : index
        %swap3A_274 = tpu.vector_load %arg13[%swap3A_272, %swap3A_273] {strides = array<i32>} : memref<64x128xf32, #tpu.memory_space<vmem>>, vector<1x16xf32>,
        %swap3A_275 = vector.shape_cast %swap3A_274 : vector<1x16xf32> to vector<16xf32>
        %swap3A_276 = vector.shape_cast %mul3A_271 : vector<16xf32> to vector<1x16xf32>
        tpu.vector_store %arg13[%swap3A_272, %swap3A_273], %swap3A_276 {strides = array<i32>} : memref<64x128xf32, #tpu.memory_space<vmem>>, vector<1x16xf32>,
        %get3A_277 = arith.index_cast %scan3A_255 : i32 to index
        %get3A_278 = arith.constant 16 : index
        %get3A_279 = tpu.vector_load %arg15[%get3A_277, %get3A_278] {strides = array<i32>} : memref<64x128xf32, #tpu.memory_space<vmem>>, vector<1x16xf32>,
        %get3A_280 = vector.shape_cast %get3A_279 : vector<1x16xf32> to vector<16xf32>
        %mul3A_281 = arith.mulf %get3A_51, %get3A_280 : vector<16xf32>
        %add3A_282 = arith.addf %get3A_11, %mul3A_281 : vector<16xf32>
        %sub3A_283 = arith.constant 1.000000e+00 : f32
        %sub3A_284 = vector.broadcast %sub3A_283 : f32 to vector<16xf32>
        %sub3A_285 = arith.subf %add3A_282, %sub3A_284 : vector<16xf32>
        %mul3A_286 = arith.mulf %sub3A_285, %sub3A_285 : vector<16xf32>
        %add3A_287 = arith.addf %add3A_266, %mul3A_286 : vector<16xf32>
        %get3A_288 = arith.index_cast %scan3A_255 : i32 to index
        %get3A_289 = arith.constant 16 : index
        %get3A_290 = tpu.vector_load %arg13[%get3A_288, %get3A_289] {strides = array<i32>} : memref<64x128xf32, #tpu.memory_space<vmem>>, vector<1x16xf32>,
        %get3A_291 = vector.shape_cast %get3A_290 : vector<1x16xf32> to vector<16xf32>
        %mul3A_292 = arith.mulf %get3A_291, %add3A_282 : vector<16xf32>
        %swap3A_293 = arith.index_cast %scan3A_255 : i32 to index
        %swap3A_294 = arith.constant 16 : index
        %swap3A_295 = tpu.vector_load %arg13[%swap3A_293, %swap3A_294] {strides = array<i32>} : memref<64x128xf32, #tpu.memory_space<vmem>>, vector<1x16xf32>,
        %swap3A_296 = vector.shape_cast %swap3A_295 : vector<1x16xf32> to vector<16xf32>
        %swap3A_297 = vector.shape_cast %mul3A_292 : vector<16xf32> to vector<1x16xf32>
        tpu.vector_store %arg13[%swap3A_293, %swap3A_294], %swap3A_297 {strides = array<i32>} : memref<64x128xf32, #tpu.memory_space<vmem>>, vector<1x16xf32>,
        %get3A_298 = arith.index_cast %scan3A_255 : i32 to index
        %get3A_299 = arith.constant 32 : index
        %get3A_300 = tpu.vector_load %arg15[%get3A_298, %get3A_299] {strides = array<i32>} : memref<64x128xf32, #tpu.memory_space<vmem>>, vector<1x16xf32>,
        %get3A_301 = vector.shape_cast %get3A_300 : vector<1x16xf32> to vector<16xf32>
        %mul3A_302 = arith.mulf %get3A_56, %get3A_301 : vector<16xf32>
        %add3A_303 = arith.addf %get3A_16, %mul3A_302 : vector<16xf32>
        %sub3A_304 = arith.constant 1.000000e+00 : f32
        %sub3A_305 = vector.broadcast %sub3A_304 : f32 to vector<16xf32>
        %sub3A_306 = arith.subf %add3A_303, %sub3A_305 : vector<16xf32>
        %mul3A_307 = arith.mulf %sub3A_306, %sub3A_306 : vector<16xf32>
        %add3A_308 = arith.addf %add3A_287, %mul3A_307 : vector<16xf32>
        %get3A_309 = arith.index_cast %scan3A_255 : i32 to index
        %get3A_310 = arith.constant 32 : index
        %get3A_311 = tpu.vector_load %arg13[%get3A_309, %get3A_310] {strides = array<i32>} : memref<64x128xf32, #tpu.memory_space<vmem>>, vector<1x16xf32>,
        %get3A_312 = vector.shape_cast %get3A_311 : vector<1x16xf32> to vector<16xf32>
        %mul3A_313 = arith.mulf %get3A_312, %add3A_303 : vector<16xf32>
        %swap3A_314 = arith.index_cast %scan3A_255 : i32 to index
        %swap3A_315 = arith.constant 32 : index
        %swap3A_316 = tpu.vector_load %arg13[%swap3A_314, %swap3A_315] {strides = array<i32>} : memref<64x128xf32, #tpu.memory_space<vmem>>, vector<1x16xf32>,
        %swap3A_317 = vector.shape_cast %swap3A_316 : vector<1x16xf32> to vector<16xf32>
        %swap3A_318 = vector.shape_cast %mul3A_313 : vector<16xf32> to vector<1x16xf32>
        tpu.vector_store %arg13[%swap3A_314, %swap3A_315], %swap3A_318 {strides = array<i32>} : memref<64x128xf32, #tpu.memory_space<vmem>>, vector<1x16xf32>,
        %get3A_319 = arith.index_cast %scan3A_255 : i32 to index
        %get3A_320 = arith.constant 48 : index
        %get3A_321 = tpu.vector_load %arg15[%get3A_319, %get3A_320] {strides = array<i32>} : memref<64x128xf32, #tpu.memory_space<vmem>>, vector<1x16xf32>,
        %get3A_322 = vector.shape_cast %get3A_321 : vector<1x16xf32> to vector<16xf32>
        %mul3A_323 = arith.mulf %get3A_61, %get3A_322 : vector<16xf32>
        %add3A_324 = arith.addf %get3A_21, %mul3A_323 : vector<16xf32>
        %sub3A_325 = arith.constant 1.000000e+00 : f32
        %sub3A_326 = vector.broadcast %sub3A_325 : f32 to vector<16xf32>
        %sub3A_327 = arith.subf %add3A_324, %sub3A_326 : vector<16xf32>
        %mul3A_328 = arith.mulf %sub3A_327, %sub3A_327 : vector<16xf32>
        %add3A_329 = arith.addf %add3A_308, %mul3A_328 : vector<16xf32>
        %get3A_330 = arith.index_cast %scan3A_255 : i32 to index
        %get3A_331 = arith.constant 48 : index
        %get3A_332 = tpu.vector_load %arg13[%get3A_330, %get3A_331] {strides = array<i32>} : memref<64x128xf32, #tpu.memory_space<vmem>>, vector<1x16xf32>,
        %get3A_333 = vector.shape_cast %get3A_332 : vector<1x16xf32> to vector<16xf32>
        %mul3A_334 = arith.mulf %get3A_333, %add3A_324 : vector<16xf32>
        %swap3A_335 = arith.index_cast %scan3A_255 : i32 to index
        %swap3A_336 = arith.constant 48 : index
        %swap3A_337 = tpu.vector_load %arg13[%swap3A_335, %swap3A_336] {strides = array<i32>} : memref<64x128xf32, #tpu.memory_space<vmem>>, vector<1x16xf32>,
        %swap3A_338 = vector.shape_cast %swap3A_337 : vector<1x16xf32> to vector<16xf32>
        %swap3A_339 = vector.shape_cast %mul3A_334 : vector<16xf32> to vector<1x16xf32>
        tpu.vector_store %arg13[%swap3A_335, %swap3A_336], %swap3A_339 {strides = array<i32>} : memref<64x128xf32, #tpu.memory_space<vmem>>, vector<1x16xf32>,
        %get3A_340 = arith.index_cast %scan3A_255 : i32 to index
        %get3A_341 = arith.constant 64 : index
        %get3A_342 = tpu.vector_load %arg15[%get3A_340, %get3A_341] {strides = array<i32>} : memref<64x128xf32, #tpu.memory_space<vmem>>, vector<1x16xf32>,
        %get3A_343 = vector.shape_cast %get3A_342 : vector<1x16xf32> to vector<16xf32>
        %mul3A_344 = arith.mulf %get3A_66, %get3A_343 : vector<16xf32>
        %add3A_345 = arith.addf %get3A_26, %mul3A_344 : vector<16xf32>
        %sub3A_346 = arith.constant 1.000000e+00 : f32
        %sub3A_347 = vector.broadcast %sub3A_346 : f32 to vector<16xf32>
        %sub3A_348 = arith.subf %add3A_345, %sub3A_347 : vector<16xf32>
        %mul3A_349 = arith.mulf %sub3A_348, %sub3A_348 : vector<16xf32>
        %add3A_350 = arith.addf %add3A_329, %mul3A_349 : vector<16xf32>
        %get3A_351 = arith.index_cast %scan3A_255 : i32 to index
        %get3A_352 = arith.constant 64 : index
        %get3A_353 = tpu.vector_load %arg13[%get3A_351, %get3A_352] {strides = array<i32>} : memref<64x128xf32, #tpu.memory_space<vmem>>, vector<1x16xf32>,
        %get3A_354 = vector.shape_cast %get3A_353 : vector<1x16xf32> to vector<16xf32>
        %mul3A_355 = arith.mulf %get3A_354, %add3A_345 : vector<16xf32>
        %swap3A_356 = arith.index_cast %scan3A_255 : i32 to index
        %swap3A_357 = arith.constant 64 : index
        %swap3A_358 = tpu.vector_load %arg13[%swap3A_356, %swap3A_357] {strides = array<i32>} : memref<64x128xf32, #tpu.memory_space<vmem>>, vector<1x16xf32>,
        %swap3A_359 = vector.shape_cast %swap3A_358 : vector<1x16xf32> to vector<16xf32>
        %swap3A_360 = vector.shape_cast %mul3A_355 : vector<16xf32> to vector<1x16xf32>
        tpu.vector_store %arg13[%swap3A_356, %swap3A_357], %swap3A_360 {strides = array<i32>} : memref<64x128xf32, #tpu.memory_space<vmem>>, vector<1x16xf32>,
        %get3A_361 = arith.index_cast %scan3A_255 : i32 to index
        %get3A_362 = arith.constant 80 : index
        %get3A_363 = tpu.vector_load %arg15[%get3A_361, %get3A_362] {strides = array<i32>} : memref<64x128xf32, #tpu.memory_space<vmem>>, vector<1x16xf32>,
        %get3A_364 = vector.shape_cast %get3A_363 : vector<1x16xf32> to vector<16xf32>
        %mul3A_365 = arith.mulf %get3A_71, %get3A_364 : vector<16xf32>
        %add3A_366 = arith.addf %get3A_31, %mul3A_365 : vector<16xf32>
        %sub3A_367 = arith.constant 1.000000e+00 : f32
        %sub3A_368 = vector.broadcast %sub3A_367 : f32 to vector<16xf32>
        %sub3A_369 = arith.subf %add3A_366, %sub3A_368 : vector<16xf32>
        %mul3A_370 = arith.mulf %sub3A_369, %sub3A_369 : vector<16xf32>
        %add3A_371 = arith.addf %add3A_350, %mul3A_370 : vector<16xf32>
        %get3A_372 = arith.index_cast %scan3A_255 : i32 to index
        %get3A_373 = arith.constant 80 : index
        %get3A_374 = tpu.vector_load %arg13[%get3A_372, %get3A_373] {strides = array<i32>} : memref<64x128xf32, #tpu.memory_space<vmem>>, vector<1x16xf32>,
        %get3A_375 = vector.shape_cast %get3A_374 : vector<1x16xf32> to vector<16xf32>
        %mul3A_376 = arith.mulf %get3A_375, %add3A_366 : vector<16xf32>
        %swap3A_377 = arith.index_cast %scan3A_255 : i32 to index
        %swap3A_378 = arith.constant 80 : index
        %swap3A_379 = tpu.vector_load %arg13[%swap3A_377, %swap3A_378] {strides = array<i32>} : memref<64x128xf32, #tpu.memory_space<vmem>>, vector<1x16xf32>,
        %swap3A_380 = vector.shape_cast %swap3A_379 : vector<1x16xf32> to vector<16xf32>
        %swap3A_381 = vector.shape_cast %mul3A_376 : vector<16xf32> to vector<1x16xf32>
        tpu.vector_store %arg13[%swap3A_377, %swap3A_378], %swap3A_381 {strides = array<i32>} : memref<64x128xf32, #tpu.memory_space<vmem>>, vector<1x16xf32>,
        %get3A_382 = arith.index_cast %scan3A_255 : i32 to index
        %get3A_383 = arith.constant 96 : index
        %get3A_384 = tpu.vector_load %arg15[%get3A_382, %get3A_383] {strides = array<i32>} : memref<64x128xf32, #tpu.memory_space<vmem>>, vector<1x16xf32>,
        %get3A_385 = vector.shape_cast %get3A_384 : vector<1x16xf32> to vector<16xf32>
        %mul3A_386 = arith.mulf %get3A_76, %get3A_385 : vector<16xf32>
        %add3A_387 = arith.addf %get3A_36, %mul3A_386 : vector<16xf32>
        %sub3A_388 = arith.constant 1.000000e+00 : f32
        %sub3A_389 = vector.broadcast %sub3A_388 : f32 to vector<16xf32>
        %sub3A_390 = arith.subf %add3A_387, %sub3A_389 : vector<16xf32>
        %mul3A_391 = arith.mulf %sub3A_390, %sub3A_390 : vector<16xf32>
        %add3A_392 = arith.addf %add3A_371, %mul3A_391 : vector<16xf32>
        %get3A_393 = arith.index_cast %scan3A_255 : i32 to index
        %get3A_394 = arith.constant 96 : index
        %get3A_395 = tpu.vector_load %arg13[%get3A_393, %get3A_394] {strides = array<i32>} : memref<64x128xf32, #tpu.memory_space<vmem>>, vector<1x16xf32>,
        %get3A_396 = vector.shape_cast %get3A_395 : vector<1x16xf32> to vector<16xf32>
        %mul3A_397 = arith.mulf %get3A_396, %add3A_387 : vector<16xf32>
        %swap3A_398 = arith.index_cast %scan3A_255 : i32 to index
        %swap3A_399 = arith.constant 96 : index
        %swap3A_400 = tpu.vector_load %arg13[%swap3A_398, %swap3A_399] {strides = array<i32>} : memref<64x128xf32, #tpu.memory_space<vmem>>, vector<1x16xf32>,
        %swap3A_401 = vector.shape_cast %swap3A_400 : vector<1x16xf32> to vector<16xf32>
        %swap3A_402 = vector.shape_cast %mul3A_397 : vector<16xf32> to vector<1x16xf32>
        tpu.vector_store %arg13[%swap3A_398, %swap3A_399], %swap3A_402 {strides = array<i32>} : memref<64x128xf32, #tpu.memory_space<vmem>>, vector<1x16xf32>,
        %get3A_403 = arith.index_cast %scan3A_255 : i32 to index
        %get3A_404 = arith.constant 112 : index
        %get3A_405 = tpu.vector_load %arg15[%get3A_403, %get3A_404] {strides = array<i32>} : memref<64x128xf32, #tpu.memory_space<vmem>>, vector<1x16xf32>,
        %get3A_406 = vector.shape_cast %get3A_405 : vector<1x16xf32> to vector<16xf32>
        %mul3A_407 = arith.mulf %get3A_81, %get3A_406 : vector<16xf32>
        %add3A_408 = arith.addf %get3A_41, %mul3A_407 : vector<16xf32>
        %sub3A_409 = arith.constant 1.000000e+00 : f32
        %sub3A_410 = vector.broadcast %sub3A_409 : f32 to vector<16xf32>
        %sub3A_411 = arith.subf %add3A_408, %sub3A_410 : vector<16xf32>
        %mul3A_412 = arith.mulf %sub3A_411, %sub3A_411 : vector<16xf32>
        %add3A_413 = arith.addf %add3A_392, %mul3A_412 : vector<16xf32>
        %get3A_414 = arith.index_cast %scan3A_255 : i32 to index
        %get3A_415 = arith.constant 112 : index
        %get3A_416 = tpu.vector_load %arg13[%get3A_414, %get3A_415] {strides = array<i32>} : memref<64x128xf32, #tpu.memory_space<vmem>>, vector<1x16xf32>,
        %get3A_417 = vector.shape_cast %get3A_416 : vector<1x16xf32> to vector<16xf32>
        %mul3A_418 = arith.mulf %get3A_417, %add3A_408 : vector<16xf32>
        %swap3A_419 = arith.index_cast %scan3A_255 : i32 to index
        %swap3A_420 = arith.constant 112 : index
        %swap3A_421 = tpu.vector_load %arg13[%swap3A_419, %swap3A_420] {strides = array<i32>} : memref<64x128xf32, #tpu.memory_space<vmem>>, vector<1x16xf32>,
        %swap3A_422 = vector.shape_cast %swap3A_421 : vector<1x16xf32> to vector<16xf32>
        %swap3A_423 = vector.shape_cast %mul3A_418 : vector<16xf32> to vector<1x16xf32>
        tpu.vector_store %arg13[%swap3A_419, %swap3A_420], %swap3A_423 {strides = array<i32>} : memref<64x128xf32, #tpu.memory_space<vmem>>, vector<1x16xf32>,
        scf.yield %add3A_413 : vector<16xf32>
      }
      %scan3A_245 = arith.constant 64 : i32
      %mul3A_246 = vector.broadcast %select_n3A_237 : f32 to vector<16xf32>
      %mul3A_247 = arith.mulf %mul3A_246, %scan3A_244 : vector<16xf32>
      %add3A_248 = arith.addf %add3A_197, %mul3A_247 : vector<16xf32>
      %dma_start3A_249 = arith.constant 0 : i32
      %dma_start3A_250 = tpu.memref_slice %arg11[%add3A_207, %dma_start3A_249] : memref<80x64xi32, #tpu.memory_space<vmem>> -> memref<1x64xi32, #tpu.memory_space<vmem>>
      %dma_start3A_251 = tpu.memref_squeeze %dma_start3A_250 : memref<1x64xi32, #tpu.memory_space<vmem>> -> memref<64xi32, #tpu.memory_space<vmem>>
      %dma_start3A_252 = arith.constant 0 : i32
      %dma_start3A_253 = arith.constant 0 : i32
      %dma_start3A_254 = tpu.memref_slice %arg19[%dma_start3A_252, %dma_start3A_253] : memref<10008x128xf32, #tpu.memory_space<vmem_shared>> -> memref<10008x128xf32, #tpu.memory_space<vmem_shared>>
      tpu.enqueue_indirect_dma source(%arg13 : memref<64x128xf32, #tpu.memory_space<vmem>>) target(%dma_start3A_254 : memref<10008x128xf32, #tpu.memory_space<vmem_shared>>) offsets(%dma_start3A_251 : memref<64xi32, #tpu.memory_space<vmem>>) semaphore(%arg25 : memref<!tpu.dma_semaphore, #tpu.memory_space<semaphore_mem>>) {add = true}
      scf.yield %add3A_248 : vector<16xf32>
    }
    %scan3A_134 = arith.constant 40 : i32
    %dma_wait3A = arith.constant 79 : i32
    %dma_wait3A_135 = arith.constant 0 : i32
    %dma_wait3A_136 = tpu.memref_slice %arg11[%dma_wait3A, %dma_wait3A_135] : memref<80x64xi32, #tpu.memory_space<vmem>> -> memref<1x64xi32, #tpu.memory_space<vmem>>
    %dma_wait3A_137 = tpu.memref_squeeze %dma_wait3A_136 : memref<1x64xi32, #tpu.memory_space<vmem>> -> memref<64xi32, #tpu.memory_space<vmem>>
    %dma_wait3A_138 = arith.constant 0 : i32
    %dma_wait3A_139 = arith.constant 0 : i32
    %dma_wait3A_140 = tpu.memref_slice %arg19[%dma_wait3A_138, %dma_wait3A_139] : memref<10008x128xf32, #tpu.memory_space<vmem_shared>> -> memref<10008x128xf32, #tpu.memory_space<vmem_shared>>
    tpu.wait_indirect_dma semaphore(%arg25 : memref<!tpu.dma_semaphore, #tpu.memory_space<semaphore_mem>>) src(%arg13 : memref<64x128xf32, #tpu.memory_space<vmem>>) dst(%dma_wait3A_140 : memref<10008x128xf32, #tpu.memory_space<vmem_shared>>)
    %swap3A = arith.constant 0 : index
    %swap3A_141 = tpu.vector_load %arg18[%swap3A] {strides = array<i32>} : memref<16xf32, #tpu.memory_space<vmem>>, vector<16xf32>,
    %swap3A_142 = vector.shape_cast %swap3A_141 : vector<16xf32> to vector<16xf32>
    %swap3A_143 = vector.shape_cast %scan3A_133 : vector<16xf32> to vector<16xf32>
    tpu.vector_store %arg18[%swap3A], %swap3A_143 {strides = array<i32>} : memref<16xf32, #tpu.memory_space<vmem>>, vector<16xf32>,
    %mul3A_144 = arith.constant 16 : i32
    %mul3A_145 = arith.muli %add3A, %mul3A_144 : i32
    "tpu.region"() ({
      %run_scoped3A = tpu.sem_alloc : memref<!tpu.dma_semaphore, #tpu.memory_space<semaphore_mem>>
      %dma_start3A_155 = tpu.memref_slice %arg9[%mul3A_145] : memref<512xf32, #tpu.memory_space<hbm>> -> memref<16xf32, #tpu.memory_space<hbm>>
      %dma_start3A_156 = tpu.memref_slice %arg9[%mul3A_145] : memref<512xf32, #tpu.memory_space<hbm>> -> memref<16xf32, #tpu.memory_space<hbm>>
      tpu.enqueue_dma source(%arg18 : memref<16xf32, #tpu.memory_space<vmem>>) target(%dma_start3A_156 : memref<16xf32, #tpu.memory_space<hbm>>) target_semaphore(%run_scoped3A : memref<!tpu.dma_semaphore, #tpu.memory_space<semaphore_mem>>)
      %dma_wait3A_157 = tpu.memref_slice %arg9[%mul3A_145] : memref<512xf32, #tpu.memory_space<hbm>> -> memref<16xf32, #tpu.memory_space<hbm>>
      %dma_wait3A_158 = tpu.memref_slice %arg9[%mul3A_145] : memref<512xf32, #tpu.memory_space<hbm>> -> memref<16xf32, #tpu.memory_space<hbm>>
      tpu.wait_dma2 semaphore(%run_scoped3A : memref<!tpu.dma_semaphore, #tpu.memory_space<semaphore_mem>>) src(%arg18 : memref<16xf32, #tpu.memory_space<vmem>>) dst(%dma_wait3A_158 : memref<16xf32, #tpu.memory_space<hbm>>)
      tpu.yield
    }) : () -> ()
    %barrier3A_146 = arith.constant 0 : index
    tpu.barrier barrier_id(%barrier3A_146)
    %mul3A_147 = arith.constant 10000 : i32
    %mul3A_148 = arith.muli %arg0, %mul3A_147 : i32
    %add3A_149 = arith.addi %mul3A_148, %mul3A_88 : i32
    "tpu.region"() ({
      %run_scoped3A = tpu.sem_alloc : memref<!tpu.dma_semaphore, #tpu.memory_space<semaphore_mem>>
      %dma_start3A_155 = arith.constant 0 : i32
      %dma_start3A_156 = tpu.memref_slice %arg8[%add3A_149, %dma_start3A_155] : memref<20000x128xf32, #tpu.memory_space<hbm>> -> memref<624x128xf32, #tpu.memory_space<hbm>>
      %dma_start3A_157 = arith.constant 0 : i32
      %dma_start3A_158 = tpu.memref_slice %arg19[%mul3A_88, %dma_start3A_157] : memref<10008x128xf32, #tpu.memory_space<vmem_shared>> -> memref<624x128xf32, #tpu.memory_space<vmem_shared>>
      tpu.enqueue_dma source(%dma_start3A_158 : memref<624x128xf32, #tpu.memory_space<vmem_shared>>) target(%dma_start3A_156 : memref<624x128xf32, #tpu.memory_space<hbm>>) target_semaphore(%run_scoped3A : memref<!tpu.dma_semaphore, #tpu.memory_space<semaphore_mem>>)
      %dma_wait3A_159 = arith.constant 0 : i32
      %dma_wait3A_160 = tpu.memref_slice %arg8[%add3A_149, %dma_wait3A_159] : memref<20000x128xf32, #tpu.memory_space<hbm>> -> memref<624x128xf32, #tpu.memory_space<hbm>>
      %dma_wait3A_161 = arith.constant 0 : i32
      %dma_wait3A_162 = tpu.memref_slice %arg19[%mul3A_88, %dma_wait3A_161] : memref<10008x128xf32, #tpu.memory_space<vmem_shared>> -> memref<624x128xf32, #tpu.memory_space<vmem_shared>>
      tpu.wait_dma2 semaphore(%run_scoped3A : memref<!tpu.dma_semaphore, #tpu.memory_space<semaphore_mem>>) src(%dma_wait3A_162 : memref<624x128xf32, #tpu.memory_space<vmem_shared>>) dst(%dma_wait3A_160 : memref<624x128xf32, #tpu.memory_space<hbm>>)
      tpu.yield
    }) : () -> ()
    %eq3A_150 = arith.constant 15 : i32
    %eq3A_151 = arith.cmpi eq, %arg1, %eq3A_150 : i32
    %convert_element_type3A_152 = arith.extui %eq3A_151 : i1 to i32
    %cond3A_153 = arith.constant 0 : i32
    %cond3A_154 = arith.cmpi ne, %convert_element_type3A_152, %cond3A_153 : i32
    scf.if %cond3A_154 {
      %mul3A_155 = arith.constant 10000 : i32
      %mul3A_156 = arith.muli %arg0, %mul3A_155 : i32
      %add3A_157 = arith.constant 9984 : i32
      %add3A_158 = arith.addi %mul3A_156, %add3A_157 : i32
      "tpu.region"() ({
        %run_scoped3A = tpu.sem_alloc : memref<!tpu.dma_semaphore, #tpu.memory_space<semaphore_mem>>
        %dma_start3A_159 = arith.constant 0 : i32
        %dma_start3A_160 = tpu.memref_slice %arg8[%add3A_158, %dma_start3A_159] : memref<20000x128xf32, #tpu.memory_space<hbm>> -> memref<16x128xf32, #tpu.memory_space<hbm>>
        %dma_start3A_161 = arith.constant 9984 : i32
        %dma_start3A_162 = arith.constant 0 : i32
        %dma_start3A_163 = tpu.memref_slice %arg19[%dma_start3A_161, %dma_start3A_162] : memref<10008x128xf32, #tpu.memory_space<vmem_shared>> -> memref<16x128xf32, #tpu.memory_space<vmem_shared>>
        tpu.enqueue_dma source(%dma_start3A_163 : memref<16x128xf32, #tpu.memory_space<vmem_shared>>) target(%dma_start3A_160 : memref<16x128xf32, #tpu.memory_space<hbm>>) target_semaphore(%run_scoped3A : memref<!tpu.dma_semaphore, #tpu.memory_space<semaphore_mem>>)
        %dma_wait3A_164 = arith.constant 0 : i32
        %dma_wait3A_165 = tpu.memref_slice %arg8[%add3A_158, %dma_wait3A_164] : memref<20000x128xf32, #tpu.memory_space<hbm>> -> memref<16x128xf32, #tpu.memory_space<hbm>>
        %dma_wait3A_166 = arith.constant 9984 : i32
        %dma_wait3A_167 = arith.constant 0 : i32
        %dma_wait3A_168 = tpu.memref_slice %arg19[%dma_wait3A_166, %dma_wait3A_167] : memref<10008x128xf32, #tpu.memory_space<vmem_shared>> -> memref<16x128xf32, #tpu.memory_space<vmem_shared>>
        tpu.wait_dma2 semaphore(%run_scoped3A : memref<!tpu.dma_semaphore, #tpu.memory_space<semaphore_mem>>) src(%dma_wait3A_168 : memref<16x128xf32, #tpu.memory_space<vmem_shared>>) dst(%dma_wait3A_165 : memref<16x128xf32, #tpu.memory_space<hbm>>)
        tpu.yield
      }) : () -> ()
    } else {
    }
    return
  }
}

#map = affine_map<(d0, d1) -> (0)>
#map1 = affine_map<(d0, d1) -> (0, 0)>
module attributes {stable_mosaic.version = 14 : i64} {
  func.func @_sc_layer_body(%arg0: i32, %arg1: i32, %arg2: memref<163840xi32, #tpu.memory_space<hbm>>, %arg3: memref<2560x64xi32, #tpu.memory_space<hbm>>, %arg4: memref<10000x128xf32, #tpu.memory_space<hbm>>, %arg5: memref<160000x128xf32, #tpu.memory_space<hbm>>, %arg6: memref<8x16xf32, #tpu.memory_space<hbm>>, %arg7: memref<8x16xf32, #tpu.memory_space<hbm>>, %arg8: memref<20000x128xf32, #tpu.memory_space<hbm>>, %arg9: memref<512xf32, #tpu.memory_space<hbm>>, %arg10: memref<5120xi32, #tpu.memory_space<vmem>>, %arg11: memref<80x64xi32, #tpu.memory_space<vmem>>, %arg12: memref<64x128xf32, #tpu.memory_space<vmem>>, %arg13: memref<64x128xf32, #tpu.memory_space<vmem>>, %arg14: memref<64x128xf32, #tpu.memory_space<vmem>>, %arg15: memref<64x128xf32, #tpu.memory_space<vmem>>, %arg16: memref<8x16xf32, #tpu.memory_space<vmem>>, %arg17: memref<8x16xf32, #tpu.memory_space<vmem>>, %arg18: memref<16xf32, #tpu.memory_space<vmem>>, %arg19: memref<10008x128xf32, #tpu.memory_space<vmem_shared>>, %arg20: memref<!tpu.dma_semaphore, #tpu.memory_space<semaphore_mem>>, %arg21: memref<!tpu.dma_semaphore, #tpu.memory_space<semaphore_mem>>, %arg22: memref<!tpu.dma_semaphore, #tpu.memory_space<semaphore_mem>>, %arg23: memref<!tpu.dma_semaphore, #tpu.memory_space<semaphore_mem>>, %arg24: memref<!tpu.dma_semaphore, #tpu.memory_space<semaphore_mem>>, %arg25: memref<!tpu.dma_semaphore, #tpu.memory_space<semaphore_mem>>) attributes {dimension_semantics = [#tpu.dimension_semantics<core_parallel>, #tpu.dimension_semantics<subcore_parallel>], iteration_bounds = array<i64: 2, 16>, scalar_prefetch = 0 : i64, scratch_operands = 16 : i64, tpu.core_type = #tpu.core_type<sc_vector_subcore>, window_params = [{transform_indices = #map}, {transform_indices = #map1}, {transform_indices = #map1}, {transform_indices = #map1}, {transform_indices = #map1}, {transform_indices = #map1}, {transform_indices = #map1}, {transform_indices = #map}]} {
    %mul3A = arith.constant 16 : i32
    %mul3A_0 = arith.muli %arg0, %mul3A : i32
    %add3A = arith.addi %mul3A_0, %arg1 : i32
    %mul3A_1 = arith.constant 80 : i32
    %mul3A_2 = arith.muli %add3A, %mul3A_1 : i32
    "tpu.region"() ({
      %run_scoped3A = tpu.sem_alloc : memref<!tpu.dma_semaphore, #tpu.memory_space<semaphore_mem>>
      tpu.enqueue_dma source(%arg6 : memref<8x16xf32, #tpu.memory_space<hbm>>) target(%arg16 : memref<8x16xf32, #tpu.memory_space<vmem>>) target_semaphore(%run_scoped3A : memref<!tpu.dma_semaphore, #tpu.memory_space<semaphore_mem>>)
      tpu.wait_dma2 semaphore(%run_scoped3A : memref<!tpu.dma_semaphore, #tpu.memory_space<semaphore_mem>>) src(%arg6 : memref<8x16xf32, #tpu.memory_space<hbm>>) dst(%arg16 : memref<8x16xf32, #tpu.memory_space<vmem>>)
      tpu.yield
    }) : () -> ()
    "tpu.region"() ({
      %run_scoped3A = tpu.sem_alloc : memref<!tpu.dma_semaphore, #tpu.memory_space<semaphore_mem>>
      tpu.enqueue_dma source(%arg7 : memref<8x16xf32, #tpu.memory_space<hbm>>) target(%arg17 : memref<8x16xf32, #tpu.memory_space<vmem>>) target_semaphore(%run_scoped3A : memref<!tpu.dma_semaphore, #tpu.memory_space<semaphore_mem>>)
      tpu.wait_dma2 semaphore(%run_scoped3A : memref<!tpu.dma_semaphore, #tpu.memory_space<semaphore_mem>>) src(%arg7 : memref<8x16xf32, #tpu.memory_space<hbm>>) dst(%arg17 : memref<8x16xf32, #tpu.memory_space<vmem>>)
      tpu.yield
    }) : () -> ()
    %get3A = arith.constant 0 : i32
    %get3A_3 = arith.index_cast %get3A : i32 to index
    %get3A_4 = arith.constant 0 : index
    %get3A_5 = tpu.vector_load %arg16[%get3A_3, %get3A_4] {strides = array<i32>} : memref<8x16xf32, #tpu.memory_space<vmem>>, vector<1x16xf32>,
    %get3A_6 = vector.shape_cast %get3A_5 : vector<1x16xf32> to vector<16xf32>
    %get3A_7 = arith.constant 1 : i32
    %get3A_8 = arith.index_cast %get3A_7 : i32 to index
    %get3A_9 = arith.constant 0 : index
    %get3A_10 = tpu.vector_load %arg16[%get3A_8, %get3A_9] {strides = array<i32>} : memref<8x16xf32, #tpu.memory_space<vmem>>, vector<1x16xf32>,
    %get3A_11 = vector.shape_cast %get3A_10 : vector<1x16xf32> to vector<16xf32>
    %get3A_12 = arith.constant 2 : i32
    %get3A_13 = arith.index_cast %get3A_12 : i32 to index
    %get3A_14 = arith.constant 0 : index
    %get3A_15 = tpu.vector_load %arg16[%get3A_13, %get3A_14] {strides = array<i32>} : memref<8x16xf32, #tpu.memory_space<vmem>>, vector<1x16xf32>,
    %get3A_16 = vector.shape_cast %get3A_15 : vector<1x16xf32> to vector<16xf32>
    %get3A_17 = arith.constant 3 : i32
    %get3A_18 = arith.index_cast %get3A_17 : i32 to index
    %get3A_19 = arith.constant 0 : index
    %get3A_20 = tpu.vector_load %arg16[%get3A_18, %get3A_19] {strides = array<i32>} : memref<8x16xf32, #tpu.memory_space<vmem>>, vector<1x16xf32>,
    %get3A_21 = vector.shape_cast %get3A_20 : vector<1x16xf32> to vector<16xf32>
    %get3A_22 = arith.constant 4 : i32
    %get3A_23 = arith.index_cast %get3A_22 : i32 to index
    %get3A_24 = arith.constant 0 : index
    %get3A_25 = tpu.vector_load %arg16[%get3A_23, %get3A_24] {strides = array<i32>} : memref<8x16xf32, #tpu.memory_space<vmem>>, vector<1x16xf32>,
    %get3A_26 = vector.shape_cast %get3A_25 : vector<1x16xf32> to vector<16xf32>
    %get3A_27 = arith.constant 5 : i32
    %get3A_28 = arith.index_cast %get3A_27 : i32 to index
    %get3A_29 = arith.constant 0 : index
    %get3A_30 = tpu.vector_load %arg16[%get3A_28, %get3A_29] {strides = array<i32>} : memref<8x16xf32, #tpu.memory_space<vmem>>, vector<1x16xf32>,
    %get3A_31 = vector.shape_cast %get3A_30 : vector<1x16xf32> to vector<16xf32>
    %get3A_32 = arith.constant 6 : i32
    %get3A_33 = arith.index_cast %get3A_32 : i32 to index
    %get3A_34 = arith.constant 0 : index
    %get3A_35 = tpu.vector_load %arg16[%get3A_33, %get3A_34] {strides = array<i32>} : memref<8x16xf32, #tpu.memory_space<vmem>>, vector<1x16xf32>,
    %get3A_36 = vector.shape_cast %get3A_35 : vector<1x16xf32> to vector<16xf32>
    %get3A_37 = arith.constant 7 : i32
    %get3A_38 = arith.index_cast %get3A_37 : i32 to index
    %get3A_39 = arith.constant 0 : index
    %get3A_40 = tpu.vector_load %arg16[%get3A_38, %get3A_39] {strides = array<i32>} : memref<8x16xf32, #tpu.memory_space<vmem>>, vector<1x16xf32>,
    %get3A_41 = vector.shape_cast %get3A_40 : vector<1x16xf32> to vector<16xf32>
    %get3A_42 = arith.constant 0 : i32
    %get3A_43 = arith.index_cast %get3A_42 : i32 to index
    %get3A_44 = arith.constant 0 : index
    %get3A_45 = tpu.vector_load %arg17[%get3A_43, %get3A_44] {strides = array<i32>} : memref<8x16xf32, #tpu.memory_space<vmem>>, vector<1x16xf32>,
    %get3A_46 = vector.shape_cast %get3A_45 : vector<1x16xf32> to vector<16xf32>
    %get3A_47 = arith.constant 1 : i32
    %get3A_48 = arith.index_cast %get3A_47 : i32 to index
    %get3A_49 = arith.constant 0 : index
    %get3A_50 = tpu.vector_load %arg17[%get3A_48, %get3A_49] {strides = array<i32>} : memref<8x16xf32, #tpu.memory_space<vmem>>, vector<1x16xf32>,
    %get3A_51 = vector.shape_cast %get3A_50 : vector<1x16xf32> to vector<16xf32>
    %get3A_52 = arith.constant 2 : i32
    %get3A_53 = arith.index_cast %get3A_52 : i32 to index
    %get3A_54 = arith.constant 0 : index
    %get3A_55 = tpu.vector_load %arg17[%get3A_53, %get3A_54] {strides = array<i32>} : memref<8x16xf32, #tpu.memory_space<vmem>>, vector<1x16xf32>,
    %get3A_56 = vector.shape_cast %get3A_55 : vector<1x16xf32> to vector<16xf32>
    %get3A_57 = arith.constant 3 : i32
    %get3A_58 = arith.index_cast %get3A_57 : i32 to index
    %get3A_59 = arith.constant 0 : index
    %get3A_60 = tpu.vector_load %arg17[%get3A_58, %get3A_59] {strides = array<i32>} : memref<8x16xf32, #tpu.memory_space<vmem>>, vector<1x16xf32>,
    %get3A_61 = vector.shape_cast %get3A_60 : vector<1x16xf32> to vector<16xf32>
    %get3A_62 = arith.constant 4 : i32
    %get3A_63 = arith.index_cast %get3A_62 : i32 to index
    %get3A_64 = arith.constant 0 : index
    %get3A_65 = tpu.vector_load %arg17[%get3A_63, %get3A_64] {strides = array<i32>} : memref<8x16xf32, #tpu.memory_space<vmem>>, vector<1x16xf32>,
    %get3A_66 = vector.shape_cast %get3A_65 : vector<1x16xf32> to vector<16xf32>
    %get3A_67 = arith.constant 5 : i32
    %get3A_68 = arith.index_cast %get3A_67 : i32 to index
    %get3A_69 = arith.constant 0 : index
    %get3A_70 = tpu.vector_load %arg17[%get3A_68, %get3A_69] {strides = array<i32>} : memref<8x16xf32, #tpu.memory_space<vmem>>, vector<1x16xf32>,
    %get3A_71 = vector.shape_cast %get3A_70 : vector<1x16xf32> to vector<16xf32>
    %get3A_72 = arith.constant 6 : i32
    %get3A_73 = arith.index_cast %get3A_72 : i32 to index
    %get3A_74 = arith.constant 0 : index
    %get3A_75 = tpu.vector_load %arg17[%get3A_73, %get3A_74] {strides = array<i32>} : memref<8x16xf32, #tpu.memory_space<vmem>>, vector<1x16xf32>,
    %get3A_76 = vector.shape_cast %get3A_75 : vector<1x16xf32> to vector<16xf32>
    %get3A_77 = arith.constant 7 : i32
    %get3A_78 = arith.index_cast %get3A_77 : i32 to index
    %get3A_79 = arith.constant 0 : index
    %get3A_80 = tpu.vector_load %arg17[%get3A_78, %get3A_79] {strides = array<i32>} : memref<8x16xf32, #tpu.memory_space<vmem>>, vector<1x16xf32>,
    %get3A_81 = vector.shape_cast %get3A_80 : vector<1x16xf32> to vector<16xf32>
    %scan3A = arith.constant 0 : i32
    %scan3A_82 = arith.constant 0 : i32
    %scan3A_83 = arith.constant 64 : i32
    %scan3A_84 = arith.addi %scan3A_82, %scan3A_83 : i32
    %scan3A_85 = arith.constant 1 : i32
    scf.for %scan3A_155 = %scan3A_82 to %scan3A_84 step %scan3A_85  : i32 {
      %broadcast_in_dim3A_156 = arith.constant 0.000000e+00 : f32
      %broadcast_in_dim3A_157 = vector.broadcast %broadcast_in_dim3A_156 : f32 to vector<16xf32>
      %swap3A_158 = arith.index_cast %scan3A_155 : i32 to index
      %swap3A_159 = arith.constant 0 : index
      %swap3A_160 = tpu.vector_load %arg12[%swap3A_158, %swap3A_159] {strides = array<i32>} : memref<64x128xf32, #tpu.memory_space<vmem>>, vector<1x16xf32>,
      %swap3A_161 = vector.shape_cast %swap3A_160 : vector<1x16xf32> to vector<16xf32>
      %swap3A_162 = vector.shape_cast %broadcast_in_dim3A_157 : vector<16xf32> to vector<1x16xf32>
      tpu.vector_store %arg12[%swap3A_158, %swap3A_159], %swap3A_162 {strides = array<i32>} : memref<64x128xf32, #tpu.memory_space<vmem>>, vector<1x16xf32>,
      %broadcast_in_dim3A_163 = arith.constant 0.000000e+00 : f32
      %broadcast_in_dim3A_164 = vector.broadcast %broadcast_in_dim3A_163 : f32 to vector<16xf32>
      %swap3A_165 = arith.index_cast %scan3A_155 : i32 to index
      %swap3A_166 = arith.constant 16 : index
      %swap3A_167 = tpu.vector_load %arg12[%swap3A_165, %swap3A_166] {strides = array<i32>} : memref<64x128xf32, #tpu.memory_space<vmem>>, vector<1x16xf32>,
      %swap3A_168 = vector.shape_cast %swap3A_167 : vector<1x16xf32> to vector<16xf32>
      %swap3A_169 = vector.shape_cast %broadcast_in_dim3A_164 : vector<16xf32> to vector<1x16xf32>
      tpu.vector_store %arg12[%swap3A_165, %swap3A_166], %swap3A_169 {strides = array<i32>} : memref<64x128xf32, #tpu.memory_space<vmem>>, vector<1x16xf32>,
      %broadcast_in_dim3A_170 = arith.constant 0.000000e+00 : f32
      %broadcast_in_dim3A_171 = vector.broadcast %broadcast_in_dim3A_170 : f32 to vector<16xf32>
      %swap3A_172 = arith.index_cast %scan3A_155 : i32 to index
      %swap3A_173 = arith.constant 32 : index
      %swap3A_174 = tpu.vector_load %arg12[%swap3A_172, %swap3A_173] {strides = array<i32>} : memref<64x128xf32, #tpu.memory_space<vmem>>, vector<1x16xf32>,
      %swap3A_175 = vector.shape_cast %swap3A_174 : vector<1x16xf32> to vector<16xf32>
      %swap3A_176 = vector.shape_cast %broadcast_in_dim3A_171 : vector<16xf32> to vector<1x16xf32>
      tpu.vector_store %arg12[%swap3A_172, %swap3A_173], %swap3A_176 {strides = array<i32>} : memref<64x128xf32, #tpu.memory_space<vmem>>, vector<1x16xf32>,
      %broadcast_in_dim3A_177 = arith.constant 0.000000e+00 : f32
      %broadcast_in_dim3A_178 = vector.broadcast %broadcast_in_dim3A_177 : f32 to vector<16xf32>
      %swap3A_179 = arith.index_cast %scan3A_155 : i32 to index
      %swap3A_180 = arith.constant 48 : index
      %swap3A_181 = tpu.vector_load %arg12[%swap3A_179, %swap3A_180] {strides = array<i32>} : memref<64x128xf32, #tpu.memory_space<vmem>>, vector<1x16xf32>,
      %swap3A_182 = vector.shape_cast %swap3A_181 : vector<1x16xf32> to vector<16xf32>
      %swap3A_183 = vector.shape_cast %broadcast_in_dim3A_178 : vector<16xf32> to vector<1x16xf32>
      tpu.vector_store %arg12[%swap3A_179, %swap3A_180], %swap3A_183 {strides = array<i32>} : memref<64x128xf32, #tpu.memory_space<vmem>>, vector<1x16xf32>,
      %broadcast_in_dim3A_184 = arith.constant 0.000000e+00 : f32
      %broadcast_in_dim3A_185 = vector.broadcast %broadcast_in_dim3A_184 : f32 to vector<16xf32>
      %swap3A_186 = arith.index_cast %scan3A_155 : i32 to index
      %swap3A_187 = arith.constant 64 : index
      %swap3A_188 = tpu.vector_load %arg12[%swap3A_186, %swap3A_187] {strides = array<i32>} : memref<64x128xf32, #tpu.memory_space<vmem>>, vector<1x16xf32>,
      %swap3A_189 = vector.shape_cast %swap3A_188 : vector<1x16xf32> to vector<16xf32>
      %swap3A_190 = vector.shape_cast %broadcast_in_dim3A_185 : vector<16xf32> to vector<1x16xf32>
      tpu.vector_store %arg12[%swap3A_186, %swap3A_187], %swap3A_190 {strides = array<i32>} : memref<64x128xf32, #tpu.memory_space<vmem>>, vector<1x16xf32>,
      %broadcast_in_dim3A_191 = arith.constant 0.000000e+00 : f32
      %broadcast_in_dim3A_192 = vector.broadcast %broadcast_in_dim3A_191 : f32 to vector<16xf32>
      %swap3A_193 = arith.index_cast %scan3A_155 : i32 to index
      %swap3A_194 = arith.constant 80 : index
      %swap3A_195 = tpu.vector_load %arg12[%swap3A_193, %swap3A_194] {strides = array<i32>} : memref<64x128xf32, #tpu.memory_space<vmem>>, vector<1x16xf32>,
      %swap3A_196 = vector.shape_cast %swap3A_195 : vector<1x16xf32> to vector<16xf32>
      %swap3A_197 = vector.shape_cast %broadcast_in_dim3A_192 : vector<16xf32> to vector<1x16xf32>
      tpu.vector_store %arg12[%swap3A_193, %swap3A_194], %swap3A_197 {strides = array<i32>} : memref<64x128xf32, #tpu.memory_space<vmem>>, vector<1x16xf32>,
      %broadcast_in_dim3A_198 = arith.constant 0.000000e+00 : f32
      %broadcast_in_dim3A_199 = vector.broadcast %broadcast_in_dim3A_198 : f32 to vector<16xf32>
      %swap3A_200 = arith.index_cast %scan3A_155 : i32 to index
      %swap3A_201 = arith.constant 96 : index
      %swap3A_202 = tpu.vector_load %arg12[%swap3A_200, %swap3A_201] {strides = array<i32>} : memref<64x128xf32, #tpu.memory_space<vmem>>, vector<1x16xf32>,
      %swap3A_203 = vector.shape_cast %swap3A_202 : vector<1x16xf32> to vector<16xf32>
      %swap3A_204 = vector.shape_cast %broadcast_in_dim3A_199 : vector<16xf32> to vector<1x16xf32>
      tpu.vector_store %arg12[%swap3A_200, %swap3A_201], %swap3A_204 {strides = array<i32>} : memref<64x128xf32, #tpu.memory_space<vmem>>, vector<1x16xf32>,
      %broadcast_in_dim3A_205 = arith.constant 0.000000e+00 : f32
      %broadcast_in_dim3A_206 = vector.broadcast %broadcast_in_dim3A_205 : f32 to vector<16xf32>
      %swap3A_207 = arith.index_cast %scan3A_155 : i32 to index
      %swap3A_208 = arith.constant 112 : index
      %swap3A_209 = tpu.vector_load %arg12[%swap3A_207, %swap3A_208] {strides = array<i32>} : memref<64x128xf32, #tpu.memory_space<vmem>>, vector<1x16xf32>,
      %swap3A_210 = vector.shape_cast %swap3A_209 : vector<1x16xf32> to vector<16xf32>
      %swap3A_211 = vector.shape_cast %broadcast_in_dim3A_206 : vector<16xf32> to vector<1x16xf32>
      tpu.vector_store %arg12[%swap3A_207, %swap3A_208], %swap3A_211 {strides = array<i32>} : memref<64x128xf32, #tpu.memory_space<vmem>>, vector<1x16xf32>,
    }
    %scan3A_86 = arith.constant 64 : i32
    %mul3A_87 = arith.constant 624 : i32
    %mul3A_88 = arith.muli %arg1, %mul3A_87 : i32
    %add3A_89 = arith.constant 0 : i32
    %add3A_90 = arith.addi %mul3A_88, %add3A_89 : i32
    "tpu.region"() ({
      %run_scoped3A = tpu.sem_alloc : memref<!tpu.dma_semaphore, #tpu.memory_space<semaphore_mem>>
      %dma_start3A_155 = arith.constant 0 : i32
      %dma_start3A_156 = tpu.memref_slice %arg19[%add3A_90, %dma_start3A_155] : memref<10008x128xf32, #tpu.memory_space<vmem_shared>> -> memref<64x128xf32, #tpu.memory_space<vmem_shared>>
      %dma_start3A_157 = arith.constant 0 : i32
      %dma_start3A_158 = tpu.memref_slice %arg19[%add3A_90, %dma_start3A_157] : memref<10008x128xf32, #tpu.memory_space<vmem_shared>> -> memref<64x128xf32, #tpu.memory_space<vmem_shared>>
      tpu.enqueue_dma source(%arg12 : memref<64x128xf32, #tpu.memory_space<vmem>>) target(%dma_start3A_158 : memref<64x128xf32, #tpu.memory_space<vmem_shared>>) target_semaphore(%run_scoped3A : memref<!tpu.dma_semaphore, #tpu.memory_space<semaphore_mem>>)
      %dma_wait3A_159 = arith.constant 0 : i32
      %dma_wait3A_160 = tpu.memref_slice %arg19[%add3A_90, %dma_wait3A_159] : memref<10008x128xf32, #tpu.memory_space<vmem_shared>> -> memref<64x128xf32, #tpu.memory_space<vmem_shared>>
      %dma_wait3A_161 = arith.constant 0 : i32
      %dma_wait3A_162 = tpu.memref_slice %arg19[%add3A_90, %dma_wait3A_161] : memref<10008x128xf32, #tpu.memory_space<vmem_shared>> -> memref<64x128xf32, #tpu.memory_space<vmem_shared>>
      tpu.wait_dma2 semaphore(%run_scoped3A : memref<!tpu.dma_semaphore, #tpu.memory_space<semaphore_mem>>) src(%arg12 : memref<64x128xf32, #tpu.memory_space<vmem>>) dst(%dma_wait3A_162 : memref<64x128xf32, #tpu.memory_space<vmem_shared>>)
      tpu.yield
    }) : () -> ()
    %add3A_91 = arith.constant 64 : i32
    %add3A_92 = arith.addi %mul3A_88, %add3A_91 : i32
    "tpu.region"() ({
      %run_scoped3A = tpu.sem_alloc : memref<!tpu.dma_semaphore, #tpu.memory_space<semaphore_mem>>
      %dma_start3A_155 = arith.constant 0 : i32
      %dma_start3A_156 = tpu.memref_slice %arg19[%add3A_92, %dma_start3A_155] : memref<10008x128xf32, #tpu.memory_space<vmem_shared>> -> memref<64x128xf32, #tpu.memory_space<vmem_shared>>
      %dma_start3A_157 = arith.constant 0 : i32
      %dma_start3A_158 = tpu.memref_slice %arg19[%add3A_92, %dma_start3A_157] : memref<10008x128xf32, #tpu.memory_space<vmem_shared>> -> memref<64x128xf32, #tpu.memory_space<vmem_shared>>
      tpu.enqueue_dma source(%arg12 : memref<64x128xf32, #tpu.memory_space<vmem>>) target(%dma_start3A_158 : memref<64x128xf32, #tpu.memory_space<vmem_shared>>) target_semaphore(%run_scoped3A : memref<!tpu.dma_semaphore, #tpu.memory_space<semaphore_mem>>)
      %dma_wait3A_159 = arith.constant 0 : i32
      %dma_wait3A_160 = tpu.memref_slice %arg19[%add3A_92, %dma_wait3A_159] : memref<10008x128xf32, #tpu.memory_space<vmem_shared>> -> memref<64x128xf32, #tpu.memory_space<vmem_shared>>
      %dma_wait3A_161 = arith.constant 0 : i32
      %dma_wait3A_162 = tpu.memref_slice %arg19[%add3A_92, %dma_wait3A_161] : memref<10008x128xf32, #tpu.memory_space<vmem_shared>> -> memref<64x128xf32, #tpu.memory_space<vmem_shared>>
      tpu.wait_dma2 semaphore(%run_scoped3A : memref<!tpu.dma_semaphore, #tpu.memory_space<semaphore_mem>>) src(%arg12 : memref<64x128xf32, #tpu.memory_space<vmem>>) dst(%dma_wait3A_162 : memref<64x128xf32, #tpu.memory_space<vmem_shared>>)
      tpu.yield
    }) : () -> ()
    %add3A_93 = arith.constant 128 : i32
    %add3A_94 = arith.addi %mul3A_88, %add3A_93 : i32
    "tpu.region"() ({
      %run_scoped3A = tpu.sem_alloc : memref<!tpu.dma_semaphore, #tpu.memory_space<semaphore_mem>>
      %dma_start3A_155 = arith.constant 0 : i32
      %dma_start3A_156 = tpu.memref_slice %arg19[%add3A_94, %dma_start3A_155] : memref<10008x128xf32, #tpu.memory_space<vmem_shared>> -> memref<64x128xf32, #tpu.memory_space<vmem_shared>>
      %dma_start3A_157 = arith.constant 0 : i32
      %dma_start3A_158 = tpu.memref_slice %arg19[%add3A_94, %dma_start3A_157] : memref<10008x128xf32, #tpu.memory_space<vmem_shared>> -> memref<64x128xf32, #tpu.memory_space<vmem_shared>>
      tpu.enqueue_dma source(%arg12 : memref<64x128xf32, #tpu.memory_space<vmem>>) target(%dma_start3A_158 : memref<64x128xf32, #tpu.memory_space<vmem_shared>>) target_semaphore(%run_scoped3A : memref<!tpu.dma_semaphore, #tpu.memory_space<semaphore_mem>>)
      %dma_wait3A_159 = arith.constant 0 : i32
      %dma_wait3A_160 = tpu.memref_slice %arg19[%add3A_94, %dma_wait3A_159] : memref<10008x128xf32, #tpu.memory_space<vmem_shared>> -> memref<64x128xf32, #tpu.memory_space<vmem_shared>>
      %dma_wait3A_161 = arith.constant 0 : i32
      %dma_wait3A_162 = tpu.memref_slice %arg19[%add3A_94, %dma_wait3A_161] : memref<10008x128xf32, #tpu.memory_space<vmem_shared>> -> memref<64x128xf32, #tpu.memory_space<vmem_shared>>
      tpu.wait_dma2 semaphore(%run_scoped3A : memref<!tpu.dma_semaphore, #tpu.memory_space<semaphore_mem>>) src(%arg12 : memref<64x128xf32, #tpu.memory_space<vmem>>) dst(%dma_wait3A_162 : memref<64x128xf32, #tpu.memory_space<vmem_shared>>)
      tpu.yield
    }) : () -> ()
    %add3A_95 = arith.constant 192 : i32
    %add3A_96 = arith.addi %mul3A_88, %add3A_95 : i32
    "tpu.region"() ({
      %run_scoped3A = tpu.sem_alloc : memref<!tpu.dma_semaphore, #tpu.memory_space<semaphore_mem>>
      %dma_start3A_155 = arith.constant 0 : i32
      %dma_start3A_156 = tpu.memref_slice %arg19[%add3A_96, %dma_start3A_155] : memref<10008x128xf32, #tpu.memory_space<vmem_shared>> -> memref<64x128xf32, #tpu.memory_space<vmem_shared>>
      %dma_start3A_157 = arith.constant 0 : i32
      %dma_start3A_158 = tpu.memref_slice %arg19[%add3A_96, %dma_start3A_157] : memref<10008x128xf32, #tpu.memory_space<vmem_shared>> -> memref<64x128xf32, #tpu.memory_space<vmem_shared>>
      tpu.enqueue_dma source(%arg12 : memref<64x128xf32, #tpu.memory_space<vmem>>) target(%dma_start3A_158 : memref<64x128xf32, #tpu.memory_space<vmem_shared>>) target_semaphore(%run_scoped3A : memref<!tpu.dma_semaphore, #tpu.memory_space<semaphore_mem>>)
      %dma_wait3A_159 = arith.constant 0 : i32
      %dma_wait3A_160 = tpu.memref_slice %arg19[%add3A_96, %dma_wait3A_159] : memref<10008x128xf32, #tpu.memory_space<vmem_shared>> -> memref<64x128xf32, #tpu.memory_space<vmem_shared>>
      %dma_wait3A_161 = arith.constant 0 : i32
      %dma_wait3A_162 = tpu.memref_slice %arg19[%add3A_96, %dma_wait3A_161] : memref<10008x128xf32, #tpu.memory_space<vmem_shared>> -> memref<64x128xf32, #tpu.memory_space<vmem_shared>>
      tpu.wait_dma2 semaphore(%run_scoped3A : memref<!tpu.dma_semaphore, #tpu.memory_space<semaphore_mem>>) src(%arg12 : memref<64x128xf32, #tpu.memory_space<vmem>>) dst(%dma_wait3A_162 : memref<64x128xf32, #tpu.memory_space<vmem_shared>>)
      tpu.yield
    }) : () -> ()
    %add3A_97 = arith.constant 256 : i32
    %add3A_98 = arith.addi %mul3A_88, %add3A_97 : i32
    "tpu.region"() ({
      %run_scoped3A = tpu.sem_alloc : memref<!tpu.dma_semaphore, #tpu.memory_space<semaphore_mem>>
      %dma_start3A_155 = arith.constant 0 : i32
      %dma_start3A_156 = tpu.memref_slice %arg19[%add3A_98, %dma_start3A_155] : memref<10008x128xf32, #tpu.memory_space<vmem_shared>> -> memref<64x128xf32, #tpu.memory_space<vmem_shared>>
      %dma_start3A_157 = arith.constant 0 : i32
      %dma_start3A_158 = tpu.memref_slice %arg19[%add3A_98, %dma_start3A_157] : memref<10008x128xf32, #tpu.memory_space<vmem_shared>> -> memref<64x128xf32, #tpu.memory_space<vmem_shared>>
      tpu.enqueue_dma source(%arg12 : memref<64x128xf32, #tpu.memory_space<vmem>>) target(%dma_start3A_158 : memref<64x128xf32, #tpu.memory_space<vmem_shared>>) target_semaphore(%run_scoped3A : memref<!tpu.dma_semaphore, #tpu.memory_space<semaphore_mem>>)
      %dma_wait3A_159 = arith.constant 0 : i32
      %dma_wait3A_160 = tpu.memref_slice %arg19[%add3A_98, %dma_wait3A_159] : memref<10008x128xf32, #tpu.memory_space<vmem_shared>> -> memref<64x128xf32, #tpu.memory_space<vmem_shared>>
      %dma_wait3A_161 = arith.constant 0 : i32
      %dma_wait3A_162 = tpu.memref_slice %arg19[%add3A_98, %dma_wait3A_161] : memref<10008x128xf32, #tpu.memory_space<vmem_shared>> -> memref<64x128xf32, #tpu.memory_space<vmem_shared>>
      tpu.wait_dma2 semaphore(%run_scoped3A : memref<!tpu.dma_semaphore, #tpu.memory_space<semaphore_mem>>) src(%arg12 : memref<64x128xf32, #tpu.memory_space<vmem>>) dst(%dma_wait3A_162 : memref<64x128xf32, #tpu.memory_space<vmem_shared>>)
      tpu.yield
    }) : () -> ()
    %add3A_99 = arith.constant 320 : i32
    %add3A_100 = arith.addi %mul3A_88, %add3A_99 : i32
    "tpu.region"() ({
      %run_scoped3A = tpu.sem_alloc : memref<!tpu.dma_semaphore, #tpu.memory_space<semaphore_mem>>
      %dma_start3A_155 = arith.constant 0 : i32
      %dma_start3A_156 = tpu.memref_slice %arg19[%add3A_100, %dma_start3A_155] : memref<10008x128xf32, #tpu.memory_space<vmem_shared>> -> memref<64x128xf32, #tpu.memory_space<vmem_shared>>
      %dma_start3A_157 = arith.constant 0 : i32
      %dma_start3A_158 = tpu.memref_slice %arg19[%add3A_100, %dma_start3A_157] : memref<10008x128xf32, #tpu.memory_space<vmem_shared>> -> memref<64x128xf32, #tpu.memory_space<vmem_shared>>
      tpu.enqueue_dma source(%arg12 : memref<64x128xf32, #tpu.memory_space<vmem>>) target(%dma_start3A_158 : memref<64x128xf32, #tpu.memory_space<vmem_shared>>) target_semaphore(%run_scoped3A : memref<!tpu.dma_semaphore, #tpu.memory_space<semaphore_mem>>)
      %dma_wait3A_159 = arith.constant 0 : i32
      %dma_wait3A_160 = tpu.memref_slice %arg19[%add3A_100, %dma_wait3A_159] : memref<10008x128xf32, #tpu.memory_space<vmem_shared>> -> memref<64x128xf32, #tpu.memory_space<vmem_shared>>
      %dma_wait3A_161 = arith.constant 0 : i32
      %dma_wait3A_162 = tpu.memref_slice %arg19[%add3A_100, %dma_wait3A_161] : memref<10008x128xf32, #tpu.memory_space<vmem_shared>> -> memref<64x128xf32, #tpu.memory_space<vmem_shared>>
      tpu.wait_dma2 semaphore(%run_scoped3A : memref<!tpu.dma_semaphore, #tpu.memory_space<semaphore_mem>>) src(%arg12 : memref<64x128xf32, #tpu.memory_space<vmem>>) dst(%dma_wait3A_162 : memref<64x128xf32, #tpu.memory_space<vmem_shared>>)
      tpu.yield
    }) : () -> ()
    %add3A_101 = arith.constant 384 : i32
    %add3A_102 = arith.addi %mul3A_88, %add3A_101 : i32
    "tpu.region"() ({
      %run_scoped3A = tpu.sem_alloc : memref<!tpu.dma_semaphore, #tpu.memory_space<semaphore_mem>>
      %dma_start3A_155 = arith.constant 0 : i32
      %dma_start3A_156 = tpu.memref_slice %arg19[%add3A_102, %dma_start3A_155] : memref<10008x128xf32, #tpu.memory_space<vmem_shared>> -> memref<64x128xf32, #tpu.memory_space<vmem_shared>>
      %dma_start3A_157 = arith.constant 0 : i32
      %dma_start3A_158 = tpu.memref_slice %arg19[%add3A_102, %dma_start3A_157] : memref<10008x128xf32, #tpu.memory_space<vmem_shared>> -> memref<64x128xf32, #tpu.memory_space<vmem_shared>>
      tpu.enqueue_dma source(%arg12 : memref<64x128xf32, #tpu.memory_space<vmem>>) target(%dma_start3A_158 : memref<64x128xf32, #tpu.memory_space<vmem_shared>>) target_semaphore(%run_scoped3A : memref<!tpu.dma_semaphore, #tpu.memory_space<semaphore_mem>>)
      %dma_wait3A_159 = arith.constant 0 : i32
      %dma_wait3A_160 = tpu.memref_slice %arg19[%add3A_102, %dma_wait3A_159] : memref<10008x128xf32, #tpu.memory_space<vmem_shared>> -> memref<64x128xf32, #tpu.memory_space<vmem_shared>>
      %dma_wait3A_161 = arith.constant 0 : i32
      %dma_wait3A_162 = tpu.memref_slice %arg19[%add3A_102, %dma_wait3A_161] : memref<10008x128xf32, #tpu.memory_space<vmem_shared>> -> memref<64x128xf32, #tpu.memory_space<vmem_shared>>
      tpu.wait_dma2 semaphore(%run_scoped3A : memref<!tpu.dma_semaphore, #tpu.memory_space<semaphore_mem>>) src(%arg12 : memref<64x128xf32, #tpu.memory_space<vmem>>) dst(%dma_wait3A_162 : memref<64x128xf32, #tpu.memory_space<vmem_shared>>)
      tpu.yield
    }) : () -> ()
    %add3A_103 = arith.constant 448 : i32
    %add3A_104 = arith.addi %mul3A_88, %add3A_103 : i32
    "tpu.region"() ({
      %run_scoped3A = tpu.sem_alloc : memref<!tpu.dma_semaphore, #tpu.memory_space<semaphore_mem>>
      %dma_start3A_155 = arith.constant 0 : i32
      %dma_start3A_156 = tpu.memref_slice %arg19[%add3A_104, %dma_start3A_155] : memref<10008x128xf32, #tpu.memory_space<vmem_shared>> -> memref<64x128xf32, #tpu.memory_space<vmem_shared>>
      %dma_start3A_157 = arith.constant 0 : i32
      %dma_start3A_158 = tpu.memref_slice %arg19[%add3A_104, %dma_start3A_157] : memref<10008x128xf32, #tpu.memory_space<vmem_shared>> -> memref<64x128xf32, #tpu.memory_space<vmem_shared>>
      tpu.enqueue_dma source(%arg12 : memref<64x128xf32, #tpu.memory_space<vmem>>) target(%dma_start3A_158 : memref<64x128xf32, #tpu.memory_space<vmem_shared>>) target_semaphore(%run_scoped3A : memref<!tpu.dma_semaphore, #tpu.memory_space<semaphore_mem>>)
      %dma_wait3A_159 = arith.constant 0 : i32
      %dma_wait3A_160 = tpu.memref_slice %arg19[%add3A_104, %dma_wait3A_159] : memref<10008x128xf32, #tpu.memory_space<vmem_shared>> -> memref<64x128xf32, #tpu.memory_space<vmem_shared>>
      %dma_wait3A_161 = arith.constant 0 : i32
      %dma_wait3A_162 = tpu.memref_slice %arg19[%add3A_104, %dma_wait3A_161] : memref<10008x128xf32, #tpu.memory_space<vmem_shared>> -> memref<64x128xf32, #tpu.memory_space<vmem_shared>>
      tpu.wait_dma2 semaphore(%run_scoped3A : memref<!tpu.dma_semaphore, #tpu.memory_space<semaphore_mem>>) src(%arg12 : memref<64x128xf32, #tpu.memory_space<vmem>>) dst(%dma_wait3A_162 : memref<64x128xf32, #tpu.memory_space<vmem_shared>>)
      tpu.yield
    }) : () -> ()
    %add3A_105 = arith.constant 512 : i32
    %add3A_106 = arith.addi %mul3A_88, %add3A_105 : i32
    "tpu.region"() ({
      %run_scoped3A = tpu.sem_alloc : memref<!tpu.dma_semaphore, #tpu.memory_space<semaphore_mem>>
      %dma_start3A_155 = arith.constant 0 : i32
      %dma_start3A_156 = tpu.memref_slice %arg19[%add3A_106, %dma_start3A_155] : memref<10008x128xf32, #tpu.memory_space<vmem_shared>> -> memref<64x128xf32, #tpu.memory_space<vmem_shared>>
      %dma_start3A_157 = arith.constant 0 : i32
      %dma_start3A_158 = tpu.memref_slice %arg19[%add3A_106, %dma_start3A_157] : memref<10008x128xf32, #tpu.memory_space<vmem_shared>> -> memref<64x128xf32, #tpu.memory_space<vmem_shared>>
      tpu.enqueue_dma source(%arg12 : memref<64x128xf32, #tpu.memory_space<vmem>>) target(%dma_start3A_158 : memref<64x128xf32, #tpu.memory_space<vmem_shared>>) target_semaphore(%run_scoped3A : memref<!tpu.dma_semaphore, #tpu.memory_space<semaphore_mem>>)
      %dma_wait3A_159 = arith.constant 0 : i32
      %dma_wait3A_160 = tpu.memref_slice %arg19[%add3A_106, %dma_wait3A_159] : memref<10008x128xf32, #tpu.memory_space<vmem_shared>> -> memref<64x128xf32, #tpu.memory_space<vmem_shared>>
      %dma_wait3A_161 = arith.constant 0 : i32
      %dma_wait3A_162 = tpu.memref_slice %arg19[%add3A_106, %dma_wait3A_161] : memref<10008x128xf32, #tpu.memory_space<vmem_shared>> -> memref<64x128xf32, #tpu.memory_space<vmem_shared>>
      tpu.wait_dma2 semaphore(%run_scoped3A : memref<!tpu.dma_semaphore, #tpu.memory_space<semaphore_mem>>) src(%arg12 : memref<64x128xf32, #tpu.memory_space<vmem>>) dst(%dma_wait3A_162 : memref<64x128xf32, #tpu.memory_space<vmem_shared>>)
      tpu.yield
    }) : () -> ()
    %add3A_107 = arith.constant 576 : i32
    %add3A_108 = arith.addi %mul3A_88, %add3A_107 : i32
    "tpu.region"() ({
      %run_scoped3A = tpu.sem_alloc : memref<!tpu.dma_semaphore, #tpu.memory_space<semaphore_mem>>
      %dma_start3A_155 = arith.constant 0 : i32
      %dma_start3A_156 = arith.constant 0 : i32
      %dma_start3A_157 = tpu.memref_slice %arg12[%dma_start3A_155, %dma_start3A_156] : memref<64x128xf32, #tpu.memory_space<vmem>> -> memref<48x128xf32, #tpu.memory_space<vmem>>
      %dma_start3A_158 = arith.constant 0 : i32
      %dma_start3A_159 = tpu.memref_slice %arg19[%add3A_108, %dma_start3A_158] : memref<10008x128xf32, #tpu.memory_space<vmem_shared>> -> memref<48x128xf32, #tpu.memory_space<vmem_shared>>
      %dma_start3A_160 = arith.constant 0 : i32
      %dma_start3A_161 = tpu.memref_slice %arg19[%add3A_108, %dma_start3A_160] : memref<10008x128xf32, #tpu.memory_space<vmem_shared>> -> memref<48x128xf32, #tpu.memory_space<vmem_shared>>
      %dma_start3A_162 = arith.constant 0 : i32
      %dma_start3A_163 = arith.constant 0 : i32
      %dma_start3A_164 = tpu.memref_slice %arg12[%dma_start3A_162, %dma_start3A_163] : memref<64x128xf32, #tpu.memory_space<vmem>> -> memref<48x128xf32, #tpu.memory_space<vmem>>
      tpu.enqueue_dma source(%dma_start3A_164 : memref<48x128xf32, #tpu.memory_space<vmem>>) target(%dma_start3A_161 : memref<48x128xf32, #tpu.memory_space<vmem_shared>>) target_semaphore(%run_scoped3A : memref<!tpu.dma_semaphore, #tpu.memory_space<semaphore_mem>>)
      %dma_wait3A_165 = arith.constant 0 : i32
      %dma_wait3A_166 = arith.constant 0 : i32
      %dma_wait3A_167 = tpu.memref_slice %arg12[%dma_wait3A_165, %dma_wait3A_166] : memref<64x128xf32, #tpu.memory_space<vmem>> -> memref<48x128xf32, #tpu.memory_space<vmem>>
      %dma_wait3A_168 = arith.constant 0 : i32
      %dma_wait3A_169 = tpu.memref_slice %arg19[%add3A_108, %dma_wait3A_168] : memref<10008x128xf32, #tpu.memory_space<vmem_shared>> -> memref<48x128xf32, #tpu.memory_space<vmem_shared>>
      %dma_wait3A_170 = arith.constant 0 : i32
      %dma_wait3A_171 = tpu.memref_slice %arg19[%add3A_108, %dma_wait3A_170] : memref<10008x128xf32, #tpu.memory_space<vmem_shared>> -> memref<48x128xf32, #tpu.memory_space<vmem_shared>>
      %dma_wait3A_172 = arith.constant 0 : i32
      %dma_wait3A_173 = arith.constant 0 : i32
      %dma_wait3A_174 = tpu.memref_slice %arg12[%dma_wait3A_172, %dma_wait3A_173] : memref<64x128xf32, #tpu.memory_space<vmem>> -> memref<48x128xf32, #tpu.memory_space<vmem>>
      tpu.wait_dma2 semaphore(%run_scoped3A : memref<!tpu.dma_semaphore, #tpu.memory_space<semaphore_mem>>) src(%dma_wait3A_174 : memref<48x128xf32, #tpu.memory_space<vmem>>) dst(%dma_wait3A_171 : memref<48x128xf32, #tpu.memory_space<vmem_shared>>)
      tpu.yield
    }) : () -> ()
    %eq3A = arith.constant 15 : i32
    %eq3A_109 = arith.cmpi eq, %arg1, %eq3A : i32
    %convert_element_type3A = arith.extui %eq3A_109 : i1 to i32
    %cond3A = arith.constant 0 : i32
    %cond3A_110 = arith.cmpi ne, %convert_element_type3A, %cond3A : i32
    scf.if %cond3A_110 {
      "tpu.region"() ({
        %run_scoped3A = tpu.sem_alloc : memref<!tpu.dma_semaphore, #tpu.memory_space<semaphore_mem>>
        %dma_start3A_155 = arith.constant 0 : i32
        %dma_start3A_156 = arith.constant 0 : i32
        %dma_start3A_157 = tpu.memref_slice %arg12[%dma_start3A_155, %dma_start3A_156] : memref<64x128xf32, #tpu.memory_space<vmem>> -> memref<24x128xf32, #tpu.memory_space<vmem>>
        %dma_start3A_158 = arith.constant 9984 : i32
        %dma_start3A_159 = arith.constant 0 : i32
        %dma_start3A_160 = tpu.memref_slice %arg19[%dma_start3A_158, %dma_start3A_159] : memref<10008x128xf32, #tpu.memory_space<vmem_shared>> -> memref<24x128xf32, #tpu.memory_space<vmem_shared>>
        %dma_start3A_161 = arith.constant 9984 : i32
        %dma_start3A_162 = arith.constant 0 : i32
        %dma_start3A_163 = tpu.memref_slice %arg19[%dma_start3A_161, %dma_start3A_162] : memref<10008x128xf32, #tpu.memory_space<vmem_shared>> -> memref<24x128xf32, #tpu.memory_space<vmem_shared>>
        %dma_start3A_164 = arith.constant 0 : i32
        %dma_start3A_165 = arith.constant 0 : i32
        %dma_start3A_166 = tpu.memref_slice %arg12[%dma_start3A_164, %dma_start3A_165] : memref<64x128xf32, #tpu.memory_space<vmem>> -> memref<24x128xf32, #tpu.memory_space<vmem>>
        tpu.enqueue_dma source(%dma_start3A_166 : memref<24x128xf32, #tpu.memory_space<vmem>>) target(%dma_start3A_163 : memref<24x128xf32, #tpu.memory_space<vmem_shared>>) target_semaphore(%run_scoped3A : memref<!tpu.dma_semaphore, #tpu.memory_space<semaphore_mem>>)
        %dma_wait3A_167 = arith.constant 0 : i32
        %dma_wait3A_168 = arith.constant 0 : i32
        %dma_wait3A_169 = tpu.memref_slice %arg12[%dma_wait3A_167, %dma_wait3A_168] : memref<64x128xf32, #tpu.memory_space<vmem>> -> memref<24x128xf32, #tpu.memory_space<vmem>>
        %dma_wait3A_170 = arith.constant 9984 : i32
        %dma_wait3A_171 = arith.constant 0 : i32
        %dma_wait3A_172 = tpu.memref_slice %arg19[%dma_wait3A_170, %dma_wait3A_171] : memref<10008x128xf32, #tpu.memory_space<vmem_shared>> -> memref<24x128xf32, #tpu.memory_space<vmem_shared>>
        %dma_wait3A_173 = arith.constant 9984 : i32
        %dma_wait3A_174 = arith.constant 0 : i32
        %dma_wait3A_175 = tpu.memref_slice %arg19[%dma_wait3A_173, %dma_wait3A_174] : memref<10008x128xf32, #tpu.memory_space<vmem_shared>> -> memref<24x128xf32, #tpu.memory_space<vmem_shared>>
        %dma_wait3A_176 = arith.constant 0 : i32
        %dma_wait3A_177 = arith.constant 0 : i32
        %dma_wait3A_178 = tpu.memref_slice %arg12[%dma_wait3A_176, %dma_wait3A_177] : memref<64x128xf32, #tpu.memory_space<vmem>> -> memref<24x128xf32, #tpu.memory_space<vmem>>
        tpu.wait_dma2 semaphore(%run_scoped3A : memref<!tpu.dma_semaphore, #tpu.memory_space<semaphore_mem>>) src(%dma_wait3A_178 : memref<24x128xf32, #tpu.memory_space<vmem>>) dst(%dma_wait3A_175 : memref<24x128xf32, #tpu.memory_space<vmem_shared>>)
        tpu.yield
      }) : () -> ()
    } else {
    }
    %mul3A_111 = arith.constant 64 : i32
    %mul3A_112 = arith.muli %mul3A_2, %mul3A_111 : i32
    "tpu.region"() ({
      %run_scoped3A = tpu.sem_alloc : memref<!tpu.dma_semaphore, #tpu.memory_space<semaphore_mem>>
      %dma_start3A_155 = tpu.memref_slice %arg2[%mul3A_112] : memref<163840xi32, #tpu.memory_space<hbm>> -> memref<5120xi32, #tpu.memory_space<hbm>>
      %dma_start3A_156 = tpu.memref_slice %arg2[%mul3A_112] : memref<163840xi32, #tpu.memory_space<hbm>> -> memref<5120xi32, #tpu.memory_space<hbm>>
      tpu.enqueue_dma source(%dma_start3A_156 : memref<5120xi32, #tpu.memory_space<hbm>>) target(%arg10 : memref<5120xi32, #tpu.memory_space<vmem>>) target_semaphore(%run_scoped3A : memref<!tpu.dma_semaphore, #tpu.memory_space<semaphore_mem>>)
      %dma_wait3A_157 = tpu.memref_slice %arg2[%mul3A_112] : memref<163840xi32, #tpu.memory_space<hbm>> -> memref<5120xi32, #tpu.memory_space<hbm>>
      %dma_wait3A_158 = tpu.memref_slice %arg2[%mul3A_112] : memref<163840xi32, #tpu.memory_space<hbm>> -> memref<5120xi32, #tpu.memory_space<hbm>>
      tpu.wait_dma2 semaphore(%run_scoped3A : memref<!tpu.dma_semaphore, #tpu.memory_space<semaphore_mem>>) src(%dma_wait3A_158 : memref<5120xi32, #tpu.memory_space<hbm>>) dst(%arg10 : memref<5120xi32, #tpu.memory_space<vmem>>)
      tpu.yield
    }) : () -> ()
    "tpu.region"() ({
      %run_scoped3A = tpu.sem_alloc : memref<!tpu.dma_semaphore, #tpu.memory_space<semaphore_mem>>
      %dma_start3A_155 = arith.constant 0 : i32
      %dma_start3A_156 = tpu.memref_slice %arg3[%mul3A_2, %dma_start3A_155] : memref<2560x64xi32, #tpu.memory_space<hbm>> -> memref<80x64xi32, #tpu.memory_space<hbm>>
      %dma_start3A_157 = arith.constant 0 : i32
      %dma_start3A_158 = tpu.memref_slice %arg3[%mul3A_2, %dma_start3A_157] : memref<2560x64xi32, #tpu.memory_space<hbm>> -> memref<80x64xi32, #tpu.memory_space<hbm>>
      tpu.enqueue_dma source(%dma_start3A_158 : memref<80x64xi32, #tpu.memory_space<hbm>>) target(%arg11 : memref<80x64xi32, #tpu.memory_space<vmem>>) target_semaphore(%run_scoped3A : memref<!tpu.dma_semaphore, #tpu.memory_space<semaphore_mem>>)
      %dma_wait3A_159 = arith.constant 0 : i32
      %dma_wait3A_160 = tpu.memref_slice %arg3[%mul3A_2, %dma_wait3A_159] : memref<2560x64xi32, #tpu.memory_space<hbm>> -> memref<80x64xi32, #tpu.memory_space<hbm>>
      %dma_wait3A_161 = arith.constant 0 : i32
      %dma_wait3A_162 = tpu.memref_slice %arg3[%mul3A_2, %dma_wait3A_161] : memref<2560x64xi32, #tpu.memory_space<hbm>> -> memref<80x64xi32, #tpu.memory_space<hbm>>
      tpu.wait_dma2 semaphore(%run_scoped3A : memref<!tpu.dma_semaphore, #tpu.memory_space<semaphore_mem>>) src(%dma_wait3A_162 : memref<80x64xi32, #tpu.memory_space<hbm>>) dst(%arg11 : memref<80x64xi32, #tpu.memory_space<vmem>>)
      tpu.yield
    }) : () -> ()
    %barrier3A = arith.constant 0 : index
    tpu.barrier barrier_id(%barrier3A)
    %add3A_113 = arith.constant 0 : i32
    %add3A_114 = arith.addi %mul3A_2, %add3A_113 : i32
    %min3A = arith.constant 2499 : i32
    %min3A_115 = arith.minsi %add3A_114, %min3A : i32
    %mul3A_116 = arith.constant 64 : i32
    %mul3A_117 = arith.muli %min3A_115, %mul3A_116 : i32
    %mul3A_118 = arith.constant 0 : i32
    %mul3A_119 = arith.constant 64 : i32
    %mul3A_120 = arith.muli %mul3A_118, %mul3A_119 : i32
    %dma_start3A = tpu.memref_slice %arg10[%mul3A_120] : memref<5120xi32, #tpu.memory_space<vmem>> -> memref<64xi32, #tpu.memory_space<vmem>>
    %dma_start3A_121 = arith.constant 0 : i32
    %dma_start3A_122 = arith.constant 0 : i32
    %dma_start3A_123 = tpu.memref_slice %arg4[%dma_start3A_121, %dma_start3A_122] : memref<10000x128xf32, #tpu.memory_space<hbm>> -> memref<10000x128xf32, #tpu.memory_space<hbm>>
    tpu.enqueue_indirect_dma source(%dma_start3A_123 : memref<10000x128xf32, #tpu.memory_space<hbm>>) target(%arg12 : memref<64x128xf32, #tpu.memory_space<vmem>>) offsets(%dma_start3A : memref<64xi32, #tpu.memory_space<vmem>>) semaphore(%arg20 : memref<!tpu.dma_semaphore, #tpu.memory_space<semaphore_mem>>)
    %dma_start3A_124 = arith.constant 0 : i32
    %dma_start3A_125 = tpu.memref_slice %arg5[%mul3A_117, %dma_start3A_124] : memref<160000x128xf32, #tpu.memory_space<hbm>> -> memref<64x128xf32, #tpu.memory_space<hbm>>
    %dma_start3A_126 = arith.constant 0 : i32
    %dma_start3A_127 = tpu.memref_slice %arg5[%mul3A_117, %dma_start3A_126] : memref<160000x128xf32, #tpu.memory_space<hbm>> -> memref<64x128xf32, #tpu.memory_space<hbm>>
    tpu.enqueue_dma source(%dma_start3A_127 : memref<64x128xf32, #tpu.memory_space<hbm>>) target(%arg14 : memref<64x128xf32, #tpu.memory_space<vmem>>) target_semaphore(%arg22 : memref<!tpu.dma_semaphore, #tpu.memory_space<semaphore_mem>>)
    %broadcast_in_dim3A = arith.constant 0.000000e+00 : f32
    %broadcast_in_dim3A_128 = vector.broadcast %broadcast_in_dim3A : f32 to vector<16xf32>
    %scan3A_129 = arith.constant 0 : i32
    %scan3A_130 = arith.constant 40 : i32
    %scan3A_131 = arith.addi %scan3A_129, %scan3A_130 : i32
    %scan3A_132 = arith.constant 1 : i32
    %scan3A_133 = scf.for %scan3A_155 = %scan3A_129 to %scan3A_131 step %scan3A_132 iter_args(%scan3A_156 = %broadcast_in_dim3A_128) -> (vector<16xf32>)  : i32 {
      %mul3A_157 = arith.constant 2 : i32
      %mul3A_158 = arith.muli %scan3A_155, %mul3A_157 : i32
      %add3A_159 = arith.constant 0 : i32
      %add3A_160 = arith.addi %mul3A_158, %add3A_159 : i32
      %mul3A_161 = arith.constant 64 : i32
      %mul3A_162 = arith.muli %add3A_160, %mul3A_161 : i32
      %dma_wait3A_163 = tpu.memref_slice %arg10[%mul3A_162] : memref<5120xi32, #tpu.memory_space<vmem>> -> memref<64xi32, #tpu.memory_space<vmem>>
      %dma_wait3A_164 = arith.constant 0 : i32
      %dma_wait3A_165 = arith.constant 0 : i32
      %dma_wait3A_166 = tpu.memref_slice %arg4[%dma_wait3A_164, %dma_wait3A_165] : memref<10000x128xf32, #tpu.memory_space<hbm>> -> memref<10000x128xf32, #tpu.memory_space<hbm>>
      tpu.wait_indirect_dma semaphore(%arg20 : memref<!tpu.dma_semaphore, #tpu.memory_space<semaphore_mem>>) src(%dma_wait3A_166 : memref<10000x128xf32, #tpu.memory_space<hbm>>) dst(%arg12 : memref<64x128xf32, #tpu.memory_space<vmem>>)
      %dma_wait3A_167 = arith.constant 0 : i32
      %dma_wait3A_168 = arith.constant 0 : i32
      %dma_wait3A_169 = tpu.memref_slice %arg5[%dma_wait3A_167, %dma_wait3A_168] : memref<160000x128xf32, #tpu.memory_space<hbm>> -> memref<64x128xf32, #tpu.memory_space<hbm>>
      %dma_wait3A_170 = arith.constant 0 : i32
      %dma_wait3A_171 = arith.constant 0 : i32
      %dma_wait3A_172 = tpu.memref_slice %arg5[%dma_wait3A_170, %dma_wait3A_171] : memref<160000x128xf32, #tpu.memory_space<hbm>> -> memref<64x128xf32, #tpu.memory_space<hbm>>
      tpu.wait_dma2 semaphore(%arg22 : memref<!tpu.dma_semaphore, #tpu.memory_space<semaphore_mem>>) src(%dma_wait3A_172 : memref<64x128xf32, #tpu.memory_space<hbm>>) dst(%arg14 : memref<64x128xf32, #tpu.memory_space<vmem>>)
      %ge3A = arith.constant 1 : i32
      %ge3A_173 = arith.cmpi sge, %add3A_160, %ge3A : i32
      %convert_element_type3A_174 = arith.extui %ge3A_173 : i1 to i32
      %cond3A_175 = arith.constant 0 : i32
      %cond3A_176 = arith.cmpi ne, %convert_element_type3A_174, %cond3A_175 : i32
      scf.if %cond3A_176 {
        %sub3A = arith.constant 1 : i32
        %sub3A_255 = arith.subi %add3A_160, %sub3A : i32
        %dma_wait3A_256 = arith.constant 0 : i32
        %dma_wait3A_257 = tpu.memref_slice %arg11[%sub3A_255, %dma_wait3A_256] : memref<80x64xi32, #tpu.memory_space<vmem>> -> memref<1x64xi32, #tpu.memory_space<vmem>>
        %dma_wait3A_258 = tpu.memref_squeeze %dma_wait3A_257 : memref<1x64xi32, #tpu.memory_space<vmem>> -> memref<64xi32, #tpu.memory_space<vmem>>
        %dma_wait3A_259 = arith.constant 0 : i32
        %dma_wait3A_260 = arith.constant 0 : i32
        %dma_wait3A_261 = tpu.memref_slice %arg19[%dma_wait3A_259, %dma_wait3A_260] : memref<10008x128xf32, #tpu.memory_space<vmem_shared>> -> memref<10008x128xf32, #tpu.memory_space<vmem_shared>>
        tpu.wait_indirect_dma semaphore(%arg25 : memref<!tpu.dma_semaphore, #tpu.memory_space<semaphore_mem>>) src(%arg13 : memref<64x128xf32, #tpu.memory_space<vmem>>) dst(%dma_wait3A_261 : memref<10008x128xf32, #tpu.memory_space<vmem_shared>>)
      } else {
      }
      %add3A_177 = arith.constant 1 : i32
      %add3A_178 = arith.addi %add3A_160, %add3A_177 : i32
      %lt3A = arith.constant 80 : i32
      %lt3A_179 = arith.cmpi slt, %add3A_178, %lt3A : i32
      %convert_element_type3A_180 = arith.extui %lt3A_179 : i1 to i32
      %cond3A_181 = arith.constant 0 : i32
      %cond3A_182 = arith.cmpi ne, %convert_element_type3A_180, %cond3A_181 : i32
      scf.if %cond3A_182 {
        %add3A_255 = arith.constant 1 : i32
        %add3A_256 = arith.addi %add3A_160, %add3A_255 : i32
        %add3A_257 = arith.addi %mul3A_2, %add3A_256 : i32
        %min3A_258 = arith.constant 2499 : i32
        %min3A_259 = arith.minsi %add3A_257, %min3A_258 : i32
        %mul3A_260 = arith.constant 64 : i32
        %mul3A_261 = arith.muli %min3A_259, %mul3A_260 : i32
        %mul3A_262 = arith.constant 64 : i32
        %mul3A_263 = arith.muli %add3A_256, %mul3A_262 : i32
        %dma_start3A_264 = tpu.memref_slice %arg10[%mul3A_263] : memref<5120xi32, #tpu.memory_space<vmem>> -> memref<64xi32, #tpu.memory_space<vmem>>
        %dma_start3A_265 = arith.constant 0 : i32
        %dma_start3A_266 = arith.constant 0 : i32
        %dma_start3A_267 = tpu.memref_slice %arg4[%dma_start3A_265, %dma_start3A_266] : memref<10000x128xf32, #tpu.memory_space<hbm>> -> memref<10000x128xf32, #tpu.memory_space<hbm>>
        tpu.enqueue_indirect_dma source(%dma_start3A_267 : memref<10000x128xf32, #tpu.memory_space<hbm>>) target(%arg13 : memref<64x128xf32, #tpu.memory_space<vmem>>) offsets(%dma_start3A_264 : memref<64xi32, #tpu.memory_space<vmem>>) semaphore(%arg21 : memref<!tpu.dma_semaphore, #tpu.memory_space<semaphore_mem>>)
        %dma_start3A_268 = arith.constant 0 : i32
        %dma_start3A_269 = tpu.memref_slice %arg5[%mul3A_261, %dma_start3A_268] : memref<160000x128xf32, #tpu.memory_space<hbm>> -> memref<64x128xf32, #tpu.memory_space<hbm>>
        %dma_start3A_270 = arith.constant 0 : i32
        %dma_start3A_271 = tpu.memref_slice %arg5[%mul3A_261, %dma_start3A_270] : memref<160000x128xf32, #tpu.memory_space<hbm>> -> memref<64x128xf32, #tpu.memory_space<hbm>>
        tpu.enqueue_dma source(%dma_start3A_271 : memref<64x128xf32, #tpu.memory_space<hbm>>) target(%arg15 : memref<64x128xf32, #tpu.memory_space<vmem>>) target_semaphore(%arg23 : memref<!tpu.dma_semaphore, #tpu.memory_space<semaphore_mem>>)
      } else {
      }
      %add3A_183 = arith.addi %mul3A_2, %add3A_160 : i32
      %lt3A_184 = arith.constant 2500 : i32
      %lt3A_185 = arith.cmpi slt, %add3A_183, %lt3A_184 : i32
      %jit3A = arith.constant 1.000000e+00 : f32
      %jit3A_186 = arith.constant 0.000000e+00 : f32
      %select_n3A = arith.select %lt3A_185, %jit3A, %jit3A_186 : f32
      %broadcast_in_dim3A_187 = arith.constant 0.000000e+00 : f32
      %broadcast_in_dim3A_188 = vector.broadcast %broadcast_in_dim3A_187 : f32 to vector<16xf32>
      %scan3A_189 = arith.constant 0 : i32
      %scan3A_190 = arith.constant 64 : i32
      %scan3A_191 = arith.addi %scan3A_189, %scan3A_190 : i32
      %scan3A_192 = arith.constant 1 : i32
      %scan3A_193 = scf.for %scan3A_255 = %scan3A_189 to %scan3A_191 step %scan3A_192 iter_args(%scan3A_256 = %broadcast_in_dim3A_188) -> (vector<16xf32>)  : i32 {
        %get3A_257 = arith.index_cast %scan3A_255 : i32 to index
        %get3A_258 = arith.constant 0 : index
        %get3A_259 = tpu.vector_load %arg14[%get3A_257, %get3A_258] {strides = array<i32>} : memref<64x128xf32, #tpu.memory_space<vmem>>, vector<1x16xf32>,
        %get3A_260 = vector.shape_cast %get3A_259 : vector<1x16xf32> to vector<16xf32>
        %mul3A_261 = arith.mulf %get3A_46, %get3A_260 : vector<16xf32>
        %add3A_262 = arith.addf %get3A_6, %mul3A_261 : vector<16xf32>
        %sub3A = arith.constant 1.000000e+00 : f32
        %sub3A_263 = vector.broadcast %sub3A : f32 to vector<16xf32>
        %sub3A_264 = arith.subf %add3A_262, %sub3A_263 : vector<16xf32>
        %mul3A_265 = arith.mulf %sub3A_264, %sub3A_264 : vector<16xf32>
        %add3A_266 = arith.addf %scan3A_256, %mul3A_265 : vector<16xf32>
        %get3A_267 = arith.index_cast %scan3A_255 : i32 to index
        %get3A_268 = arith.constant 0 : index
        %get3A_269 = tpu.vector_load %arg12[%get3A_267, %get3A_268] {strides = array<i32>} : memref<64x128xf32, #tpu.memory_space<vmem>>, vector<1x16xf32>,
        %get3A_270 = vector.shape_cast %get3A_269 : vector<1x16xf32> to vector<16xf32>
        %mul3A_271 = arith.mulf %get3A_270, %add3A_262 : vector<16xf32>
        %swap3A_272 = arith.index_cast %scan3A_255 : i32 to index
        %swap3A_273 = arith.constant 0 : index
        %swap3A_274 = tpu.vector_load %arg12[%swap3A_272, %swap3A_273] {strides = array<i32>} : memref<64x128xf32, #tpu.memory_space<vmem>>, vector<1x16xf32>,
        %swap3A_275 = vector.shape_cast %swap3A_274 : vector<1x16xf32> to vector<16xf32>
        %swap3A_276 = vector.shape_cast %mul3A_271 : vector<16xf32> to vector<1x16xf32>
        tpu.vector_store %arg12[%swap3A_272, %swap3A_273], %swap3A_276 {strides = array<i32>} : memref<64x128xf32, #tpu.memory_space<vmem>>, vector<1x16xf32>,
        %get3A_277 = arith.index_cast %scan3A_255 : i32 to index
        %get3A_278 = arith.constant 16 : index
        %get3A_279 = tpu.vector_load %arg14[%get3A_277, %get3A_278] {strides = array<i32>} : memref<64x128xf32, #tpu.memory_space<vmem>>, vector<1x16xf32>,
        %get3A_280 = vector.shape_cast %get3A_279 : vector<1x16xf32> to vector<16xf32>
        %mul3A_281 = arith.mulf %get3A_51, %get3A_280 : vector<16xf32>
        %add3A_282 = arith.addf %get3A_11, %mul3A_281 : vector<16xf32>
        %sub3A_283 = arith.constant 1.000000e+00 : f32
        %sub3A_284 = vector.broadcast %sub3A_283 : f32 to vector<16xf32>
        %sub3A_285 = arith.subf %add3A_282, %sub3A_284 : vector<16xf32>
        %mul3A_286 = arith.mulf %sub3A_285, %sub3A_285 : vector<16xf32>
        %add3A_287 = arith.addf %add3A_266, %mul3A_286 : vector<16xf32>
        %get3A_288 = arith.index_cast %scan3A_255 : i32 to index
        %get3A_289 = arith.constant 16 : index
        %get3A_290 = tpu.vector_load %arg12[%get3A_288, %get3A_289] {strides = array<i32>} : memref<64x128xf32, #tpu.memory_space<vmem>>, vector<1x16xf32>,
        %get3A_291 = vector.shape_cast %get3A_290 : vector<1x16xf32> to vector<16xf32>
        %mul3A_292 = arith.mulf %get3A_291, %add3A_282 : vector<16xf32>
        %swap3A_293 = arith.index_cast %scan3A_255 : i32 to index
        %swap3A_294 = arith.constant 16 : index
        %swap3A_295 = tpu.vector_load %arg12[%swap3A_293, %swap3A_294] {strides = array<i32>} : memref<64x128xf32, #tpu.memory_space<vmem>>, vector<1x16xf32>,
        %swap3A_296 = vector.shape_cast %swap3A_295 : vector<1x16xf32> to vector<16xf32>
        %swap3A_297 = vector.shape_cast %mul3A_292 : vector<16xf32> to vector<1x16xf32>
        tpu.vector_store %arg12[%swap3A_293, %swap3A_294], %swap3A_297 {strides = array<i32>} : memref<64x128xf32, #tpu.memory_space<vmem>>, vector<1x16xf32>,
        %get3A_298 = arith.index_cast %scan3A_255 : i32 to index
        %get3A_299 = arith.constant 32 : index
        %get3A_300 = tpu.vector_load %arg14[%get3A_298, %get3A_299] {strides = array<i32>} : memref<64x128xf32, #tpu.memory_space<vmem>>, vector<1x16xf32>,
        %get3A_301 = vector.shape_cast %get3A_300 : vector<1x16xf32> to vector<16xf32>
        %mul3A_302 = arith.mulf %get3A_56, %get3A_301 : vector<16xf32>
        %add3A_303 = arith.addf %get3A_16, %mul3A_302 : vector<16xf32>
        %sub3A_304 = arith.constant 1.000000e+00 : f32
        %sub3A_305 = vector.broadcast %sub3A_304 : f32 to vector<16xf32>
        %sub3A_306 = arith.subf %add3A_303, %sub3A_305 : vector<16xf32>
        %mul3A_307 = arith.mulf %sub3A_306, %sub3A_306 : vector<16xf32>
        %add3A_308 = arith.addf %add3A_287, %mul3A_307 : vector<16xf32>
        %get3A_309 = arith.index_cast %scan3A_255 : i32 to index
        %get3A_310 = arith.constant 32 : index
        %get3A_311 = tpu.vector_load %arg12[%get3A_309, %get3A_310] {strides = array<i32>} : memref<64x128xf32, #tpu.memory_space<vmem>>, vector<1x16xf32>,
        %get3A_312 = vector.shape_cast %get3A_311 : vector<1x16xf32> to vector<16xf32>
        %mul3A_313 = arith.mulf %get3A_312, %add3A_303 : vector<16xf32>
        %swap3A_314 = arith.index_cast %scan3A_255 : i32 to index
        %swap3A_315 = arith.constant 32 : index
        %swap3A_316 = tpu.vector_load %arg12[%swap3A_314, %swap3A_315] {strides = array<i32>} : memref<64x128xf32, #tpu.memory_space<vmem>>, vector<1x16xf32>,
        %swap3A_317 = vector.shape_cast %swap3A_316 : vector<1x16xf32> to vector<16xf32>
        %swap3A_318 = vector.shape_cast %mul3A_313 : vector<16xf32> to vector<1x16xf32>
        tpu.vector_store %arg12[%swap3A_314, %swap3A_315], %swap3A_318 {strides = array<i32>} : memref<64x128xf32, #tpu.memory_space<vmem>>, vector<1x16xf32>,
        %get3A_319 = arith.index_cast %scan3A_255 : i32 to index
        %get3A_320 = arith.constant 48 : index
        %get3A_321 = tpu.vector_load %arg14[%get3A_319, %get3A_320] {strides = array<i32>} : memref<64x128xf32, #tpu.memory_space<vmem>>, vector<1x16xf32>,
        %get3A_322 = vector.shape_cast %get3A_321 : vector<1x16xf32> to vector<16xf32>
        %mul3A_323 = arith.mulf %get3A_61, %get3A_322 : vector<16xf32>
        %add3A_324 = arith.addf %get3A_21, %mul3A_323 : vector<16xf32>
        %sub3A_325 = arith.constant 1.000000e+00 : f32
        %sub3A_326 = vector.broadcast %sub3A_325 : f32 to vector<16xf32>
        %sub3A_327 = arith.subf %add3A_324, %sub3A_326 : vector<16xf32>
        %mul3A_328 = arith.mulf %sub3A_327, %sub3A_327 : vector<16xf32>
        %add3A_329 = arith.addf %add3A_308, %mul3A_328 : vector<16xf32>
        %get3A_330 = arith.index_cast %scan3A_255 : i32 to index
        %get3A_331 = arith.constant 48 : index
        %get3A_332 = tpu.vector_load %arg12[%get3A_330, %get3A_331] {strides = array<i32>} : memref<64x128xf32, #tpu.memory_space<vmem>>, vector<1x16xf32>,
        %get3A_333 = vector.shape_cast %get3A_332 : vector<1x16xf32> to vector<16xf32>
        %mul3A_334 = arith.mulf %get3A_333, %add3A_324 : vector<16xf32>
        %swap3A_335 = arith.index_cast %scan3A_255 : i32 to index
        %swap3A_336 = arith.constant 48 : index
        %swap3A_337 = tpu.vector_load %arg12[%swap3A_335, %swap3A_336] {strides = array<i32>} : memref<64x128xf32, #tpu.memory_space<vmem>>, vector<1x16xf32>,
        %swap3A_338 = vector.shape_cast %swap3A_337 : vector<1x16xf32> to vector<16xf32>
        %swap3A_339 = vector.shape_cast %mul3A_334 : vector<16xf32> to vector<1x16xf32>
        tpu.vector_store %arg12[%swap3A_335, %swap3A_336], %swap3A_339 {strides = array<i32>} : memref<64x128xf32, #tpu.memory_space<vmem>>, vector<1x16xf32>,
        %get3A_340 = arith.index_cast %scan3A_255 : i32 to index
        %get3A_341 = arith.constant 64 : index
        %get3A_342 = tpu.vector_load %arg14[%get3A_340, %get3A_341] {strides = array<i32>} : memref<64x128xf32, #tpu.memory_space<vmem>>, vector<1x16xf32>,
        %get3A_343 = vector.shape_cast %get3A_342 : vector<1x16xf32> to vector<16xf32>
        %mul3A_344 = arith.mulf %get3A_66, %get3A_343 : vector<16xf32>
        %add3A_345 = arith.addf %get3A_26, %mul3A_344 : vector<16xf32>
        %sub3A_346 = arith.constant 1.000000e+00 : f32
        %sub3A_347 = vector.broadcast %sub3A_346 : f32 to vector<16xf32>
        %sub3A_348 = arith.subf %add3A_345, %sub3A_347 : vector<16xf32>
        %mul3A_349 = arith.mulf %sub3A_348, %sub3A_348 : vector<16xf32>
        %add3A_350 = arith.addf %add3A_329, %mul3A_349 : vector<16xf32>
        %get3A_351 = arith.index_cast %scan3A_255 : i32 to index
        %get3A_352 = arith.constant 64 : index
        %get3A_353 = tpu.vector_load %arg12[%get3A_351, %get3A_352] {strides = array<i32>} : memref<64x128xf32, #tpu.memory_space<vmem>>, vector<1x16xf32>,
        %get3A_354 = vector.shape_cast %get3A_353 : vector<1x16xf32> to vector<16xf32>
        %mul3A_355 = arith.mulf %get3A_354, %add3A_345 : vector<16xf32>
        %swap3A_356 = arith.index_cast %scan3A_255 : i32 to index
        %swap3A_357 = arith.constant 64 : index
        %swap3A_358 = tpu.vector_load %arg12[%swap3A_356, %swap3A_357] {strides = array<i32>} : memref<64x128xf32, #tpu.memory_space<vmem>>, vector<1x16xf32>,
        %swap3A_359 = vector.shape_cast %swap3A_358 : vector<1x16xf32> to vector<16xf32>
        %swap3A_360 = vector.shape_cast %mul3A_355 : vector<16xf32> to vector<1x16xf32>
        tpu.vector_store %arg12[%swap3A_356, %swap3A_357], %swap3A_360 {strides = array<i32>} : memref<64x128xf32, #tpu.memory_space<vmem>>, vector<1x16xf32>,
        %get3A_361 = arith.index_cast %scan3A_255 : i32 to index
        %get3A_362 = arith.constant 80 : index
        %get3A_363 = tpu.vector_load %arg14[%get3A_361, %get3A_362] {strides = array<i32>} : memref<64x128xf32, #tpu.memory_space<vmem>>, vector<1x16xf32>,
        %get3A_364 = vector.shape_cast %get3A_363 : vector<1x16xf32> to vector<16xf32>
        %mul3A_365 = arith.mulf %get3A_71, %get3A_364 : vector<16xf32>
        %add3A_366 = arith.addf %get3A_31, %mul3A_365 : vector<16xf32>
        %sub3A_367 = arith.constant 1.000000e+00 : f32
        %sub3A_368 = vector.broadcast %sub3A_367 : f32 to vector<16xf32>
        %sub3A_369 = arith.subf %add3A_366, %sub3A_368 : vector<16xf32>
        %mul3A_370 = arith.mulf %sub3A_369, %sub3A_369 : vector<16xf32>
        %add3A_371 = arith.addf %add3A_350, %mul3A_370 : vector<16xf32>
        %get3A_372 = arith.index_cast %scan3A_255 : i32 to index
        %get3A_373 = arith.constant 80 : index
        %get3A_374 = tpu.vector_load %arg12[%get3A_372, %get3A_373] {strides = array<i32>} : memref<64x128xf32, #tpu.memory_space<vmem>>, vector<1x16xf32>,
        %get3A_375 = vector.shape_cast %get3A_374 : vector<1x16xf32> to vector<16xf32>
        %mul3A_376 = arith.mulf %get3A_375, %add3A_366 : vector<16xf32>
        %swap3A_377 = arith.index_cast %scan3A_255 : i32 to index
        %swap3A_378 = arith.constant 80 : index
        %swap3A_379 = tpu.vector_load %arg12[%swap3A_377, %swap3A_378] {strides = array<i32>} : memref<64x128xf32, #tpu.memory_space<vmem>>, vector<1x16xf32>,
        %swap3A_380 = vector.shape_cast %swap3A_379 : vector<1x16xf32> to vector<16xf32>
        %swap3A_381 = vector.shape_cast %mul3A_376 : vector<16xf32> to vector<1x16xf32>
        tpu.vector_store %arg12[%swap3A_377, %swap3A_378], %swap3A_381 {strides = array<i32>} : memref<64x128xf32, #tpu.memory_space<vmem>>, vector<1x16xf32>,
        %get3A_382 = arith.index_cast %scan3A_255 : i32 to index
        %get3A_383 = arith.constant 96 : index
        %get3A_384 = tpu.vector_load %arg14[%get3A_382, %get3A_383] {strides = array<i32>} : memref<64x128xf32, #tpu.memory_space<vmem>>, vector<1x16xf32>,
        %get3A_385 = vector.shape_cast %get3A_384 : vector<1x16xf32> to vector<16xf32>
        %mul3A_386 = arith.mulf %get3A_76, %get3A_385 : vector<16xf32>
        %add3A_387 = arith.addf %get3A_36, %mul3A_386 : vector<16xf32>
        %sub3A_388 = arith.constant 1.000000e+00 : f32
        %sub3A_389 = vector.broadcast %sub3A_388 : f32 to vector<16xf32>
        %sub3A_390 = arith.subf %add3A_387, %sub3A_389 : vector<16xf32>
        %mul3A_391 = arith.mulf %sub3A_390, %sub3A_390 : vector<16xf32>
        %add3A_392 = arith.addf %add3A_371, %mul3A_391 : vector<16xf32>
        %get3A_393 = arith.index_cast %scan3A_255 : i32 to index
        %get3A_394 = arith.constant 96 : index
        %get3A_395 = tpu.vector_load %arg12[%get3A_393, %get3A_394] {strides = array<i32>} : memref<64x128xf32, #tpu.memory_space<vmem>>, vector<1x16xf32>,
        %get3A_396 = vector.shape_cast %get3A_395 : vector<1x16xf32> to vector<16xf32>
        %mul3A_397 = arith.mulf %get3A_396, %add3A_387 : vector<16xf32>
        %swap3A_398 = arith.index_cast %scan3A_255 : i32 to index
        %swap3A_399 = arith.constant 96 : index
        %swap3A_400 = tpu.vector_load %arg12[%swap3A_398, %swap3A_399] {strides = array<i32>} : memref<64x128xf32, #tpu.memory_space<vmem>>, vector<1x16xf32>,
        %swap3A_401 = vector.shape_cast %swap3A_400 : vector<1x16xf32> to vector<16xf32>
        %swap3A_402 = vector.shape_cast %mul3A_397 : vector<16xf32> to vector<1x16xf32>
        tpu.vector_store %arg12[%swap3A_398, %swap3A_399], %swap3A_402 {strides = array<i32>} : memref<64x128xf32, #tpu.memory_space<vmem>>, vector<1x16xf32>,
        %get3A_403 = arith.index_cast %scan3A_255 : i32 to index
        %get3A_404 = arith.constant 112 : index
        %get3A_405 = tpu.vector_load %arg14[%get3A_403, %get3A_404] {strides = array<i32>} : memref<64x128xf32, #tpu.memory_space<vmem>>, vector<1x16xf32>,
        %get3A_406 = vector.shape_cast %get3A_405 : vector<1x16xf32> to vector<16xf32>
        %mul3A_407 = arith.mulf %get3A_81, %get3A_406 : vector<16xf32>
        %add3A_408 = arith.addf %get3A_41, %mul3A_407 : vector<16xf32>
        %sub3A_409 = arith.constant 1.000000e+00 : f32
        %sub3A_410 = vector.broadcast %sub3A_409 : f32 to vector<16xf32>
        %sub3A_411 = arith.subf %add3A_408, %sub3A_410 : vector<16xf32>
        %mul3A_412 = arith.mulf %sub3A_411, %sub3A_411 : vector<16xf32>
        %add3A_413 = arith.addf %add3A_392, %mul3A_412 : vector<16xf32>
        %get3A_414 = arith.index_cast %scan3A_255 : i32 to index
        %get3A_415 = arith.constant 112 : index
        %get3A_416 = tpu.vector_load %arg12[%get3A_414, %get3A_415] {strides = array<i32>} : memref<64x128xf32, #tpu.memory_space<vmem>>, vector<1x16xf32>,
        %get3A_417 = vector.shape_cast %get3A_416 : vector<1x16xf32> to vector<16xf32>
        %mul3A_418 = arith.mulf %get3A_417, %add3A_408 : vector<16xf32>
        %swap3A_419 = arith.index_cast %scan3A_255 : i32 to index
        %swap3A_420 = arith.constant 112 : index
        %swap3A_421 = tpu.vector_load %arg12[%swap3A_419, %swap3A_420] {strides = array<i32>} : memref<64x128xf32, #tpu.memory_space<vmem>>, vector<1x16xf32>,
        %swap3A_422 = vector.shape_cast %swap3A_421 : vector<1x16xf32> to vector<16xf32>
        %swap3A_423 = vector.shape_cast %mul3A_418 : vector<16xf32> to vector<1x16xf32>
        tpu.vector_store %arg12[%swap3A_419, %swap3A_420], %swap3A_423 {strides = array<i32>} : memref<64x128xf32, #tpu.memory_space<vmem>>, vector<1x16xf32>,
        scf.yield %add3A_413 : vector<16xf32>
      }
      %scan3A_194 = arith.constant 64 : i32
      %mul3A_195 = vector.broadcast %select_n3A : f32 to vector<16xf32>
      %mul3A_196 = arith.mulf %mul3A_195, %scan3A_193 : vector<16xf32>
      %add3A_197 = arith.addf %scan3A_156, %mul3A_196 : vector<16xf32>
      %dma_start3A_198 = arith.constant 0 : i32
      %dma_start3A_199 = tpu.memref_slice %arg11[%add3A_160, %dma_start3A_198] : memref<80x64xi32, #tpu.memory_space<vmem>> -> memref<1x64xi32, #tpu.memory_space<vmem>>
      %dma_start3A_200 = tpu.memref_squeeze %dma_start3A_199 : memref<1x64xi32, #tpu.memory_space<vmem>> -> memref<64xi32, #tpu.memory_space<vmem>>
      %dma_start3A_201 = arith.constant 0 : i32
      %dma_start3A_202 = arith.constant 0 : i32
      %dma_start3A_203 = tpu.memref_slice %arg19[%dma_start3A_201, %dma_start3A_202] : memref<10008x128xf32, #tpu.memory_space<vmem_shared>> -> memref<10008x128xf32, #tpu.memory_space<vmem_shared>>
      tpu.enqueue_indirect_dma source(%arg12 : memref<64x128xf32, #tpu.memory_space<vmem>>) target(%dma_start3A_203 : memref<10008x128xf32, #tpu.memory_space<vmem_shared>>) offsets(%dma_start3A_200 : memref<64xi32, #tpu.memory_space<vmem>>) semaphore(%arg24 : memref<!tpu.dma_semaphore, #tpu.memory_space<semaphore_mem>>) {add = true}
      %mul3A_204 = arith.constant 2 : i32
      %mul3A_205 = arith.muli %scan3A_155, %mul3A_204 : i32
      %add3A_206 = arith.constant 1 : i32
      %add3A_207 = arith.addi %mul3A_205, %add3A_206 : i32
      %mul3A_208 = arith.constant 64 : i32
      %mul3A_209 = arith.muli %add3A_207, %mul3A_208 : i32
      %dma_wait3A_210 = tpu.memref_slice %arg10[%mul3A_209] : memref<5120xi32, #tpu.memory_space<vmem>> -> memref<64xi32, #tpu.memory_space<vmem>>
      %dma_wait3A_211 = arith.constant 0 : i32
      %dma_wait3A_212 = arith.constant 0 : i32
      %dma_wait3A_213 = tpu.memref_slice %arg4[%dma_wait3A_211, %dma_wait3A_212] : memref<10000x128xf32, #tpu.memory_space<hbm>> -> memref<10000x128xf32, #tpu.memory_space<hbm>>
      tpu.wait_indirect_dma semaphore(%arg21 : memref<!tpu.dma_semaphore, #tpu.memory_space<semaphore_mem>>) src(%dma_wait3A_213 : memref<10000x128xf32, #tpu.memory_space<hbm>>) dst(%arg13 : memref<64x128xf32, #tpu.memory_space<vmem>>)
      %dma_wait3A_214 = arith.constant 0 : i32
      %dma_wait3A_215 = arith.constant 0 : i32
      %dma_wait3A_216 = tpu.memref_slice %arg5[%dma_wait3A_214, %dma_wait3A_215] : memref<160000x128xf32, #tpu.memory_space<hbm>> -> memref<64x128xf32, #tpu.memory_space<hbm>>
      %dma_wait3A_217 = arith.constant 0 : i32
      %dma_wait3A_218 = arith.constant 0 : i32
      %dma_wait3A_219 = tpu.memref_slice %arg5[%dma_wait3A_217, %dma_wait3A_218] : memref<160000x128xf32, #tpu.memory_space<hbm>> -> memref<64x128xf32, #tpu.memory_space<hbm>>
      tpu.wait_dma2 semaphore(%arg23 : memref<!tpu.dma_semaphore, #tpu.memory_space<semaphore_mem>>) src(%dma_wait3A_219 : memref<64x128xf32, #tpu.memory_space<hbm>>) dst(%arg15 : memref<64x128xf32, #tpu.memory_space<vmem>>)
      %ge3A_220 = arith.constant 1 : i32
      %ge3A_221 = arith.cmpi sge, %add3A_207, %ge3A_220 : i32
      %convert_element_type3A_222 = arith.extui %ge3A_221 : i1 to i32
      %cond3A_223 = arith.constant 0 : i32
      %cond3A_224 = arith.cmpi ne, %convert_element_type3A_222, %cond3A_223 : i32
      scf.if %cond3A_224 {
        %sub3A = arith.constant 1 : i32
        %sub3A_255 = arith.subi %add3A_207, %sub3A : i32
        %dma_wait3A_256 = arith.constant 0 : i32
        %dma_wait3A_257 = tpu.memref_slice %arg11[%sub3A_255, %dma_wait3A_256] : memref<80x64xi32, #tpu.memory_space<vmem>> -> memref<1x64xi32, #tpu.memory_space<vmem>>
        %dma_wait3A_258 = tpu.memref_squeeze %dma_wait3A_257 : memref<1x64xi32, #tpu.memory_space<vmem>> -> memref<64xi32, #tpu.memory_space<vmem>>
        %dma_wait3A_259 = arith.constant 0 : i32
        %dma_wait3A_260 = arith.constant 0 : i32
        %dma_wait3A_261 = tpu.memref_slice %arg19[%dma_wait3A_259, %dma_wait3A_260] : memref<10008x128xf32, #tpu.memory_space<vmem_shared>> -> memref<10008x128xf32, #tpu.memory_space<vmem_shared>>
        tpu.wait_indirect_dma semaphore(%arg24 : memref<!tpu.dma_semaphore, #tpu.memory_space<semaphore_mem>>) src(%arg12 : memref<64x128xf32, #tpu.memory_space<vmem>>) dst(%dma_wait3A_261 : memref<10008x128xf32, #tpu.memory_space<vmem_shared>>)
      } else {
      }
      %add3A_225 = arith.constant 1 : i32
      %add3A_226 = arith.addi %add3A_207, %add3A_225 : i32
      %lt3A_227 = arith.constant 80 : i32
      %lt3A_228 = arith.cmpi slt, %add3A_226, %lt3A_227 : i32
      %convert_element_type3A_229 = arith.extui %lt3A_228 : i1 to i32
      %cond3A_230 = arith.constant 0 : i32
      %cond3A_231 = arith.cmpi ne, %convert_element_type3A_229, %cond3A_230 : i32
      scf.if %cond3A_231 {
        %add3A_255 = arith.constant 1 : i32
        %add3A_256 = arith.addi %add3A_207, %add3A_255 : i32
        %add3A_257 = arith.addi %mul3A_2, %add3A_256 : i32
        %min3A_258 = arith.constant 2499 : i32
        %min3A_259 = arith.minsi %add3A_257, %min3A_258 : i32
        %mul3A_260 = arith.constant 64 : i32
        %mul3A_261 = arith.muli %min3A_259, %mul3A_260 : i32
        %mul3A_262 = arith.constant 64 : i32
        %mul3A_263 = arith.muli %add3A_256, %mul3A_262 : i32
        %dma_start3A_264 = tpu.memref_slice %arg10[%mul3A_263] : memref<5120xi32, #tpu.memory_space<vmem>> -> memref<64xi32, #tpu.memory_space<vmem>>
        %dma_start3A_265 = arith.constant 0 : i32
        %dma_start3A_266 = arith.constant 0 : i32
        %dma_start3A_267 = tpu.memref_slice %arg4[%dma_start3A_265, %dma_start3A_266] : memref<10000x128xf32, #tpu.memory_space<hbm>> -> memref<10000x128xf32, #tpu.memory_space<hbm>>
        tpu.enqueue_indirect_dma source(%dma_start3A_267 : memref<10000x128xf32, #tpu.memory_space<hbm>>) target(%arg12 : memref<64x128xf32, #tpu.memory_space<vmem>>) offsets(%dma_start3A_264 : memref<64xi32, #tpu.memory_space<vmem>>) semaphore(%arg20 : memref<!tpu.dma_semaphore, #tpu.memory_space<semaphore_mem>>)
        %dma_start3A_268 = arith.constant 0 : i32
        %dma_start3A_269 = tpu.memref_slice %arg5[%mul3A_261, %dma_start3A_268] : memref<160000x128xf32, #tpu.memory_space<hbm>> -> memref<64x128xf32, #tpu.memory_space<hbm>>
        %dma_start3A_270 = arith.constant 0 : i32
        %dma_start3A_271 = tpu.memref_slice %arg5[%mul3A_261, %dma_start3A_270] : memref<160000x128xf32, #tpu.memory_space<hbm>> -> memref<64x128xf32, #tpu.memory_space<hbm>>
        tpu.enqueue_dma source(%dma_start3A_271 : memref<64x128xf32, #tpu.memory_space<hbm>>) target(%arg14 : memref<64x128xf32, #tpu.memory_space<vmem>>) target_semaphore(%arg22 : memref<!tpu.dma_semaphore, #tpu.memory_space<semaphore_mem>>)
      } else {
      }
      %add3A_232 = arith.addi %mul3A_2, %add3A_207 : i32
      %lt3A_233 = arith.constant 2500 : i32
      %lt3A_234 = arith.cmpi slt, %add3A_232, %lt3A_233 : i32
      %jit3A_235 = arith.constant 1.000000e+00 : f32
      %jit3A_236 = arith.constant 0.000000e+00 : f32
      %select_n3A_237 = arith.select %lt3A_234, %jit3A_235, %jit3A_236 : f32
      %broadcast_in_dim3A_238 = arith.constant 0.000000e+00 : f32
      %broadcast_in_dim3A_239 = vector.broadcast %broadcast_in_dim3A_238 : f32 to vector<16xf32>
      %scan3A_240 = arith.constant 0 : i32
      %scan3A_241 = arith.constant 64 : i32
      %scan3A_242 = arith.addi %scan3A_240, %scan3A_241 : i32
      %scan3A_243 = arith.constant 1 : i32
      %scan3A_244 = scf.for %scan3A_255 = %scan3A_240 to %scan3A_242 step %scan3A_243 iter_args(%scan3A_256 = %broadcast_in_dim3A_239) -> (vector<16xf32>)  : i32 {
        %get3A_257 = arith.index_cast %scan3A_255 : i32 to index
        %get3A_258 = arith.constant 0 : index
        %get3A_259 = tpu.vector_load %arg15[%get3A_257, %get3A_258] {strides = array<i32>} : memref<64x128xf32, #tpu.memory_space<vmem>>, vector<1x16xf32>,
        %get3A_260 = vector.shape_cast %get3A_259 : vector<1x16xf32> to vector<16xf32>
        %mul3A_261 = arith.mulf %get3A_46, %get3A_260 : vector<16xf32>
        %add3A_262 = arith.addf %get3A_6, %mul3A_261 : vector<16xf32>
        %sub3A = arith.constant 1.000000e+00 : f32
        %sub3A_263 = vector.broadcast %sub3A : f32 to vector<16xf32>
        %sub3A_264 = arith.subf %add3A_262, %sub3A_263 : vector<16xf32>
        %mul3A_265 = arith.mulf %sub3A_264, %sub3A_264 : vector<16xf32>
        %add3A_266 = arith.addf %scan3A_256, %mul3A_265 : vector<16xf32>
        %get3A_267 = arith.index_cast %scan3A_255 : i32 to index
        %get3A_268 = arith.constant 0 : index
        %get3A_269 = tpu.vector_load %arg13[%get3A_267, %get3A_268] {strides = array<i32>} : memref<64x128xf32, #tpu.memory_space<vmem>>, vector<1x16xf32>,
        %get3A_270 = vector.shape_cast %get3A_269 : vector<1x16xf32> to vector<16xf32>
        %mul3A_271 = arith.mulf %get3A_270, %add3A_262 : vector<16xf32>
        %swap3A_272 = arith.index_cast %scan3A_255 : i32 to index
        %swap3A_273 = arith.constant 0 : index
        %swap3A_274 = tpu.vector_load %arg13[%swap3A_272, %swap3A_273] {strides = array<i32>} : memref<64x128xf32, #tpu.memory_space<vmem>>, vector<1x16xf32>,
        %swap3A_275 = vector.shape_cast %swap3A_274 : vector<1x16xf32> to vector<16xf32>
        %swap3A_276 = vector.shape_cast %mul3A_271 : vector<16xf32> to vector<1x16xf32>
        tpu.vector_store %arg13[%swap3A_272, %swap3A_273], %swap3A_276 {strides = array<i32>} : memref<64x128xf32, #tpu.memory_space<vmem>>, vector<1x16xf32>,
        %get3A_277 = arith.index_cast %scan3A_255 : i32 to index
        %get3A_278 = arith.constant 16 : index
        %get3A_279 = tpu.vector_load %arg15[%get3A_277, %get3A_278] {strides = array<i32>} : memref<64x128xf32, #tpu.memory_space<vmem>>, vector<1x16xf32>,
        %get3A_280 = vector.shape_cast %get3A_279 : vector<1x16xf32> to vector<16xf32>
        %mul3A_281 = arith.mulf %get3A_51, %get3A_280 : vector<16xf32>
        %add3A_282 = arith.addf %get3A_11, %mul3A_281 : vector<16xf32>
        %sub3A_283 = arith.constant 1.000000e+00 : f32
        %sub3A_284 = vector.broadcast %sub3A_283 : f32 to vector<16xf32>
        %sub3A_285 = arith.subf %add3A_282, %sub3A_284 : vector<16xf32>
        %mul3A_286 = arith.mulf %sub3A_285, %sub3A_285 : vector<16xf32>
        %add3A_287 = arith.addf %add3A_266, %mul3A_286 : vector<16xf32>
        %get3A_288 = arith.index_cast %scan3A_255 : i32 to index
        %get3A_289 = arith.constant 16 : index
        %get3A_290 = tpu.vector_load %arg13[%get3A_288, %get3A_289] {strides = array<i32>} : memref<64x128xf32, #tpu.memory_space<vmem>>, vector<1x16xf32>,
        %get3A_291 = vector.shape_cast %get3A_290 : vector<1x16xf32> to vector<16xf32>
        %mul3A_292 = arith.mulf %get3A_291, %add3A_282 : vector<16xf32>
        %swap3A_293 = arith.index_cast %scan3A_255 : i32 to index
        %swap3A_294 = arith.constant 16 : index
        %swap3A_295 = tpu.vector_load %arg13[%swap3A_293, %swap3A_294] {strides = array<i32>} : memref<64x128xf32, #tpu.memory_space<vmem>>, vector<1x16xf32>,
        %swap3A_296 = vector.shape_cast %swap3A_295 : vector<1x16xf32> to vector<16xf32>
        %swap3A_297 = vector.shape_cast %mul3A_292 : vector<16xf32> to vector<1x16xf32>
        tpu.vector_store %arg13[%swap3A_293, %swap3A_294], %swap3A_297 {strides = array<i32>} : memref<64x128xf32, #tpu.memory_space<vmem>>, vector<1x16xf32>,
        %get3A_298 = arith.index_cast %scan3A_255 : i32 to index
        %get3A_299 = arith.constant 32 : index
        %get3A_300 = tpu.vector_load %arg15[%get3A_298, %get3A_299] {strides = array<i32>} : memref<64x128xf32, #tpu.memory_space<vmem>>, vector<1x16xf32>,
        %get3A_301 = vector.shape_cast %get3A_300 : vector<1x16xf32> to vector<16xf32>
        %mul3A_302 = arith.mulf %get3A_56, %get3A_301 : vector<16xf32>
        %add3A_303 = arith.addf %get3A_16, %mul3A_302 : vector<16xf32>
        %sub3A_304 = arith.constant 1.000000e+00 : f32
        %sub3A_305 = vector.broadcast %sub3A_304 : f32 to vector<16xf32>
        %sub3A_306 = arith.subf %add3A_303, %sub3A_305 : vector<16xf32>
        %mul3A_307 = arith.mulf %sub3A_306, %sub3A_306 : vector<16xf32>
        %add3A_308 = arith.addf %add3A_287, %mul3A_307 : vector<16xf32>
        %get3A_309 = arith.index_cast %scan3A_255 : i32 to index
        %get3A_310 = arith.constant 32 : index
        %get3A_311 = tpu.vector_load %arg13[%get3A_309, %get3A_310] {strides = array<i32>} : memref<64x128xf32, #tpu.memory_space<vmem>>, vector<1x16xf32>,
        %get3A_312 = vector.shape_cast %get3A_311 : vector<1x16xf32> to vector<16xf32>
        %mul3A_313 = arith.mulf %get3A_312, %add3A_303 : vector<16xf32>
        %swap3A_314 = arith.index_cast %scan3A_255 : i32 to index
        %swap3A_315 = arith.constant 32 : index
        %swap3A_316 = tpu.vector_load %arg13[%swap3A_314, %swap3A_315] {strides = array<i32>} : memref<64x128xf32, #tpu.memory_space<vmem>>, vector<1x16xf32>,
        %swap3A_317 = vector.shape_cast %swap3A_316 : vector<1x16xf32> to vector<16xf32>
        %swap3A_318 = vector.shape_cast %mul3A_313 : vector<16xf32> to vector<1x16xf32>
        tpu.vector_store %arg13[%swap3A_314, %swap3A_315], %swap3A_318 {strides = array<i32>} : memref<64x128xf32, #tpu.memory_space<vmem>>, vector<1x16xf32>,
        %get3A_319 = arith.index_cast %scan3A_255 : i32 to index
        %get3A_320 = arith.constant 48 : index
        %get3A_321 = tpu.vector_load %arg15[%get3A_319, %get3A_320] {strides = array<i32>} : memref<64x128xf32, #tpu.memory_space<vmem>>, vector<1x16xf32>,
        %get3A_322 = vector.shape_cast %get3A_321 : vector<1x16xf32> to vector<16xf32>
        %mul3A_323 = arith.mulf %get3A_61, %get3A_322 : vector<16xf32>
        %add3A_324 = arith.addf %get3A_21, %mul3A_323 : vector<16xf32>
        %sub3A_325 = arith.constant 1.000000e+00 : f32
        %sub3A_326 = vector.broadcast %sub3A_325 : f32 to vector<16xf32>
        %sub3A_327 = arith.subf %add3A_324, %sub3A_326 : vector<16xf32>
        %mul3A_328 = arith.mulf %sub3A_327, %sub3A_327 : vector<16xf32>
        %add3A_329 = arith.addf %add3A_308, %mul3A_328 : vector<16xf32>
        %get3A_330 = arith.index_cast %scan3A_255 : i32 to index
        %get3A_331 = arith.constant 48 : index
        %get3A_332 = tpu.vector_load %arg13[%get3A_330, %get3A_331] {strides = array<i32>} : memref<64x128xf32, #tpu.memory_space<vmem>>, vector<1x16xf32>,
        %get3A_333 = vector.shape_cast %get3A_332 : vector<1x16xf32> to vector<16xf32>
        %mul3A_334 = arith.mulf %get3A_333, %add3A_324 : vector<16xf32>
        %swap3A_335 = arith.index_cast %scan3A_255 : i32 to index
        %swap3A_336 = arith.constant 48 : index
        %swap3A_337 = tpu.vector_load %arg13[%swap3A_335, %swap3A_336] {strides = array<i32>} : memref<64x128xf32, #tpu.memory_space<vmem>>, vector<1x16xf32>,
        %swap3A_338 = vector.shape_cast %swap3A_337 : vector<1x16xf32> to vector<16xf32>
        %swap3A_339 = vector.shape_cast %mul3A_334 : vector<16xf32> to vector<1x16xf32>
        tpu.vector_store %arg13[%swap3A_335, %swap3A_336], %swap3A_339 {strides = array<i32>} : memref<64x128xf32, #tpu.memory_space<vmem>>, vector<1x16xf32>,
        %get3A_340 = arith.index_cast %scan3A_255 : i32 to index
        %get3A_341 = arith.constant 64 : index
        %get3A_342 = tpu.vector_load %arg15[%get3A_340, %get3A_341] {strides = array<i32>} : memref<64x128xf32, #tpu.memory_space<vmem>>, vector<1x16xf32>,
        %get3A_343 = vector.shape_cast %get3A_342 : vector<1x16xf32> to vector<16xf32>
        %mul3A_344 = arith.mulf %get3A_66, %get3A_343 : vector<16xf32>
        %add3A_345 = arith.addf %get3A_26, %mul3A_344 : vector<16xf32>
        %sub3A_346 = arith.constant 1.000000e+00 : f32
        %sub3A_347 = vector.broadcast %sub3A_346 : f32 to vector<16xf32>
        %sub3A_348 = arith.subf %add3A_345, %sub3A_347 : vector<16xf32>
        %mul3A_349 = arith.mulf %sub3A_348, %sub3A_348 : vector<16xf32>
        %add3A_350 = arith.addf %add3A_329, %mul3A_349 : vector<16xf32>
        %get3A_351 = arith.index_cast %scan3A_255 : i32 to index
        %get3A_352 = arith.constant 64 : index
        %get3A_353 = tpu.vector_load %arg13[%get3A_351, %get3A_352] {strides = array<i32>} : memref<64x128xf32, #tpu.memory_space<vmem>>, vector<1x16xf32>,
        %get3A_354 = vector.shape_cast %get3A_353 : vector<1x16xf32> to vector<16xf32>
        %mul3A_355 = arith.mulf %get3A_354, %add3A_345 : vector<16xf32>
        %swap3A_356 = arith.index_cast %scan3A_255 : i32 to index
        %swap3A_357 = arith.constant 64 : index
        %swap3A_358 = tpu.vector_load %arg13[%swap3A_356, %swap3A_357] {strides = array<i32>} : memref<64x128xf32, #tpu.memory_space<vmem>>, vector<1x16xf32>,
        %swap3A_359 = vector.shape_cast %swap3A_358 : vector<1x16xf32> to vector<16xf32>
        %swap3A_360 = vector.shape_cast %mul3A_355 : vector<16xf32> to vector<1x16xf32>
        tpu.vector_store %arg13[%swap3A_356, %swap3A_357], %swap3A_360 {strides = array<i32>} : memref<64x128xf32, #tpu.memory_space<vmem>>, vector<1x16xf32>,
        %get3A_361 = arith.index_cast %scan3A_255 : i32 to index
        %get3A_362 = arith.constant 80 : index
        %get3A_363 = tpu.vector_load %arg15[%get3A_361, %get3A_362] {strides = array<i32>} : memref<64x128xf32, #tpu.memory_space<vmem>>, vector<1x16xf32>,
        %get3A_364 = vector.shape_cast %get3A_363 : vector<1x16xf32> to vector<16xf32>
        %mul3A_365 = arith.mulf %get3A_71, %get3A_364 : vector<16xf32>
        %add3A_366 = arith.addf %get3A_31, %mul3A_365 : vector<16xf32>
        %sub3A_367 = arith.constant 1.000000e+00 : f32
        %sub3A_368 = vector.broadcast %sub3A_367 : f32 to vector<16xf32>
        %sub3A_369 = arith.subf %add3A_366, %sub3A_368 : vector<16xf32>
        %mul3A_370 = arith.mulf %sub3A_369, %sub3A_369 : vector<16xf32>
        %add3A_371 = arith.addf %add3A_350, %mul3A_370 : vector<16xf32>
        %get3A_372 = arith.index_cast %scan3A_255 : i32 to index
        %get3A_373 = arith.constant 80 : index
        %get3A_374 = tpu.vector_load %arg13[%get3A_372, %get3A_373] {strides = array<i32>} : memref<64x128xf32, #tpu.memory_space<vmem>>, vector<1x16xf32>,
        %get3A_375 = vector.shape_cast %get3A_374 : vector<1x16xf32> to vector<16xf32>
        %mul3A_376 = arith.mulf %get3A_375, %add3A_366 : vector<16xf32>
        %swap3A_377 = arith.index_cast %scan3A_255 : i32 to index
        %swap3A_378 = arith.constant 80 : index
        %swap3A_379 = tpu.vector_load %arg13[%swap3A_377, %swap3A_378] {strides = array<i32>} : memref<64x128xf32, #tpu.memory_space<vmem>>, vector<1x16xf32>,
        %swap3A_380 = vector.shape_cast %swap3A_379 : vector<1x16xf32> to vector<16xf32>
        %swap3A_381 = vector.shape_cast %mul3A_376 : vector<16xf32> to vector<1x16xf32>
        tpu.vector_store %arg13[%swap3A_377, %swap3A_378], %swap3A_381 {strides = array<i32>} : memref<64x128xf32, #tpu.memory_space<vmem>>, vector<1x16xf32>,
        %get3A_382 = arith.index_cast %scan3A_255 : i32 to index
        %get3A_383 = arith.constant 96 : index
        %get3A_384 = tpu.vector_load %arg15[%get3A_382, %get3A_383] {strides = array<i32>} : memref<64x128xf32, #tpu.memory_space<vmem>>, vector<1x16xf32>,
        %get3A_385 = vector.shape_cast %get3A_384 : vector<1x16xf32> to vector<16xf32>
        %mul3A_386 = arith.mulf %get3A_76, %get3A_385 : vector<16xf32>
        %add3A_387 = arith.addf %get3A_36, %mul3A_386 : vector<16xf32>
        %sub3A_388 = arith.constant 1.000000e+00 : f32
        %sub3A_389 = vector.broadcast %sub3A_388 : f32 to vector<16xf32>
        %sub3A_390 = arith.subf %add3A_387, %sub3A_389 : vector<16xf32>
        %mul3A_391 = arith.mulf %sub3A_390, %sub3A_390 : vector<16xf32>
        %add3A_392 = arith.addf %add3A_371, %mul3A_391 : vector<16xf32>
        %get3A_393 = arith.index_cast %scan3A_255 : i32 to index
        %get3A_394 = arith.constant 96 : index
        %get3A_395 = tpu.vector_load %arg13[%get3A_393, %get3A_394] {strides = array<i32>} : memref<64x128xf32, #tpu.memory_space<vmem>>, vector<1x16xf32>,
        %get3A_396 = vector.shape_cast %get3A_395 : vector<1x16xf32> to vector<16xf32>
        %mul3A_397 = arith.mulf %get3A_396, %add3A_387 : vector<16xf32>
        %swap3A_398 = arith.index_cast %scan3A_255 : i32 to index
        %swap3A_399 = arith.constant 96 : index
        %swap3A_400 = tpu.vector_load %arg13[%swap3A_398, %swap3A_399] {strides = array<i32>} : memref<64x128xf32, #tpu.memory_space<vmem>>, vector<1x16xf32>,
        %swap3A_401 = vector.shape_cast %swap3A_400 : vector<1x16xf32> to vector<16xf32>
        %swap3A_402 = vector.shape_cast %mul3A_397 : vector<16xf32> to vector<1x16xf32>
        tpu.vector_store %arg13[%swap3A_398, %swap3A_399], %swap3A_402 {strides = array<i32>} : memref<64x128xf32, #tpu.memory_space<vmem>>, vector<1x16xf32>,
        %get3A_403 = arith.index_cast %scan3A_255 : i32 to index
        %get3A_404 = arith.constant 112 : index
        %get3A_405 = tpu.vector_load %arg15[%get3A_403, %get3A_404] {strides = array<i32>} : memref<64x128xf32, #tpu.memory_space<vmem>>, vector<1x16xf32>,
        %get3A_406 = vector.shape_cast %get3A_405 : vector<1x16xf32> to vector<16xf32>
        %mul3A_407 = arith.mulf %get3A_81, %get3A_406 : vector<16xf32>
        %add3A_408 = arith.addf %get3A_41, %mul3A_407 : vector<16xf32>
        %sub3A_409 = arith.constant 1.000000e+00 : f32
        %sub3A_410 = vector.broadcast %sub3A_409 : f32 to vector<16xf32>
        %sub3A_411 = arith.subf %add3A_408, %sub3A_410 : vector<16xf32>
        %mul3A_412 = arith.mulf %sub3A_411, %sub3A_411 : vector<16xf32>
        %add3A_413 = arith.addf %add3A_392, %mul3A_412 : vector<16xf32>
        %get3A_414 = arith.index_cast %scan3A_255 : i32 to index
        %get3A_415 = arith.constant 112 : index
        %get3A_416 = tpu.vector_load %arg13[%get3A_414, %get3A_415] {strides = array<i32>} : memref<64x128xf32, #tpu.memory_space<vmem>>, vector<1x16xf32>,
        %get3A_417 = vector.shape_cast %get3A_416 : vector<1x16xf32> to vector<16xf32>
        %mul3A_418 = arith.mulf %get3A_417, %add3A_408 : vector<16xf32>
        %swap3A_419 = arith.index_cast %scan3A_255 : i32 to index
        %swap3A_420 = arith.constant 112 : index
        %swap3A_421 = tpu.vector_load %arg13[%swap3A_419, %swap3A_420] {strides = array<i32>} : memref<64x128xf32, #tpu.memory_space<vmem>>, vector<1x16xf32>,
        %swap3A_422 = vector.shape_cast %swap3A_421 : vector<1x16xf32> to vector<16xf32>
        %swap3A_423 = vector.shape_cast %mul3A_418 : vector<16xf32> to vector<1x16xf32>
        tpu.vector_store %arg13[%swap3A_419, %swap3A_420], %swap3A_423 {strides = array<i32>} : memref<64x128xf32, #tpu.memory_space<vmem>>, vector<1x16xf32>,
        scf.yield %add3A_413 : vector<16xf32>
      }
      %scan3A_245 = arith.constant 64 : i32
      %mul3A_246 = vector.broadcast %select_n3A_237 : f32 to vector<16xf32>
      %mul3A_247 = arith.mulf %mul3A_246, %scan3A_244 : vector<16xf32>
      %add3A_248 = arith.addf %add3A_197, %mul3A_247 : vector<16xf32>
      %dma_start3A_249 = arith.constant 0 : i32
      %dma_start3A_250 = tpu.memref_slice %arg11[%add3A_207, %dma_start3A_249] : memref<80x64xi32, #tpu.memory_space<vmem>> -> memref<1x64xi32, #tpu.memory_space<vmem>>
      %dma_start3A_251 = tpu.memref_squeeze %dma_start3A_250 : memref<1x64xi32, #tpu.memory_space<vmem>> -> memref<64xi32, #tpu.memory_space<vmem>>
      %dma_start3A_252 = arith.constant 0 : i32
      %dma_start3A_253 = arith.constant 0 : i32
      %dma_start3A_254 = tpu.memref_slice %arg19[%dma_start3A_252, %dma_start3A_253] : memref<10008x128xf32, #tpu.memory_space<vmem_shared>> -> memref<10008x128xf32, #tpu.memory_space<vmem_shared>>
      tpu.enqueue_indirect_dma source(%arg13 : memref<64x128xf32, #tpu.memory_space<vmem>>) target(%dma_start3A_254 : memref<10008x128xf32, #tpu.memory_space<vmem_shared>>) offsets(%dma_start3A_251 : memref<64xi32, #tpu.memory_space<vmem>>) semaphore(%arg25 : memref<!tpu.dma_semaphore, #tpu.memory_space<semaphore_mem>>) {add = true}
      scf.yield %add3A_248 : vector<16xf32>
    }
    %scan3A_134 = arith.constant 40 : i32
    %dma_wait3A = arith.constant 79 : i32
    %dma_wait3A_135 = arith.constant 0 : i32
    %dma_wait3A_136 = tpu.memref_slice %arg11[%dma_wait3A, %dma_wait3A_135] : memref<80x64xi32, #tpu.memory_space<vmem>> -> memref<1x64xi32, #tpu.memory_space<vmem>>
    %dma_wait3A_137 = tpu.memref_squeeze %dma_wait3A_136 : memref<1x64xi32, #tpu.memory_space<vmem>> -> memref<64xi32, #tpu.memory_space<vmem>>
    %dma_wait3A_138 = arith.constant 0 : i32
    %dma_wait3A_139 = arith.constant 0 : i32
    %dma_wait3A_140 = tpu.memref_slice %arg19[%dma_wait3A_138, %dma_wait3A_139] : memref<10008x128xf32, #tpu.memory_space<vmem_shared>> -> memref<10008x128xf32, #tpu.memory_space<vmem_shared>>
    tpu.wait_indirect_dma semaphore(%arg25 : memref<!tpu.dma_semaphore, #tpu.memory_space<semaphore_mem>>) src(%arg13 : memref<64x128xf32, #tpu.memory_space<vmem>>) dst(%dma_wait3A_140 : memref<10008x128xf32, #tpu.memory_space<vmem_shared>>)
    %swap3A = arith.constant 0 : index
    %swap3A_141 = tpu.vector_load %arg18[%swap3A] {strides = array<i32>} : memref<16xf32, #tpu.memory_space<vmem>>, vector<16xf32>,
    %swap3A_142 = vector.shape_cast %swap3A_141 : vector<16xf32> to vector<16xf32>
    %swap3A_143 = vector.shape_cast %scan3A_133 : vector<16xf32> to vector<16xf32>
    tpu.vector_store %arg18[%swap3A], %swap3A_143 {strides = array<i32>} : memref<16xf32, #tpu.memory_space<vmem>>, vector<16xf32>,
    %mul3A_144 = arith.constant 16 : i32
    %mul3A_145 = arith.muli %add3A, %mul3A_144 : i32
    "tpu.region"() ({
      %run_scoped3A = tpu.sem_alloc : memref<!tpu.dma_semaphore, #tpu.memory_space<semaphore_mem>>
      %dma_start3A_155 = tpu.memref_slice %arg9[%mul3A_145] : memref<512xf32, #tpu.memory_space<hbm>> -> memref<16xf32, #tpu.memory_space<hbm>>
      %dma_start3A_156 = tpu.memref_slice %arg9[%mul3A_145] : memref<512xf32, #tpu.memory_space<hbm>> -> memref<16xf32, #tpu.memory_space<hbm>>
      tpu.enqueue_dma source(%arg18 : memref<16xf32, #tpu.memory_space<vmem>>) target(%dma_start3A_156 : memref<16xf32, #tpu.memory_space<hbm>>) target_semaphore(%run_scoped3A : memref<!tpu.dma_semaphore, #tpu.memory_space<semaphore_mem>>)
      %dma_wait3A_157 = tpu.memref_slice %arg9[%mul3A_145] : memref<512xf32, #tpu.memory_space<hbm>> -> memref<16xf32, #tpu.memory_space<hbm>>
      %dma_wait3A_158 = tpu.memref_slice %arg9[%mul3A_145] : memref<512xf32, #tpu.memory_space<hbm>> -> memref<16xf32, #tpu.memory_space<hbm>>
      tpu.wait_dma2 semaphore(%run_scoped3A : memref<!tpu.dma_semaphore, #tpu.memory_space<semaphore_mem>>) src(%arg18 : memref<16xf32, #tpu.memory_space<vmem>>) dst(%dma_wait3A_158 : memref<16xf32, #tpu.memory_space<hbm>>)
      tpu.yield
    }) : () -> ()
    %barrier3A_146 = arith.constant 0 : index
    tpu.barrier barrier_id(%barrier3A_146)
    %mul3A_147 = arith.constant 10000 : i32
    %mul3A_148 = arith.muli %arg0, %mul3A_147 : i32
    %add3A_149 = arith.addi %mul3A_148, %mul3A_88 : i32
    "tpu.region"() ({
      %run_scoped3A = tpu.sem_alloc : memref<!tpu.dma_semaphore, #tpu.memory_space<semaphore_mem>>
      %dma_start3A_155 = arith.constant 0 : i32
      %dma_start3A_156 = tpu.memref_slice %arg8[%add3A_149, %dma_start3A_155] : memref<20000x128xf32, #tpu.memory_space<hbm>> -> memref<624x128xf32, #tpu.memory_space<hbm>>
      %dma_start3A_157 = arith.constant 0 : i32
      %dma_start3A_158 = tpu.memref_slice %arg19[%mul3A_88, %dma_start3A_157] : memref<10008x128xf32, #tpu.memory_space<vmem_shared>> -> memref<624x128xf32, #tpu.memory_space<vmem_shared>>
      tpu.enqueue_dma source(%dma_start3A_158 : memref<624x128xf32, #tpu.memory_space<vmem_shared>>) target(%dma_start3A_156 : memref<624x128xf32, #tpu.memory_space<hbm>>) target_semaphore(%run_scoped3A : memref<!tpu.dma_semaphore, #tpu.memory_space<semaphore_mem>>)
      %dma_wait3A_159 = arith.constant 0 : i32
      %dma_wait3A_160 = tpu.memref_slice %arg8[%add3A_149, %dma_wait3A_159] : memref<20000x128xf32, #tpu.memory_space<hbm>> -> memref<624x128xf32, #tpu.memory_space<hbm>>
      %dma_wait3A_161 = arith.constant 0 : i32
      %dma_wait3A_162 = tpu.memref_slice %arg19[%mul3A_88, %dma_wait3A_161] : memref<10008x128xf32, #tpu.memory_space<vmem_shared>> -> memref<624x128xf32, #tpu.memory_space<vmem_shared>>
      tpu.wait_dma2 semaphore(%run_scoped3A : memref<!tpu.dma_semaphore, #tpu.memory_space<semaphore_mem>>) src(%dma_wait3A_162 : memref<624x128xf32, #tpu.memory_space<vmem_shared>>) dst(%dma_wait3A_160 : memref<624x128xf32, #tpu.memory_space<hbm>>)
      tpu.yield
    }) : () -> ()
    %eq3A_150 = arith.constant 15 : i32
    %eq3A_151 = arith.cmpi eq, %arg1, %eq3A_150 : i32
    %convert_element_type3A_152 = arith.extui %eq3A_151 : i1 to i32
    %cond3A_153 = arith.constant 0 : i32
    %cond3A_154 = arith.cmpi ne, %convert_element_type3A_152, %cond3A_153 : i32
    scf.if %cond3A_154 {
      %mul3A_155 = arith.constant 10000 : i32
      %mul3A_156 = arith.muli %arg0, %mul3A_155 : i32
      %add3A_157 = arith.constant 9984 : i32
      %add3A_158 = arith.addi %mul3A_156, %add3A_157 : i32
      "tpu.region"() ({
        %run_scoped3A = tpu.sem_alloc : memref<!tpu.dma_semaphore, #tpu.memory_space<semaphore_mem>>
        %dma_start3A_159 = arith.constant 0 : i32
        %dma_start3A_160 = tpu.memref_slice %arg8[%add3A_158, %dma_start3A_159] : memref<20000x128xf32, #tpu.memory_space<hbm>> -> memref<16x128xf32, #tpu.memory_space<hbm>>
        %dma_start3A_161 = arith.constant 9984 : i32
        %dma_start3A_162 = arith.constant 0 : i32
        %dma_start3A_163 = tpu.memref_slice %arg19[%dma_start3A_161, %dma_start3A_162] : memref<10008x128xf32, #tpu.memory_space<vmem_shared>> -> memref<16x128xf32, #tpu.memory_space<vmem_shared>>
        tpu.enqueue_dma source(%dma_start3A_163 : memref<16x128xf32, #tpu.memory_space<vmem_shared>>) target(%dma_start3A_160 : memref<16x128xf32, #tpu.memory_space<hbm>>) target_semaphore(%run_scoped3A : memref<!tpu.dma_semaphore, #tpu.memory_space<semaphore_mem>>)
        %dma_wait3A_164 = arith.constant 0 : i32
        %dma_wait3A_165 = tpu.memref_slice %arg8[%add3A_158, %dma_wait3A_164] : memref<20000x128xf32, #tpu.memory_space<hbm>> -> memref<16x128xf32, #tpu.memory_space<hbm>>
        %dma_wait3A_166 = arith.constant 9984 : i32
        %dma_wait3A_167 = arith.constant 0 : i32
        %dma_wait3A_168 = tpu.memref_slice %arg19[%dma_wait3A_166, %dma_wait3A_167] : memref<10008x128xf32, #tpu.memory_space<vmem_shared>> -> memref<16x128xf32, #tpu.memory_space<vmem_shared>>
        tpu.wait_dma2 semaphore(%run_scoped3A : memref<!tpu.dma_semaphore, #tpu.memory_space<semaphore_mem>>) src(%dma_wait3A_168 : memref<16x128xf32, #tpu.memory_space<vmem_shared>>) dst(%dma_wait3A_165 : memref<16x128xf32, #tpu.memory_space<hbm>>)
        tpu.yield
      }) : () -> ()
    } else {
    }
    return
  }
}

module attributes {stable_mosaic.version = 14 : i64} {
  func.func @_tc_final_body(%arg0: i32, %arg1: memref<1000x128xf32, #tpu.memory_space<vmem>>, %arg2: memref<1000x128xf32, #tpu.memory_space<vmem>>, %arg3: memref<128x128xf32, #tpu.memory_space<vmem>>, %arg4: memref<1x128xf32, #tpu.memory_space<vmem>>, %arg5: memref<4x128xf32, #tpu.memory_space<vmem>>, %arg6: memref<4x128xf32, #tpu.memory_space<vmem>>, %arg7: memref<1000x128xf32, #tpu.memory_space<vmem>>, %arg8: memref<1x1xf32, #tpu.memory_space<vmem>>) attributes {dimension_semantics = [#tpu.dimension_semantics<arbitrary>], iteration_bounds = array<i64: 10>, scalar_prefetch = 0 : i64, scratch_operands = 0 : i64, tpu.core_type = #tpu.core_type<tc>, window_params = [{transform_indices = @transform_0, window_bounds = array<i64: 1000, 128>}, {transform_indices = @transform_1, window_bounds = array<i64: 1000, 128>}, {pipeline_mode = #tpu.pipeline_mode<synchronous>, transform_indices = @transform_2, window_bounds = array<i64: 128, 128>}, {pipeline_mode = #tpu.pipeline_mode<synchronous>, transform_indices = @transform_3, window_bounds = array<i64: 1, 128>}, {pipeline_mode = #tpu.pipeline_mode<synchronous>, transform_indices = @transform_4, window_bounds = array<i64: 4, 128>}, {pipeline_mode = #tpu.pipeline_mode<synchronous>, transform_indices = @transform_5, window_bounds = array<i64: 4, 128>}, {transform_indices = @transform_6, window_bounds = array<i64: 1000, 128>}, {pipeline_mode = #tpu.pipeline_mode<synchronous>, transform_indices = @transform_7, window_bounds = array<i64: 1, 1>}]} {
    %get3A = arith.constant 0 : index
    %get3A_0 = arith.constant 0 : index
    %get3A_1 = vector.load %arg1[%get3A, %get3A_0] : memref<1000x128xf32, #tpu.memory_space<vmem>>, vector<1000x128xf32>
    %get3A_2 = arith.constant 0 : index
    %get3A_3 = arith.constant 0 : index
    %get3A_4 = vector.load %arg2[%get3A_2, %get3A_3] : memref<1000x128xf32, #tpu.memory_space<vmem>>, vector<1000x128xf32>
    %add3A = arith.addf %get3A_1, %get3A_4 : vector<1000x128xf32>
    %get3A_5 = arith.constant 0 : index
    %get3A_6 = arith.constant 0 : index
    %get3A_7 = vector.load %arg3[%get3A_5, %get3A_6] : memref<128x128xf32, #tpu.memory_space<vmem>>, vector<128x128xf32>
    %dot_general3A = arith.constant dense<0.000000e+00> : vector<1000x128xf32>
    %dot_general3A_8 = tpu.matmul %add3A, %get3A_7, %dot_general3A {dimension_numbers = #tpu.dot_dimension_numbers<[1], [0], [0], [1], [0, 0, 1, 1], [], []>, transpose_lhs_hint = false} : vector<1000x128xf32>, vector<128x128xf32>, vector<1000x128xf32> -> vector<1000x128xf32>
    %get3A_9 = arith.constant 0 : index
    %get3A_10 = arith.constant 0 : index
    %get3A_11 = vector.load %arg4[%get3A_9, %get3A_10] : memref<1x128xf32, #tpu.memory_space<vmem>>, vector<1x128xf32>
    %add3A_12 = vector.broadcast %get3A_11 : vector<1x128xf32> to vector<1000x128xf32>
    %add3A_13 = arith.addf %dot_general3A_8, %add3A_12 : vector<1000x128xf32>
    %swap3A = arith.constant 0 : index
    %swap3A_14 = arith.constant 0 : index
    %swap3A_15 = vector.load %arg7[%swap3A, %swap3A_14] : memref<1000x128xf32, #tpu.memory_space<vmem>>, vector<1000x128xf32>
    tpu.vector_store %arg7[%swap3A, %swap3A_14], %add3A_13 {strides = array<i32>} : memref<1000x128xf32, #tpu.memory_space<vmem>>, vector<1000x128xf32>,
    %eq3A = arith.constant 0 : i32
    %eq3A_16 = arith.cmpi eq, %arg0, %eq3A : i32
    %convert_element_type3A = arith.extui %eq3A_16 : i1 to i32
    %cond3A = arith.constant 0 : i32
    %cond3A_17 = arith.cmpi ne, %convert_element_type3A, %cond3A : i32
    scf.if %cond3A_17 {
      %get3A_18 = arith.constant 0 : index
      %get3A_19 = arith.constant 0 : index
      %get3A_20 = vector.load %arg5[%get3A_18, %get3A_19] : memref<4x128xf32, #tpu.memory_space<vmem>>, vector<4x128xf32>
      %reduce_sum3A = vector.shape_cast %get3A_20 : vector<4x128xf32> to vector<1x4x128xf32>
      %reduce_sum3A_21 = arith.constant dense<0.000000e+00> : vector<1xf32>
      %reduce_sum3A_22 = vector.multi_reduction <add>, %reduce_sum3A, %reduce_sum3A_21 [1, 2] : vector<1x4x128xf32> to vector<1xf32>
      %reduce_sum3A_23 = vector.shape_cast %reduce_sum3A_22 : vector<1xf32> to vector<1x1x1xf32>
      %reduce_sum3A_24 = vector.extract %reduce_sum3A_23[0, 0, 0] : f32 from vector<1x1x1xf32>
      %get3A_25 = arith.constant 0 : index
      %get3A_26 = arith.constant 0 : index
      %get3A_27 = vector.load %arg6[%get3A_25, %get3A_26] : memref<4x128xf32, #tpu.memory_space<vmem>>, vector<4x128xf32>
      %reduce_sum3A_28 = vector.shape_cast %get3A_27 : vector<4x128xf32> to vector<1x4x128xf32>
      %reduce_sum3A_29 = arith.constant dense<0.000000e+00> : vector<1xf32>
      %reduce_sum3A_30 = vector.multi_reduction <add>, %reduce_sum3A_28, %reduce_sum3A_29 [1, 2] : vector<1x4x128xf32> to vector<1xf32>
      %reduce_sum3A_31 = vector.shape_cast %reduce_sum3A_30 : vector<1xf32> to vector<1x1x1xf32>
      %reduce_sum3A_32 = vector.extract %reduce_sum3A_31[0, 0, 0] : f32 from vector<1x1x1xf32>
      %add3A_33 = arith.addf %reduce_sum3A_24, %reduce_sum3A_32 : f32
      %mul3A = arith.constant 5.000000e-01 : f32
      %mul3A_34 = arith.mulf %mul3A, %add3A_33 : f32
      %div3A = arith.constant 2.048000e+07 : f32
      %div3A_35 = arith.divf %mul3A_34, %div3A : f32
      %add3A_36 = arith.constant 1.83787704 : f32
      %add3A_37 = arith.addf %div3A_35, %add3A_36 : f32
      %reshape3A = vector.broadcast %add3A_37 : f32 to vector<1x1xf32>
      %swap3A_38 = arith.constant 0 : index
      %swap3A_39 = arith.constant 0 : index
      %swap3A_40 = vector.load %arg8[%swap3A_38, %swap3A_39] : memref<1x1xf32, #tpu.memory_space<vmem>>, vector<1x1xf32>
      tpu.vector_store %arg8[%swap3A_38, %swap3A_39], %reshape3A {strides = array<i32>} : memref<1x1xf32, #tpu.memory_space<vmem>>, vector<1x1xf32>,
    } else {
    }
    return
  }
  func.func @transform_0(%arg0: i32) -> (i32, i32) {
    %c0_i32 = arith.constant 0 : i32
    %c0_i32_0 = arith.constant 0 : i32
    return %arg0, %c0_i32 : i32, i32
  }
  func.func @transform_1(%arg0: i32) -> (i32, i32) {
    %add3A = arith.constant 10 : i32
    %add3A_0 = arith.addi %arg0, %add3A : i32
    %c0_i32 = arith.constant 0 : i32
    %c0_i32_1 = arith.constant 0 : i32
    return %add3A_0, %c0_i32 : i32, i32
  }
  func.func @transform_2(%arg0: i32) -> (i32, i32) {
    %c0_i32 = arith.constant 0 : i32
    %c0_i32_0 = arith.constant 0 : i32
    %c0_i32_1 = arith.constant 0 : i32
    return %c0_i32, %c0_i32_0 : i32, i32
  }
  func.func @transform_3(%arg0: i32) -> (i32, i32) {
    %c0_i32 = arith.constant 0 : i32
    %c0_i32_0 = arith.constant 0 : i32
    %c0_i32_1 = arith.constant 0 : i32
    return %c0_i32, %c0_i32_0 : i32, i32
  }
  func.func @transform_4(%arg0: i32) -> (i32, i32) {
    %c0_i32 = arith.constant 0 : i32
    %c0_i32_0 = arith.constant 0 : i32
    %c0_i32_1 = arith.constant 0 : i32
    return %c0_i32, %c0_i32_0 : i32, i32
  }
  func.func @transform_5(%arg0: i32) -> (i32, i32) {
    %c0_i32 = arith.constant 0 : i32
    %c0_i32_0 = arith.constant 0 : i32
    %c0_i32_1 = arith.constant 0 : i32
    return %c0_i32, %c0_i32_0 : i32, i32
  }
  func.func @transform_6(%arg0: i32) -> (i32, i32) {
    %c0_i32 = arith.constant 0 : i32
    %c0_i32_0 = arith.constant 0 : i32
    return %arg0, %c0_i32 : i32, i32
  }
  func.func @transform_7(%arg0: i32) -> (i32, i32) {
    %c0_i32 = arith.constant 0 : i32
    %c0_i32_0 = arith.constant 0 : i32
    %c0_i32_1 = arith.constant 0 : i32
    return %c0_i32, %c0_i32_0 : i32, i32
  }
}

module attributes {stable_mosaic.version = 14 : i64} {
  func.func @_tc_mid_body(%arg0: i32, %arg1: memref<1000x128xf32, #tpu.memory_space<vmem>>, %arg2: memref<1000x128xf32, #tpu.memory_space<vmem>>, %arg3: memref<128x128xf32, #tpu.memory_space<vmem>>, %arg4: memref<1x128xf32, #tpu.memory_space<vmem>>, %arg5: memref<1000x128xf32, #tpu.memory_space<vmem>>) attributes {dimension_semantics = [#tpu.dimension_semantics<arbitrary>], iteration_bounds = array<i64: 10>, scalar_prefetch = 0 : i64, scratch_operands = 0 : i64, tpu.core_type = #tpu.core_type<tc>, window_params = [{transform_indices = @transform_0, window_bounds = array<i64: 1000, 128>}, {transform_indices = @transform_1, window_bounds = array<i64: 1000, 128>}, {pipeline_mode = #tpu.pipeline_mode<synchronous>, transform_indices = @transform_2, window_bounds = array<i64: 128, 128>}, {pipeline_mode = #tpu.pipeline_mode<synchronous>, transform_indices = @transform_3, window_bounds = array<i64: 1, 128>}, {transform_indices = @transform_4, window_bounds = array<i64: 1000, 128>}]} {
    %get3A = arith.constant 0 : index
    %get3A_0 = arith.constant 0 : index
    %get3A_1 = vector.load %arg1[%get3A, %get3A_0] : memref<1000x128xf32, #tpu.memory_space<vmem>>, vector<1000x128xf32>
    %get3A_2 = arith.constant 0 : index
    %get3A_3 = arith.constant 0 : index
    %get3A_4 = vector.load %arg2[%get3A_2, %get3A_3] : memref<1000x128xf32, #tpu.memory_space<vmem>>, vector<1000x128xf32>
    %add3A = arith.addf %get3A_1, %get3A_4 : vector<1000x128xf32>
    %get3A_5 = arith.constant 0 : index
    %get3A_6 = arith.constant 0 : index
    %get3A_7 = vector.load %arg3[%get3A_5, %get3A_6] : memref<128x128xf32, #tpu.memory_space<vmem>>, vector<128x128xf32>
    %dot_general3A = arith.constant dense<0.000000e+00> : vector<1000x128xf32>
    %dot_general3A_8 = tpu.matmul %add3A, %get3A_7, %dot_general3A {dimension_numbers = #tpu.dot_dimension_numbers<[1], [0], [0], [1], [0, 0, 1, 1], [], []>, transpose_lhs_hint = false} : vector<1000x128xf32>, vector<128x128xf32>, vector<1000x128xf32> -> vector<1000x128xf32>
    %get3A_9 = arith.constant 0 : index
    %get3A_10 = arith.constant 0 : index
    %get3A_11 = vector.load %arg4[%get3A_9, %get3A_10] : memref<1x128xf32, #tpu.memory_space<vmem>>, vector<1x128xf32>
    %add3A_12 = vector.broadcast %get3A_11 : vector<1x128xf32> to vector<1000x128xf32>
    %add3A_13 = arith.addf %dot_general3A_8, %add3A_12 : vector<1000x128xf32>
    %max3A = arith.constant 0.000000e+00 : f32
    %max3A_14 = vector.broadcast %max3A : f32 to vector<1000x128xf32>
    %max3A_15 = arith.maximumf %add3A_13, %max3A_14 : vector<1000x128xf32>
    %swap3A = arith.constant 0 : index
    %swap3A_16 = arith.constant 0 : index
    %swap3A_17 = vector.load %arg5[%swap3A, %swap3A_16] : memref<1000x128xf32, #tpu.memory_space<vmem>>, vector<1000x128xf32>
    tpu.vector_store %arg5[%swap3A, %swap3A_16], %max3A_15 {strides = array<i32>} : memref<1000x128xf32, #tpu.memory_space<vmem>>, vector<1000x128xf32>,
    return
  }
  func.func @transform_0(%arg0: i32) -> (i32, i32) {
    %c0_i32 = arith.constant 0 : i32
    %c0_i32_0 = arith.constant 0 : i32
    return %arg0, %c0_i32 : i32, i32
  }
  func.func @transform_1(%arg0: i32) -> (i32, i32) {
    %add3A = arith.constant 10 : i32
    %add3A_0 = arith.addi %arg0, %add3A : i32
    %c0_i32 = arith.constant 0 : i32
    %c0_i32_1 = arith.constant 0 : i32
    return %add3A_0, %c0_i32 : i32, i32
  }
  func.func @transform_2(%arg0: i32) -> (i32, i32) {
    %c0_i32 = arith.constant 0 : i32
    %c0_i32_0 = arith.constant 0 : i32
    %c0_i32_1 = arith.constant 0 : i32
    return %c0_i32, %c0_i32_0 : i32, i32
  }
  func.func @transform_3(%arg0: i32) -> (i32, i32) {
    %c0_i32 = arith.constant 0 : i32
    %c0_i32_0 = arith.constant 0 : i32
    %c0_i32_1 = arith.constant 0 : i32
    return %c0_i32, %c0_i32_0 : i32, i32
  }
  func.func @transform_4(%arg0: i32) -> (i32, i32) {
    %c0_i32 = arith.constant 0 : i32
    %c0_i32_0 = arith.constant 0 : i32
    return %arg0, %c0_i32 : i32, i32
  }
}

</mosaic_0001>

<sc_bundles>
// kernel: kernel.6.cloned.1.call-start
scs
__scs_entry_jumppad:
0x0: {  	(pc) =	sbr.rel $0x88, $3  }
0x1: {  	(tag) =	ssettag $0x0;
	lr =	simm.s32 $0x1  }
0x2: {  	[smem:$0x3F95] =	sst lr;
	_ =	strace $0xD0000000  }
0x3: {  	_ = 	snop  }
0x4: {  	_ = 	snop  }
0x5: {  	_ = 	snop  }
0x6: {  	_ = 	snop  }
0x7: {  	_ = 	snop  }
__scs_overlays_trampoline_lowered:
0x8: {  	[smem:$0x3FA4] =	sst s0  }
0x9: {  	[smem:$0x3FA5] =	sst s1  }
0xa: {  	[smem:$0x3FA6] =	sst s2  }
0xb: {  	[smem:$0x3FA7] =	sst s3  }
0xc: {  	[smem:$0x3FA8] =	sst s4  }
0xd: {  	[smem:$0x3FA9] =	sst s5  }
0xe: {  	[smem:$0x3FAA] =	sst s6  }
0xf: {  	[smem:$0x3FAB] =	sst s7  }
0x10: {  	[smem:$0x3FAC] =	sst s8  }
0x11: {  	[smem:$0x3FAD] =	sst s9;
	s0 =	simm.s32 @!p0 $0x0  }
0x12: {  	s1 =	sld [smem:$0x3F93];
	s0 =	simm.s32 @p0 $0x1  }
0x13: {  	[smem:$0x3FAE] =	sst s0;
	s0 =	simm.s32 @!p1 $0x0  }
0x14: {  	s2 =	sld [smem:$0x3F92];
	s0 =	simm.s32 @p1 $0x1  }
0x15: {  	[smem:$0x3FAF] =	sst s0;
	s0 =	simm.s32 @!p2 $0x0  }
0x16: {  	s3 =	sld [smem:$0x3FDB];
	s0 =	simm.s32 @p2 $0x1  }
0x17: {  	s4 =	simm.s32 $0x1BF5;
	[smem:$0x3FB1] =	sst s0  }
0x18: {  	s0 =	sld [smem:$0x3F94];
	_ =	swait.ge [sflag:s4], $0x0  }
0x19: {  	s7 =	sld [smem:$0x3F95]  }
0x1a: {  	s8 =	sadd.s32 $0xFFFFE003, lr  }
0x1b: {  	s9 =	sadd.s32 $0xFFFFFEF7, lr;
	s5 =	simm.s32 $0xFFFFFFFF;
	p2 =	slt.u32 s8, $0xFFFFF086  }
0x1c: {  	p1 =	slt.u32 s9, $0xF7A;
	s5 =	simm.s32 @!p2 $0x0  }
0x1d: {  	s5 =	simm.s32 @p1 $0x1;
	p0 =	seq.s32 s7, s2  }
0x1e: {  	s7 =	smul.u32 @!p0 $0xF7A, s2;
	p2 =	seq.s32 @!p0 s5, $0x0  }
0x1f: {  	s9 =	smul.u32 $0xF7A, s1;
	s8 =	simm.s32 @!p0 $0x1BF5;
	p2 =	por !p2, p0  }
0x20: {  	[sflag:s8] =	ssyncset.s32 @!p0 $0xFFFFF086;
	s6 =	sadd.s32 @!p0 s3, s7;
	s7 =	simm.s32 @!p0 $0x108  }
0x21: {  	s3 =	sadd.s32 s3, s9;
	s6 =	sadd.s32 @!p0 $0x88, s6;
	s7 =	simm.s32 @p2 $0x1082  }
0x22: {  	[simem:s7], [sflag:s8] =	dma.local @!p0 [hbm:s6], $0xF7A  }
0x23: {  	s9 =	sor.u32 $0xD0000000, s2;
	s6 =	simm.s32 $0x108;
	_ =	swait.ge @!p0 [sflag:s8], $0x0  }
0x24: {  	s3 =	sadd.s32 $0x88, s3;
	s6 =	simm.s32 @!p1 $0x1082;
	[sflag:s4] =	ssyncset.s32 $0xFFFFF086  }
0x25: {  	[simem:s6], [sflag:s4] =	dma.local [hbm:s3], $0xF7A  }
0x26: {  	[smem:$0x3F95] =	sst s1;
	(tag) =	ssettag s2;
	_ =	strace s9  }
0x27: {  	s1 =	sld [smem:$0x3FA5]  }
0x28: {  	s2 =	sld [smem:$0x3FA6]  }
0x29: {  	s4 =	sld [smem:$0x3FA8]  }
0x2a: {  	p0 =	seq.s32 s5, $0x0;
	s5 =	sld [smem:$0x3FA9]  }
0x2b: {  	s6 =	sld [smem:$0x3FAA]  }
0x2c: {  	s7 =	sld [smem:$0x3FAB]  }
0x2d: {  	s3 =	simm.s32 $0x108;
	s8 =	sld [smem:$0x3FAC]  }
0x2e: {  	s3 =	simm.s32 @!p0 $0x1082;
	s9 =	sld [smem:$0x3FAD]  }
0x2f: {  	lr =	sadd.s32 s0, s3;
	s0 =	sld [smem:$0x3FA4]  }
0x30: {  	s3 =	sld [smem:$0x3FA7]  }
0x31: {  	[smem:$0x3FB0] =	sst s10  }
0x32: {  	s10 =	sld [smem:$0x3FAE];
	_ =	sdelay $0x3  }
0x33: {  	p0 =	seq.s32 s10, $0x1;
	s10 =	sld [smem:$0x3FB0];
	_ =	sdelay $0x3  }
0x34: {  	[smem:$0x3FB0] =	sst s10  }
0x35: {  	s10 =	sld [smem:$0x3FAF];
	_ =	sdelay $0x3  }
0x36: {  	p1 =	seq.s32 s10, $0x1;
	s10 =	sld [smem:$0x3FB0];
	_ =	sdelay $0x3  }
0x37: {  	[smem:$0x3FB0] =	sst s10  }
0x38: {  	s10 =	sld [smem:$0x3FB1]  }
0x39: {  	_ = 	snop;
	(pc) =	sbr.ind lr, $3  }
0x3a: {  	_ = 	snop  }
0x3b: {  	_ = 	snop  }
0x3c: {  	p2 =	seq.s32 s10, $0x1;
	s10 =	sld [smem:$0x3FB0]  }
0x3d: {  	_ =	shalt  }
0x3e: {  	_ =	shalt  }
0x3f: {  	_ =	shalt  }
0x40: {  	_ =	shalt  }
0x41: {  	_ =	shalt  }
0x42: {  	_ =	shalt  }
0x43: {  	_ =	shalt  }
0x44: {  	_ =	shalt  }
0x45: {  	_ =	shalt  }
0x46: {  	_ =	shalt  }
0x47: {  	_ =	shalt  }
0x48: {  	_ =	shalt  }
0x49: {  	_ =	shalt  }
0x4a: {  	_ =	shalt  }
0x4b: {  	_ =	shalt  }
0x4c: {  	_ =	shalt  }
0x4d: {  	_ =	shalt  }
0x4e: {  	_ =	shalt  }
0x4f: {  	_ =	shalt  }
0x50: {  	_ =	shalt  }
0x51: {  	_ =	shalt  }
0x52: {  	_ =	shalt  }
0x53: {  	_ =	shalt  }
0x54: {  	_ =	shalt  }
0x55: {  	_ =	shalt  }
0x56: {  	_ =	shalt  }
0x57: {  	_ =	shalt  }
0x58: {  	_ =	shalt  }
0x59: {  	_ =	shalt  }
0x5a: {  	_ =	shalt  }
0x5b: {  	_ =	shalt  }
0x5c: {  	_ =	shalt  }
0x5d: {  	_ =	shalt  }
0x5e: {  	_ =	shalt  }
0x5f: {  	_ =	shalt  }
0x60: {  	_ =	shalt  }
0x61: {  	_ =	shalt  }
0x62: {  	_ =	shalt  }
0x63: {  	_ =	shalt  }
0x64: {  	_ =	shalt  }
0x65: {  	_ =	shalt  }
0x66: {  	_ =	shalt  }
0x67: {  	_ =	shalt  }
0x68: {  	_ =	shalt  }
0x69: {  	_ =	shalt  }
0x6a: {  	_ =	shalt  }
0x6b: {  	_ =	shalt  }
0x6c: {  	_ =	shalt  }
0x6d: {  	_ =	shalt  }
0x6e: {  	_ =	shalt  }
0x6f: {  	_ =	shalt  }
0x70: {  	_ =	shalt  }
0x71: {  	_ =	shalt  }
0x72: {  	_ =	shalt  }
0x73: {  	_ =	shalt  }
0x74: {  	_ =	shalt  }
0x75: {  	_ =	shalt  }
0x76: {  	_ =	shalt  }
0x77: {  	_ =	shalt  }
0x78: {  	_ =	shalt  }
0x79: {  	_ =	shalt  }
0x7a: {  	_ =	shalt  }
0x7b: {  	_ =	shalt  }
0x7c: {  	_ =	shalt  }
0x7d: {  	_ =	shalt  }
0x7e: {  	_ =	shalt  }
0x7f: {  	_ =	shalt  }
0x80: {  	_ =	shalt  }
0x81: {  	_ =	shalt  }
0x82: {  	_ =	shalt  }
0x83: {  	_ =	shalt  }
0x84: {  	_ =	shalt  }
0x85: {  	_ =	shalt  }
0x86: {  	_ =	shalt  }
0x87: {  	_ =	shalt  }
.Lfunc_end0:
.L_simem_size_0:
called_computation_lowered:
.L_overlay_start_0:
0x88: {  	s2 =	sld [smem:$0x3FD9]  }
0x89: {  	s3 =	sld [smem:$0x3FFE];
	_ =	sdelay $0x1  }
0x8a: {  	s1 =	srdreg.scid  }
0x8b: {  	s0 =	sand.u32 $0x1, s1  }
0x8c: {  	s14 =	sshll.u32 s0, $0xA;
	s2 =	sadd.s32 s3, s2  }
0x8d: {  	s2 =	sadd.s32 s2, s14  }
0x8e: {  	[smem:$0x3FBC] =	sst s2  }
0x8f: {  	_ = 	snop  }
0x90: {  	s2 =	sld [smem:$0x3FD0];
	_ =	sdelay $0x1  }
0x91: {  	s15 =	sld [smem:$0x3FC9]  }
0x92: {  	s5 =	simm.s32 $0xA;
	s6 =	simm.s32 $0x10;
	s4 =	sld [smem:$0x3FBF]  }
0x93: {  	[smem:s6], [sflag:s5] =	dma.local [hbm:s2], $0x1  }
0x94: {  	_ =	swait.eq [sflag:s5], $0x1  }
0x95: {  	[sflag:s5] =	ssyncset.done $0x0  }
0x96: {  	[sflag:s5] =	ssyncadd.s32 $0xFFFFFFFF  }
0x97: {  	s16 =	sld [smem:$0x10];
	(tm) =	ssettm $0x1  }
0x98: {  	s17 =	sld [smem:$0x3FFB];
	_ =	sdelay $0x3  }
0x99: {  	_ =	strace s17  }
0x9a: {  	s5 =	sld [smem:$0x3FFC];
	_ =	sdelay $0x3  }
0x9b: {  	_ =	strace s5  }
0x9c: {  	s5 =	sld [smem:$0x3FFD];
	_ =	sdelay $0x3  }
0x9d: {  	_ =	strace s5  }
0x9e: {  	_ =	strace $0x8FFFFFFF  }
0x9f: {  	s18 =	sld [smem:$0x3FDB];
	_ =	sdelay $0x1  }
0xa0: {  	s19 =	simm.s32 $_scs_section_size  }
0xa1: {  	s7 =	simm.s32 $_size__tile_overlayer_lowered;
	s8 =	simm.s32 $_tile_overlayer_lowered  }
0xa2: {  	s22 =	simm.s32 $0x1BFF;
	s21 =	sshll.u32 s8, $0x1;
	s5 =	sadd.s32 s19, s18  }
0xa3: {  	s9 =	simm.s32 $0x0;
	s20 =	sshll.u32 s7, $0x1;
	s7 =	sadd.s32 s21, s5  }
0xa4: {  	[timem:s9], [sflag:s22] =	dma.local [hbm:s7], s20  }
0xa5: {  	_ =	swait.ge [sflag:s22], s20  }
0xa6: {  	s6 =	ssub.s32 $0x0, s20;
	[sflag:s22] =	ssyncset.done $0x0  }
0xa7: {  	[sflag:s22] =	ssyncadd.s32 s6;
	_ =	sdelay $0x1  }
0xa8: {  	s23 =	simm.s32 $0x1B8B  }
0xa9: {  	_ =	swait.ge [sflag:s23], $0x1  }
0xaa: {  	[sflag:s23] =	ssyncset.done $0x0  }
0xab: {  	s25 =	simm.s32 $0x1B8E;
	s24 =	sld [smem:$0x3FFE];
	[sflag:s23] =	ssyncadd.s32 $0xFFFFFFFF  }
0xac: {  	s26 =	simm.s32 $execute0_lowered;
	[smem:$0x3FD2] =	sst s25  }
0xad: {  	s7 =	sshll.u32 s26, $0x1;
	_ =	strace $0x80000046;
	[dreg:$0x1] =	wrdreg $0xFFFFFFFF  }
0xae: {  	s28 =	simm.s32 $_size_execute0_lowered;
	s5 =	sadd.s32 s5, s7;
	[dreg:$0x0] =	wrdreg $0x0  }
0xaf: {  	s7 =	sshll.u32 s28, $0x1;
	[dreg:$0x2] =	wrdreg s5  }
0xb0: {  	[dreg:$0x3] =	wrdreg s7  }
0xb1: {  	[dreg:$0x4] =	wrdreg $0xC0  }
0xb2: {  	_ =	task [dreg:s9], $0x5FFFF  }
0xb3: {  	[dreg:$0x1] =	wrdreg $0xFFFFFFFF  }
0xb4: {  	[dreg:$0x0] =	wrdreg $0x60  }
0xb5: {  	[dreg:$0x2] =	wrdreg s24  }
0xb6: {  	[dreg:$0x3] =	wrdreg s15  }
0xb7: {  	[dreg:$0x4] =	wrdreg s4  }
0xb8: {  	[dreg:$0x5] =	wrdreg s16  }
0xb9: {  	[dreg:$0x6] =	wrdreg $0xC4800  }
0xba: {  	[dreg:$0x7] =	wrdreg $0x9  }
0xbb: {  	_ =	task.clear_ibuf [dreg:s9], $0x8FFFF;
	_ =	strace $0x90000046  }
0xbc: {  	s29 =	simm.s32 $0x9;
	_ =	strace $0x80000048  }
0xbd: {  	_ =	swait.ge [sflag:s29], $0x1  }
0xbe: {  	[sflag:s29] =	ssyncadd.s32 $0xFFFFFFFF  }
0xbf: {  	_ =	strace $0x90000048  }
0xc0: {  	_ =	sfence  }
0xc1: {  	s30 =	sld [smem:$0x0];
	_ =	sdelay $0x2  }
0xc2: {  	s31 =	sshll.u32 s1, $0xD;
	s1 =	sshrl.u32 s1, $0x2  }
0xc3: {  	s3 =	sand.u32 $0x4000, s31;
	s1 =	sadd.s32 s1, s30  }
0xc4: {  	s0 =	sor.u32 s3, s0;
	s1 =	sshll.u32 s1, $0x11  }
0xc5: {  	s0 =	sor.u32 s1, s0  }
0xc6: {  	s0 =	sadd.s32 $0x8F2B, s0  }
0xc7: {  	[sflag:s0] =	ssyncadd.remote.s32 $0x1  }
0xc8: {  	_ =	sfence.sel $0xFFFF  }
0xc9: {  	[dreg:$0x0] =	wrdreg $0xFFFFFFFF;
	(pc) =	sbr.abs _section_cstart, $3  }
0xca: {  	[dreg:$0x1] =	wrdreg $0xFFFFFFFF  }
0xcb: {  	_ =	task.clear_ibuf [dreg:s9], $0x2FFFF;
	_ =	strace $0x9FFFFFFF  }
0xcc: {  	(tm) =	ssettm $0x7FFFFFFF  }
0xcd: {  	_ =	shalt  }
tec
execute0_lowered:
.L_overlay_start_1:
0x0: {  	(tag) =	ssettag $0x1  }
0x1: {  	s1 =	rddreg [dreg:$0x0]  }
0x2: {  	s0 =	rddreg [dreg:$0x1]  }
0x3: {  	s3 =	srdreg.scid;
	s2 =	rddreg [dreg:$0x2]  }
0x4: {  	s15 =	stileid.u32;
	s5 =	rddreg [dreg:$0x4]  }
0x5: {  	s6 =	simm.s32 $0x0;
	s29 =	simm.s32 $0x7;
	s3 =	sand.u32 $0x1, s3  }
0x6: {  	s31 =	simm.s32 $0x3C00;
	s30 =	simm.s32 $0x1;
	s4 =	sshll.u32 s3, $0x4  }
0x7: {  	[smem:$0x7FF] =	sst s6;
	s14 =	smul.u32 $0x4E000, s15;
	s4 =	sor.u32 s15, s4  }
0x8: {  	s13 =	sadd.s32 $0x1400, s1;
	s11 =	sadd.s32 $0x10600, s1;
	s7 =	smul.u32 $0x280, s4  }
0x9: {  	_ =	strace $0x80000047;
	[dreg:$0x6] =	wrdreg s13;
	s8 =	smul.u32 $0x500, s4  }
0xa: {  	s13 =	sshrl.u32 s14, $0x2;
	s9 =	sshll.u32 s4, $0x1;
	s7 =	sadd.s32 s7, s1  }
0xb: {  	s10 =	sadd.s32 s8, s1;
	s1 =	sadd.s32 s9, s1;
	s9 =	sadd.s32 s13, s5  }
0xc: {  	s28 =	simm.s32 $0x5C00;
	s17 =	smul.u32 $0x2700, s15;
	s14 =	sadd.s32 $0x2000, s9  }
0xd: {  	p0 =	sne.s32 s15, $0xF;
	s18 =	sadd.s32 $0x4000, s9;
	[dreg:$0x7] =	wrdreg s14  }
0xe: {  	s12 =	ssub.s32 $0x2, s3;
	s19 =	sadd.s32 $0x6000, s9;
	[dreg:$0x8] =	wrdreg s18  }
0xf: {  	s16 =	sshrl.u32 s12, $0x1;
	s20 =	sadd.s32 $0x8000, s9;
	[dreg:$0x9] =	wrdreg s19  }
0x10: {  	s12 =	ssub.s32 s12, s16;
	s16 =	sadd.s32 $0xA000, s9;
	[dreg:$0xa] =	wrdreg s20  }
0x11: {  	s21 =	smul.u32 $0x27100, s3;
	s22 =	sadd.s32 $0xC000, s9;
	[dreg:$0xb] =	wrdreg s16  }
0x12: {  	s3 =	smul.u32 $0x138800, s3;
	s23 =	sadd.s32 $0xE000, s9;
	[dreg:$0xc] =	wrdreg s22  }
0x13: {  	s13 =	sadd.s32 s17, s21;
	s24 =	sadd.s32 $0x10000, s9;
	[dreg:$0xd] =	wrdreg s23  }
0x14: {  	s3 =	sshrl.u32 s3, $0x3;
	s13 =	sadd.s32 s11, s13;
	[dreg:$0xe] =	wrdreg s24  }
0x15: {  	s3 =	sadd.s32 s11, s3;
	s25 =	sadd.s32 $0x12000, s9;
	[dreg:$0xf] =	wrdreg s13  }
0x16: {  	s8 =	smul.u32 $0x50, s4;
	s7 =	sadd.s32 $0xB600, s7;
	[dreg:$0x10] =	wrdreg s25  }
0x17: {  	s4 =	smul.u32 $0x14000, s4;
	s26 =	sadd.s32 $0x1600, s10;
	[dreg:$0x11] =	wrdreg s7  }
0x18: {  	s10 =	simm.s32 $0x4;
	s11 =	simm.s32 $0x5;
	[dreg:$0x12] =	wrdreg s26  }
0x19: {  	s4 =	sadd.s32 s2, s4;
	s23 =	sadd.s32 $0x5E800, s1;
	s24 =	sadd.s32 $0x27000, s3  }
0x1a: {  	s25 =	smax.u32 s12, $0x1;
	s26 =	sadd.s32 $0x138000, s5;
	s3 =	simm.s32 $0x3  }
0x1b: {  	s1 =	simm.s32 $0x9C00;
	s7 =	simm.s32 $0x2;
	s12 =	simm.s32 $0x6  }
0x1c: {  	v0 =	vimm.f32 $0.0e+00;
	v17 =	vimm.f32 $0.0e+00;
	s13 =	simm.s32 $0x0;
	[dreg:$0x13] =	wrdreg s4;
	s4 =	simm.s32 $0x40  }
.LBB2_1:
0x1d: {  	s14 =	rddreg [dreg:$0x3];
	s15 =	simm.s32 $0xBC00  }
0x1e: {  	[tilespmem:s15], [sflag:$0x7] =	stream.linear.gather [hbm4b:s14+s6], $0x400, $0x38;
	[tilespmem:$0x1FD40] =	vst v63  }
0x1f: {  	_ =	swait.ge [sflag:s29], $0x400  }
0x20: {  	[sflag:s29] =	ssyncset.done $0x0  }
0x21: {  	s22 =	simm.s32 $0xC000;
	s21 =	rddreg [dreg:$0x6];
	[sflag:s29] =	ssyncadd.s32 $0xFFFFFC00  }
0x22: {  	[tilespmem:s22], [sflag:$0x7] =	stream.linear.gather [hbm4b:s21+s6], $0x400, $0x38;
	[tilespmem:$0x1FD40] =	vst v63  }
0x23: {  	_ =	swait.ge [sflag:s29], $0x400  }
0x24: {  	[sflag:s29] =	ssyncset.done $0x0  }
0x25: {  	[sflag:s29] =	ssyncadd.s32 $0xFFFFFC00  }
0x26: {  	v1 =	vld [tilespmem:$0xBC00]  }
0x27: {  	v2 =	vld [tilespmem:$0xBC80]  }
0x28: {  	v3 =	vld [tilespmem:$0xBD00]  }
0x29: {  	v4 =	vld [tilespmem:$0xBD80]  }
0x2a: {  	v5 =	vld [tilespmem:$0xBE00]  }
0x2b: {  	v6 =	vld [tilespmem:$0xBE80]  }
0x2c: {  	v7 =	vld [tilespmem:$0xBF00]  }
0x2d: {  	v8 =	vld [tilespmem:$0xBF80]  }
0x2e: {  	v9 =	vld [tilespmem:$0xC000]  }
0x2f: {  	v10 =	vld [tilespmem:$0xC080]  }
0x30: {  	v11 =	vld [tilespmem:$0xC100]  }
0x31: {  	v12 =	vld [tilespmem:$0xC180]  }
0x32: {  	v13 =	vld [tilespmem:$0xC200]  }
0x33: {  	v14 =	vld [tilespmem:$0xC280]  }
0x34: {  	v15 =	vld [tilespmem:$0xC300]  }
0x35: {  	s14 =	simm.s32 $0x0;
	s15 =	simm.s32 $0x200;
	v16 =	vld [tilespmem:$0xC380]  }
.LBB2_2:
0x36: {  	p1 =	sne.s32 s15, $0x7E00;
	[tilespmem:s14+$0x3C70] =	vst v0  }
0x37: {  	[tilespmem:s14+$0x3C00] =	vst v0  }
0x38: {  	[tilespmem:s14+$0x3C10] =	vst v0  }
.Ltmp0:
0x39: {  	[tilespmem:s14+$0x3C20] =	vst v0;
	(pc) =	sbr.rel @p1 .LBB2_2-.Ltmp0, $4  }
0x3a: {  	[tilespmem:s14+$0x3C30] =	vst v0  }
0x3b: {  	[tilespmem:s14+$0x3C40] =	vst v0  }
0x3c: {  	[tilespmem:s14+$0x3C50] =	vst v0  }
0x3d: {  	[tilespmem:s14+$0x3C60] =	vst v0;
	s14 =	sshra.s32 s15, $0x2;
	s15 =	sadd.s32 $0x200, s15  }
0x3e: {  	[tilespmem:s14+$0x3C70] =	vst v0  }
0x3f: {  	[tilespmem:s14+$0x3C00] =	vst v0  }
0x40: {  	[tilespmem:s14+$0x3C10] =	vst v0  }
0x41: {  	[tilespmem:s14+$0x3C20] =	vst v0  }
0x42: {  	[tilespmem:s14+$0x3C30] =	vst v0  }
0x43: {  	[tilespmem:s14+$0x3C40] =	vst v0  }
0x44: {  	[tilespmem:s14+$0x3C50] =	vst v0  }
0x45: {  	[tilespmem:s14+$0x3C60] =	vst v0  }
0x46: {  	[spmem:s9] =	stream.linear.scatter [tilespmem:s31], [sflag:$0x7], $0x2000, $0x38;
	[tilespmem:$0x1FD40] =	vst v63  }
0x47: {  	_ =	swait.ge [sflag:s29], $0x2000  }
0x48: {  	[sflag:s29] =	ssyncset.done $0x0  }
0x49: {  	s19 =	rddreg [dreg:$0x7];
	[sflag:s29] =	ssyncadd.s32 $0xFFFFE000  }
0x4a: {  	[spmem:s19] =	stream.linear.scatter [tilespmem:s31], [sflag:$0x7], $0x2000, $0x38;
	[tilespmem:$0x1FD40] =	vst v63  }
0x4b: {  	_ =	swait.ge [sflag:s29], $0x2000  }
0x4c: {  	[sflag:s29] =	ssyncset.done $0x0  }
0x4d: {  	s20 =	rddreg [dreg:$0x8];
	[sflag:s29] =	ssyncadd.s32 $0xFFFFE000  }
0x4e: {  	[spmem:s20] =	stream.linear.scatter [tilespmem:s31], [sflag:$0x7], $0x2000, $0x38;
	[tilespmem:$0x1FD40] =	vst v63  }
0x4f: {  	_ =	swait.ge [sflag:s29], $0x2000  }
0x50: {  	[sflag:s29] =	ssyncset.done $0x0  }
0x51: {  	s21 =	rddreg [dreg:$0x9];
	[sflag:s29] =	ssyncadd.s32 $0xFFFFE000  }
0x52: {  	[spmem:s21] =	stream.linear.scatter [tilespmem:s31], [sflag:$0x7], $0x2000, $0x38;
	[tilespmem:$0x1FD40] =	vst v63  }
0x53: {  	_ =	swait.ge [sflag:s29], $0x2000  }
0x54: {  	[sflag:s29] =	ssyncset.done $0x0  }
0x55: {  	s22 =	rddreg [dreg:$0xa];
	[sflag:s29] =	ssyncadd.s32 $0xFFFFE000  }
0x56: {  	[spmem:s22] =	stream.linear.scatter [tilespmem:s31], [sflag:$0x7], $0x2000, $0x38;
	[tilespmem:$0x1FD40] =	vst v63  }
0x57: {  	_ =	swait.ge [sflag:s29], $0x2000  }
0x58: {  	[sflag:s29] =	ssyncset.done $0x0  }
0x59: {  	s15 =	rddreg [dreg:$0xb];
	[sflag:s29] =	ssyncadd.s32 $0xFFFFE000  }
0x5a: {  	[spmem:s15] =	stream.linear.scatter [tilespmem:s31], [sflag:$0x7], $0x2000, $0x38;
	[tilespmem:$0x1FD40] =	vst v63  }
0x5b: {  	_ =	swait.ge [sflag:s29], $0x2000  }
0x5c: {  	[sflag:s29] =	ssyncset.done $0x0  }
0x5d: {  	s16 =	rddreg [dreg:$0xc];
	[sflag:s29] =	ssyncadd.s32 $0xFFFFE000  }
0x5e: {  	[spmem:s16] =	stream.linear.scatter [tilespmem:s31], [sflag:$0x7], $0x2000, $0x38;
	[tilespmem:$0x1FD40] =	vst v63  }
0x5f: {  	_ =	swait.ge [sflag:s29], $0x2000  }
0x60: {  	[sflag:s29] =	ssyncset.done $0x0  }
0x61: {  	s17 =	rddreg [dreg:$0xd];
	[sflag:s29] =	ssyncadd.s32 $0xFFFFE000  }
0x62: {  	[spmem:s17] =	stream.linear.scatter [tilespmem:s31], [sflag:$0x7], $0x2000, $0x38;
	[tilespmem:$0x1FD40] =	vst v63  }
0x63: {  	_ =	swait.ge [sflag:s29], $0x2000  }
0x64: {  	[sflag:s29] =	ssyncset.done $0x0  }
0x65: {  	s18 =	rddreg [dreg:$0xe];
	[sflag:s29] =	ssyncadd.s32 $0xFFFFE000  }
0x66: {  	[spmem:s18] =	stream.linear.scatter [tilespmem:s31], [sflag:$0x7], $0x2000, $0x38;
	[tilespmem:$0x1FD40] =	vst v63  }
0x67: {  	_ =	swait.ge [sflag:s29], $0x2000  }
0x68: {  	[sflag:s29] =	ssyncset.done $0x0  }
0x69: {  	s19 =	rddreg [dreg:$0x10];
	[sflag:s29] =	ssyncadd.s32 $0xFFFFE000  }
0x6a: {  	[spmem:s19] =	stream.linear.scatter [tilespmem:s31], [sflag:$0x7], $0x1800, $0x38;
	[tilespmem:$0x1FD40] =	vst v63  }
0x6b: {  	_ =	swait.ge [sflag:s29], $0x1800  }
0x6c: {  	[sflag:s29] =	ssyncset.done $0x0  }
0x6d: {  	s14 =	simm.s32 @!p0 $0x3C00;
	[sflag:s29] =	ssyncadd.s32 $0xFFFFE800  }
0x6e: {  	[spmem:s26] =	stream.linear.scatter @!p0 [tilespmem:s14], [sflag:$0x7], $0xC00, $0x38;
	[tilespmem:$0x1FD40] =	vst v63  }
0x6f: {  	s14 =	simm.s32 @!p0 $0x7  }
0x70: {  	_ =	swait.ge @!p0 [sflag:s14], $0xC00  }
0x71: {  	[sflag:s14] =	ssyncset.done @!p0 $0x0  }
0x72: {  	s15 =	rddreg [dreg:$0x11];
	[sflag:s14] =	ssyncadd.s32 @!p0 $0xFFFFF400;
	s14 =	simm.s32 $0x0  }
0x73: {  	[tilespmem:s14], [sflag:$0x7] =	stream.linear.gather [hbm4b:s15+s14], $0x1400, $0x38;
	[tilespmem:$0x1FD40] =	vst v63  }
0x74: {  	_ =	swait.ge [sflag:s29], $0x1400  }
0x75: {  	[sflag:s29] =	ssyncset.done $0x0  }
0x76: {  	s16 =	simm.s32 $0x1400;
	s20 =	rddreg [dreg:$0x12];
	[sflag:s29] =	ssyncadd.s32 $0xFFFFEC00  }
0x77: {  	[tilespmem:s16], [sflag:$0x7] =	stream.linear.gather [hbm4b:s20+s14], $0x2800, $0x38;
	[tilespmem:$0x1FD40] =	vst v63  }
0x78: {  	_ =	swait.ge [sflag:s29], $0x2800  }
0x79: {  	[sflag:s29] =	ssyncset.done $0x0  }
0x7a: {  	[sflag:s29] =	ssyncadd.s32 $0xFFFFD800  }
0x7b: {  	[bflag:$0x0] =	sbarrier.arrive $0xFFFF  }
0x7c: {  	[tilespmem:s31], [sflag:$0x1] =	stream.indirect.gather [hbm4b:s0+s4], $0x80, s14, s4, $0xb8;
	[tilespmem:$0x1FD40] =	vst v63  }
0x7d: {  	s22 =	simm.s32 $0x7C00;
	s15 =	simm.s32 $0x0;
	s21 =	rddreg [dreg:$0x13]  }
0x7e: {  	v18 =	vimm.f32 $0.0e+00;
	[tilespmem:s22], [sflag:$0x3] =	stream.linear.gather [hbm4b:s21+s14], $0x2000, $0x38;
	[tilespmem:$0x1FD40] =	vst v63  }
.LBB2_4:
0x7f: {  	_ =	swait.ge [sflag:s30], $0x2000  }
0x80: {  	[sflag:s30] =	ssyncset.done $0x0  }
0x81: {  	[sflag:s30] =	ssyncadd.s32 $0xFFFFE000  }
0x82: {  	_ =	swait.ge [sflag:s3], $0x2000  }
0x83: {  	p1 =	seq.s32 s15, $0x0;
	[sflag:s3] =	ssyncset.done $0x0  }
0x84: {  	s18 =	sshll.u32 s15, $0x1;
	s17 =	simm.s32 @!p1 $0x6;
	[sflag:s3] =	ssyncadd.s32 $0xFFFFE000  }
0x85: {  	s16 =	sor.u32 $0x1, s18;
	_ =	swait.ge @!p1 [sflag:s17], $0x2000  }
0x86: {  	s19 =	sshll.u32 s16, $0x6;
	[sflag:s17] =	ssyncset.done @!p1 $0x0  }
0x87: {  	s21 =	sand.u32 $0x3FFFFFC0, s19;
	[sflag:s17] =	ssyncadd.s32 @!p1 $0xFFFFE000;
	s17 =	sadd.s32 s8, s16  }
0x88: {  	[tilespmem:s28], [sflag:$0x2] =	stream.indirect.gather [hbm4b:s0+s4], $0x80, s21, s4, $0xb8;
	[tilespmem:$0x1FD40] =	vst v63  }
0x89: {  	s22 =	smin.u32 s17, $0x9C3  }
0x8a: {  	s19 =	sshll.u32 s22, $0xA  }
0x8b: {  	s20 =	simm.s32 $0x0;
	s19 =	sadd.s32 s2, s19  }
0x8c: {  	[tilespmem:s1], [sflag:$0x4] =	stream.linear.gather [hbm4b:s19+s14], $0x2000, $0x38;
	[tilespmem:$0x1FD40] =	vst v63  }
0x8d: {  	v19 =	vld [tilespmem:s20+$0x7C00];
	_ =	sdelay $0x1  }
0x8e: {  	v20 =	vld [tilespmem:s20+$0x7C10];
	_ =	sdelay $0x1  }
0x8f: {  	v21 =	vld [tilespmem:s20+$0x7C20]  }
0x90: {  	v22 =	vld [tilespmem:s20+$0x7C30];
	v19 =	vmul.f32 v19, v9;
	_ =	sdelay $0x1  }
0x91: {  	v24 =	vld [tilespmem:s20+$0x7C40];
	v23 =	vadd.f32 v19, v1;
	v19 =	vmul.f32 v20, v10  }
0x92: {  	v32 =	vld [tilespmem:s20+$0x7C70]  }
0x93: {  	v25 =	vadd.f32 $-1.000000000e+00, v23;
	v27 =	vadd.f32 v19, v2;
	v19 =	vmul.f32 v21, v11;
	v21 =	vld [tilespmem:s20+$0x7C50]  }
0x94: {  	v35 =	vld [tilespmem:s20+$0x7C60];
	v26 =	vmul.f32 v22, v12  }
0x95: {  	v33 =	vld [tilespmem:s20+$0x3C00];
	v25 =	vmul.f32 v25, v25;
	v30 =	vadd.f32 $-1.000000000e+00, v27;
	v29 =	vadd.f32 v19, v3  }
0x96: {  	v34 =	vld [tilespmem:s20+$0x3C20];
	v28 =	vadd.f32 v26, v4;
	v19 =	vmul.f32 v24, v13  }
0x97: {  	v31 =	vld [tilespmem:s20+$0x3C30];
	v24 =	vadd.f32 v25, v17;
	v25 =	vmul.f32 v30, v30;
	v26 =	vadd.f32 $-1.000000000e+00, v29  }
0x98: {  	s19 =	simm.s32 $0x80;
	v30 =	vld [tilespmem:s20+$0x3C10];
	v19 =	vadd.f32 v19, v5;
	v21 =	vmul.f32 v21, v14  }
0x99: {  	v22 =	vld [tilespmem:s19+$0x7C00];
	v24 =	vadd.f32 v25, v24;
	v25 =	vmul.f32 v26, v26;
	v26 =	vadd.f32 $-1.000000000e+00, v28  }
0x9a: {  	s21 =	simm.s32 $0x400;
	v35 =	vmul.f32 v35, v15;
	v32 =	vmul.f32 v32, v16;
	v20 =	vld [tilespmem:s19+$0x7C10];
	v21 =	vadd.f32 v21, v6  }
.LBB2_5:
0x9b: {  	p1 =	sne.s32 s21, $0x7E00;
	v24 =	vadd.f32 v25, v24;
	v25 =	vmul.f32 v26, v26;
	v26 =	vadd.f32 $-1.000000000e+00, v19;
	v36 =	vld [tilespmem:s20+$0x3C40]  }
0x9c: {  	v23 =	vmul.f32 v23, v33;
	v33 =	vadd.f32 $-1.000000000e+00, v21;
	v37 =	vld [tilespmem:s20+$0x3C50];
	v35 =	vadd.f32 v35, v7  }
0x9d: {  	v27 =	vmul.f32 v27, v30;
	v24 =	vadd.f32 v25, v24;
	v25 =	vmul.f32 v26, v26;
	v26 =	vld [tilespmem:s20+$0x3C60]  }
0x9e: {  	v30 =	vadd.f32 v32, v8;
	[tilespmem:s20+$0x3C00] =	vst v23;
	v23 =	vmul.f32 v29, v34;
	v29 =	vadd.f32 $-1.000000000e+00, v35;
	v32 =	vld [tilespmem:s20+$0x3C70]  }
0x9f: {  	v34 =	vld [tilespmem:s19+$0x7C20];
	[tilespmem:s20+$0x3C10] =	vst v27;
	v27 =	vmul.f32 v28, v31;
	v24 =	vadd.f32 v25, v24;
	v25 =	vmul.f32 v33, v33  }
0xa0: {  	v22 =	vmul.f32 v22, v9;
	v31 =	vadd.f32 $-1.000000000e+00, v30;
	v28 =	vld [tilespmem:s19+$0x7C30];
	[tilespmem:s20+$0x3C20] =	vst v23;
	v19 =	vmul.f32 v19, v36  }
0xa1: {  	[tilespmem:s20+$0x3C30] =	vst v27;
	v24 =	vadd.f32 v25, v24;
	v21 =	vmul.f32 v21, v37;
	v25 =	vmul.f32 v29, v29  }
0xa2: {  	v20 =	vmul.f32 v20, v10;
	v23 =	vadd.f32 v22, v1;
	v33 =	vld [tilespmem:s19+$0x7C40];
	[tilespmem:s20+$0x3C40] =	vst v19;
	v19 =	vmul.f32 v35, v26  }
0xa3: {  	v22 =	vmul.f32 v31, v31;
	v36 =	vld [tilespmem:s19+$0x7C70];
	[tilespmem:s20+$0x3C50] =	vst v21;
	v21 =	vadd.f32 v25, v24;
	v24 =	vmul.f32 v30, v32  }
0xa4: {  	v27 =	vadd.f32 v20, v2;
	v25 =	vadd.f32 $-1.000000000e+00, v23;
	v26 =	vmul.f32 v34, v11;
	v31 =	vld [tilespmem:s19+$0x7C50];
	[tilespmem:s20+$0x3C60] =	vst v19  }
0xa5: {  	v19 =	vmul.f32 v28, v12;
	v32 =	vld [tilespmem:s19+$0x7C60];
	v21 =	vadd.f32 v22, v21;
	[tilespmem:s20+$0x3C70] =	vst v24;
	s20 =	smov.u32 s19;
	s19 =	sshra.s32 s21, $0x2  }
0xa6: {  	v24 =	vmul.f32 v25, v25;
	v25 =	vadd.f32 $-1.000000000e+00, v27;
	v20 =	vld [tilespmem:s19+$0x7C10];
	v29 =	vadd.f32 v26, v3  }
.Ltmp1:
0xa7: {  	v22 =	vld [tilespmem:s19+$0x7C00];
	v28 =	vadd.f32 v19, v4;
	v19 =	vmul.f32 v33, v13;
	(pc) =	sbr.rel @p1 .LBB2_5-.Ltmp1, $4  }
0xa8: {  	v21 =	vadd.f32 v24, v21;
	v24 =	vmul.f32 v25, v25;
	v33 =	vld [tilespmem:s20+$0x3C00];
	v25 =	vadd.f32 $-1.000000000e+00, v29  }
0xa9: {  	v30 =	vld [tilespmem:s20+$0x3C10];
	v19 =	vadd.f32 v19, v5;
	v35 =	vmul.f32 v31, v14  }
0xaa: {  	v24 =	vadd.f32 v24, v21;
	v26 =	vadd.f32 $-1.000000000e+00, v28;
	v25 =	vmul.f32 v25, v25;
	v34 =	vld [tilespmem:s20+$0x3C20]  }
0xab: {  	s21 =	sadd.s32 $0x200, s21;
	v31 =	vld [tilespmem:s20+$0x3C30];
	v21 =	vadd.f32 v35, v6;
	v35 =	vmul.f32 v32, v15;
	v32 =	vmul.f32 v36, v16  }
0xac: {  	_ = 	snop  }
0xad: {  	v36 =	vld [tilespmem:s20+$0x3C40];
	v23 =	vmul.f32 v23, v33  }
0xae: {  	v48 =	vld [tilespmem:s20+$0x3C50]  }
0xaf: {  	v37 =	vld [tilespmem:s20+$0x3C60];
	[tilespmem:s20+$0x3C00] =	vst v23;
	v23 =	vmul.f32 v27, v30  }
0xb0: {  	v27 =	vld [tilespmem:s20+$0x3C70];
	v29 =	vmul.f32 v29, v34  }
0xb1: {  	v30 =	vld [tilespmem:s19+$0x7C20];
	[tilespmem:s20+$0x3C10] =	vst v23;
	v23 =	vmul.f32 v28, v31  }
0xb2: {  	v31 =	vadd.f32 v35, v7;
	v28 =	vld [tilespmem:s19+$0x7C30];
	[tilespmem:s20+$0x3C20] =	vst v29;
	v29 =	vmul.f32 v19, v36  }
0xb3: {  	v32 =	vadd.f32 v32, v8;
	v33 =	vmul.f32 v21, v48;
	[tilespmem:s20+$0x3C30] =	vst v23  }
0xb4: {  	v49 =	vmul.f32 v31, v37;
	v23 =	vld [tilespmem:s19+$0x7C40];
	[tilespmem:s20+$0x3C40] =	vst v29  }
0xb5: {  	v27 =	vmul.f32 v32, v27;
	v29 =	vld [tilespmem:s19+$0x7C70];
	[tilespmem:s20+$0x3C50] =	vst v33  }
0xb6: {  	v33 =	vld [tilespmem:s19+$0x7C50];
	[tilespmem:s20+$0x3C60] =	vst v49  }
0xb7: {  	v34 =	vld [tilespmem:s19+$0x7C60];
	[tilespmem:s20+$0x3C70] =	vst v27  }
0xb8: {  	v27 =	vld [tilespmem:s19+$0x3C00]  }
0xb9: {  	v22 =	vmul.f32 v22, v9;
	v50 =	vld [tilespmem:s19+$0x3C10]  }
0xba: {  	v20 =	vmul.f32 v20, v10;
	v51 =	vld [tilespmem:s19+$0x3C20]  }
0xbb: {  	v22 =	vadd.f32 v22, v1;
	v30 =	vmul.f32 v30, v11;
	v52 =	vld [tilespmem:s19+$0x3C30]  }
0xbc: {  	v20 =	vadd.f32 v20, v2;
	v28 =	vmul.f32 v28, v12;
	v38 =	vld [tilespmem:s19+$0x3C40]  }
0xbd: {  	v30 =	vadd.f32 v30, v3;
	v54 =	vld [tilespmem:s19+$0x3C70];
	v23 =	vmul.f32 v23, v13;
	v27 =	vmul.f32 v22, v27  }
0xbe: {  	v39 =	vld [tilespmem:s19+$0x3C50];
	v28 =	vadd.f32 v28, v4;
	v29 =	vmul.f32 v29, v16;
	v35 =	vmul.f32 v20, v50  }
0xbf: {  	v40 =	vld [tilespmem:s19+$0x3C60];
	v33 =	vmul.f32 v33, v14;
	v23 =	vadd.f32 v23, v5;
	v53 =	vmul.f32 v30, v51;
	[tilespmem:s19+$0x3C00] =	vst v27  }
0xc0: {  	v29 =	vadd.f32 v29, v8;
	v55 =	vmul.f32 v28, v52;
	v27 =	vmul.f32 v34, v15;
	[tilespmem:s19+$0x3C10] =	vst v35  }
0xc1: {  	v33 =	vadd.f32 v33, v6;
	v56 =	vmul.f32 v23, v38;
	[tilespmem:s19+$0x3C20] =	vst v53  }
0xc2: {  	v24 =	vadd.f32 v25, v24;
	v59 =	vmul.f32 v29, v54;
	[tilespmem:s19+$0x3C30] =	vst v55;
	v27 =	vadd.f32 v27, v7  }
0xc3: {  	v25 =	vmul.f32 v26, v26;
	v19 =	vadd.f32 $-1.000000000e+00, v19;
	v57 =	vmul.f32 v33, v39;
	[tilespmem:s19+$0x3C40] =	vst v56  }
0xc4: {  	s22 =	sshll.u32 s15, $0x8;
	[tilespmem:s19+$0x3C70] =	vst v59;
	v58 =	vmul.f32 v27, v40  }
0xc5: {  	v24 =	vadd.f32 v25, v24;
	v21 =	vadd.f32 $-1.000000000e+00, v21;
	v19 =	vmul.f32 v19, v19;
	s20 =	sand.u32 $0x3FFFFF00, s22;
	[tilespmem:s19+$0x3C50] =	vst v57  }
0xc6: {  	s21 =	sadd.s32 $0x1400, s20;
	[tilespmem:s19+$0x3C60] =	vst v58  }
0xc7: {  	v25 =	vadd.f32 $-1.000000000e+00, v31;
	v21 =	vmul.f32 v21, v21;
	v19 =	vadd.f32 v19, v24;
	[spmem:s5] =	stream.indirect.scatter.add.f32 [tilespmem:s31], [sflag:$0x5], $0x80, s21, s4, $0xb8;
	[tilespmem:$0x1FD40] =	vst v63  }
0xc8: {  	_ =	swait.ge [sflag:s7], $0x2000  }
0xc9: {  	v24 =	vadd.f32 $-1.000000000e+00, v32;
	v19 =	vadd.f32 v21, v19;
	v21 =	vmul.f32 v25, v25;
	[sflag:s7] =	ssyncset.done $0x0  }
0xca: {  	[sflag:s7] =	ssyncadd.s32 $0xFFFFE000  }
0xcb: {  	v19 =	vadd.f32 v21, v19;
	v21 =	vmul.f32 v24, v24;
	v22 =	vadd.f32 $-1.000000000e+00, v22;
	_ =	swait.ge [sflag:s10], $0x2000  }
0xcc: {  	p1 =	seq.s32 s15, $0x27;
	[sflag:s10] =	ssyncset.done $0x0  }
0xcd: {  	s22 =	simm.s32 @!p1 $0x3C00;
	v19 =	vadd.f32 v21, v19;
	v20 =	vadd.f32 $-1.000000000e+00, v20;
	v21 =	vmul.f32 v22, v22;
	s19 =	sadd.s32 @!p1 $0x2, s18;
	[sflag:s10] =	ssyncadd.s32 $0xFFFFE000  }
0xce: {  	s20 =	sshll.u32 @!p1 s19, $0x6;
	s19 =	sadd.s32 @!p1 s8, s19;
	_ =	swait.ge [sflag:s11], $0x2000  }
0xcf: {  	v20 =	vmul.f32 v20, v20;
	v19 =	vadd.f32 v21, v19;
	v21 =	vadd.f32 $-1.000000000e+00, v30;
	s21 =	simm.s32 @!p1 $0x40;
	s19 =	smin.u32 @!p1 s19, $0x9C3;
	[sflag:s11] =	ssyncset.done $0x0  }
0xd0: {  	s20 =	sand.u32 @!p1 $0x3FFFFFC0, s20;
	s19 =	sshll.u32 @!p1 s19, $0xA;
	[sflag:s11] =	ssyncadd.s32 $0xFFFFE000  }
0xd1: {  	v19 =	vadd.f32 v20, v19;
	v20 =	vmul.f32 v21, v21;
	v21 =	vadd.f32 $-1.000000000e+00, v28;
	[tilespmem:s22], [sflag:$0x1] =	stream.indirect.gather @!p1 [hbm4b:s0+s21], $0x80, s20, s21, $0xb8;
	[tilespmem:$0x1FD40] =	vst v63  }
0xd2: {  	s19 =	sadd.s32 @!p1 s2, s19;
	s20 =	simm.s32 @!p1 $0x0;
	s21 =	simm.s32 @!p1 $0x7C00  }
0xd3: {  	v19 =	vadd.f32 v20, v19;
	v20 =	vmul.f32 v21, v21;
	v21 =	vadd.f32 $-1.000000000e+00, v23;
	[tilespmem:s21], [sflag:$0x3] =	stream.linear.gather @!p1 [hbm4b:s19+s20], $0x2000, $0x38;
	[tilespmem:$0x1FD40] =	vst v63  }
0xd4: {  	s19 =	simm.s32 $0x0  }
0xd5: {  	v22 =	vadd.f32 $-1.000000000e+00, v33;
	v19 =	vadd.f32 v20, v19;
	v20 =	vmul.f32 v21, v21;
	v21 =	vld [tilespmem:s19+$0x9C00];
	_ =	sdelay $0x1  }
0xd6: {  	v23 =	vadd.f32 $-1.000000000e+00, v27;
	v19 =	vadd.f32 v20, v19;
	v20 =	vmul.f32 v22, v22;
	v22 =	vld [tilespmem:s19+$0x9C10];
	_ =	sdelay $0x1  }
0xd7: {  	v24 =	vadd.f32 $-1.000000000e+00, v29;
	v19 =	vadd.f32 v20, v19;
	v20 =	vmul.f32 v23, v23;
	v23 =	vld [tilespmem:s19+$0x9C20]  }
0xd8: {  	v25 =	vld [tilespmem:s19+$0x9C30];
	v21 =	vmul.f32 v21, v9  }
0xd9: {  	v24 =	vmul.f32 v24, v24;
	v19 =	vadd.f32 v20, v19  }
0xda: {  	s22 =	sadd.s32 s8, s18;
	v26 =	vld [tilespmem:s19+$0x9C40];
	v20 =	vadd.f32 v21, v1;
	v21 =	vmul.f32 v22, v10  }
0xdb: {  	v19 =	vadd.f32 v24, v19;
	s18 =	simm.f32 $1.000000000e+00;
	p1 =	slt.u32 s22, $0x9C4;
	v31 =	vld [tilespmem:s19+$0x9C70]  }
0xdc: {  	s18 =	simm.s32 @!p1 $0x0;
	v27 =	vld [tilespmem:s19+$0x9C50];
	v24 =	vadd.f32 $-1.000000000e+00, v20;
	v22 =	vadd.f32 v21, v2;
	v21 =	vmul.f32 v23, v11  }
0xdd: {  	v30 =	vimm.f32 $0.0e+00;
	v60 =	vld [tilespmem:s19+$0x9C60];
	v28 =	vmul.f32 s18, v19;
	s18 =	simm.s32 $0x80;
	v23 =	vmul.f32 v25, v12  }
0xde: {  	v19 =	vld [tilespmem:s18+$0x9C10];
	v24 =	vmul.f32 v24, v24;
	v29 =	vadd.f32 $-1.000000000e+00, v22;
	v25 =	vadd.f32 v21, v3  }
0xdf: {  	v18 =	vadd.f32 v28, v18;
	v28 =	vld [tilespmem:s19+$0x5C20];
	v26 =	vmul.f32 v26, v13;
	v23 =	vadd.f32 v23, v4  }
0xe0: {  	v61 =	vadd.f32 v24, v30;
	v30 =	vld [tilespmem:s19+$0x5C00];
	v62 =	vmul.f32 v29, v29;
	v63 =	vadd.f32 $-1.000000000e+00, v25  }
0xe1: {  	v29 =	vld [tilespmem:s19+$0x5C10];
	v24 =	vadd.f32 v26, v5;
	v26 =	vmul.f32 v27, v14  }
0xe2: {  	v21 =	vld [tilespmem:s18+$0x9C00];
	v35 =	vadd.f32 $-1.000000000e+00, v23;
	v32 =	vadd.f32 v62, v61;
	v34 =	vmul.f32 v63, v63  }
0xe3: {  	s20 =	simm.s32 $0x400;
	v33 =	vmul.f32 v60, v15;
	v31 =	vmul.f32 v31, v16;
	v27 =	vld [tilespmem:s19+$0x5C30];
	v26 =	vadd.f32 v26, v6  }
.LBB2_7:
0xe4: {  	p1 =	sne.s32 s20, $0x7E00;
	v32 =	vadd.f32 v34, v32;
	v34 =	vmul.f32 v35, v35;
	v35 =	vadd.f32 $-1.000000000e+00, v24;
	v36 =	vld [tilespmem:s19+$0x5C40]  }
0xe5: {  	v20 =	vmul.f32 v20, v30;
	v30 =	vadd.f32 $-1.000000000e+00, v26;
	v37 =	vld [tilespmem:s19+$0x5C50];
	v33 =	vadd.f32 v33, v7  }
0xe6: {  	v22 =	vmul.f32 v22, v29;
	v29 =	vadd.f32 v34, v32;
	v32 =	vmul.f32 v35, v35;
	v34 =	vld [tilespmem:s19+$0x5C60]  }
0xe7: {  	[tilespmem:s19+$0x5C00] =	vst v20;
	v20 =	vmul.f32 v25, v28;
	v25 =	vadd.f32 $-1.000000000e+00, v33;
	v28 =	vadd.f32 v31, v8;
	v31 =	vld [tilespmem:s19+$0x5C70]  }
0xe8: {  	v35 =	vld [tilespmem:s18+$0x9C20];
	[tilespmem:s19+$0x5C10] =	vst v22;
	v22 =	vmul.f32 v23, v27;
	v23 =	vadd.f32 v32, v29;
	v27 =	vmul.f32 v30, v30  }
0xe9: {  	v21 =	vmul.f32 v21, v9;
	v29 =	vld [tilespmem:s18+$0x9C30];
	[tilespmem:s19+$0x5C20] =	vst v20;
	v24 =	vmul.f32 v24, v36;
	v30 =	vadd.f32 $-1.000000000e+00, v28  }
0xea: {  	v25 =	vmul.f32 v25, v25;
	[tilespmem:s19+$0x5C30] =	vst v22;
	v22 =	vadd.f32 v27, v23;
	v23 =	vmul.f32 v26, v37  }
0xeb: {  	v19 =	vmul.f32 v19, v10;
	v20 =	vadd.f32 v21, v1;
	v26 =	vld [tilespmem:s18+$0x9C40];
	[tilespmem:s19+$0x5C40] =	vst v24;
	v21 =	vmul.f32 v33, v34  }
0xec: {  	v24 =	vmul.f32 v30, v30;
	v36 =	vld [tilespmem:s18+$0x9C70];
	[tilespmem:s19+$0x5C50] =	vst v23;
	v23 =	vadd.f32 v25, v22;
	v25 =	vmul.f32 v28, v31  }
0xed: {  	v27 =	vadd.f32 $-1.000000000e+00, v20;
	v22 =	vadd.f32 v19, v2;
	v28 =	vmul.f32 v35, v11;
	v31 =	vld [tilespmem:s18+$0x9C50];
	[tilespmem:s19+$0x5C60] =	vst v21  }
0xee: {  	v29 =	vmul.f32 v29, v12;
	v33 =	vld [tilespmem:s18+$0x9C60];
	v24 =	vadd.f32 v24, v23;
	[tilespmem:s19+$0x5C70] =	vst v25;
	s19 =	smov.u32 s18;
	s18 =	sshra.s32 s20, $0x2  }
0xef: {  	v27 =	vmul.f32 v27, v27;
	v32 =	vadd.f32 $-1.000000000e+00, v22;
	v19 =	vld [tilespmem:s18+$0x9C10];
	v25 =	vadd.f32 v28, v3  }
.Ltmp2:
0xf0: {  	v21 =	vld [tilespmem:s18+$0x9C00];
	v23 =	vadd.f32 v29, v4;
	v26 =	vmul.f32 v26, v13;
	(pc) =	sbr.rel @p1 .LBB2_7-.Ltmp2, $4  }
0xf1: {  	v27 =	vadd.f32 v27, v24;
	v28 =	vmul.f32 v32, v32;
	v30 =	vld [tilespmem:s19+$0x5C00];
	v34 =	vadd.f32 $-1.000000000e+00, v25  }
0xf2: {  	v29 =	vld [tilespmem:s19+$0x5C10];
	v24 =	vadd.f32 v26, v5;
	v26 =	vmul.f32 v31, v14  }
0xf3: {  	v32 =	vadd.f32 v28, v27;
	v35 =	vadd.f32 $-1.000000000e+00, v23;
	v34 =	vmul.f32 v34, v34;
	v28 =	vld [tilespmem:s19+$0x5C20]  }
0xf4: {  	s20 =	sadd.s32 $0x200, s20;
	v31 =	vmul.f32 v36, v16;
	v33 =	vmul.f32 v33, v15;
	v27 =	vld [tilespmem:s19+$0x5C30];
	v26 =	vadd.f32 v26, v6  }
0xf5: {  	_ = 	snop  }
0xf6: {  	v20 =	vmul.f32 v20, v30  }
0xf7: {  	v36 =	vld [tilespmem:s19+$0x5C40];
	v51 =	vadd.f32 v34, v32  }
0xf8: {  	v49 =	vld [tilespmem:s19+$0x5C50];
	v52 =	vmul.f32 v35, v35;
	v53 =	vadd.f32 $-1.000000000e+00, v24;
	[tilespmem:s19+$0x5C00] =	vst v20;
	v20 =	vmul.f32 v22, v29  }
0xf9: {  	v37 =	vld [tilespmem:s19+$0x5C60];
	v21 =	vmul.f32 v21, v9;
	v55 =	vadd.f32 $-1.000000000e+00, v26;
	v33 =	vadd.f32 v33, v7  }
0xfa: {  	v56 =	vmul.f32 v53, v53;
	v25 =	vmul.f32 v25, v28;
	v54 =	vld [tilespmem:s18+$0x9C20];
	[tilespmem:s19+$0x5C10] =	vst v20;
	v20 =	vadd.f32 v52, v51  }
0xfb: {  	v50 =	vld [tilespmem:s19+$0x5C70];
	v31 =	vadd.f32 v31, v8;
	v58 =	vadd.f32 $-1.000000000e+00, v33;
	v23 =	vmul.f32 v23, v27  }
0xfc: {  	v59 =	vmul.f32 v55, v55;
	v60 =	vmul.f32 v24, v36;
	v57 =	vld [tilespmem:s18+$0x9C30];
	[tilespmem:s19+$0x5C20] =	vst v25;
	v20 =	vadd.f32 v56, v20  }
0xfd: {  	v19 =	vmul.f32 v19, v10;
	v21 =	vadd.f32 v21, v1;
	v63 =	vmul.f32 v26, v49;
	[tilespmem:s19+$0x5C30] =	vst v23  }
0xfe: {  	v61 =	vadd.f32 $-1.000000000e+00, v31;
	v34 =	vmul.f32 v58, v58;
	v62 =	vld [tilespmem:s18+$0x9C40];
	[tilespmem:s19+$0x5C40] =	vst v60;
	v20 =	vadd.f32 v59, v20  }
0xff: {  	v19 =	vadd.f32 v19, v2;
	v36 =	vmul.f32 v33, v37;
	v24 =	vld [tilespmem:s18+$0x9C70];
	[tilespmem:s19+$0x5C50] =	vst v63;
	v38 =	vmul.f32 v54, v11  }
0x100: {  	v37 =	vadd.f32 $-1.000000000e+00, v21;
	v23 =	vmul.f32 v61, v61;
	v39 =	vld [tilespmem:s18+$0x9C50];
	v20 =	vadd.f32 v34, v20  }
0x101: {  	v41 =	vadd.f32 $-1.000000000e+00, v19;
	v22 =	vmul.f32 v31, v50;
	[tilespmem:s19+$0x5C60] =	vst v36;
	v26 =	vadd.f32 v38, v3  }
0x102: {  	v25 =	vmul.f32 v37, v37;
	v40 =	vld [tilespmem:s18+$0x9C60];
	v27 =	vmul.f32 v57, v12;
	v20 =	vadd.f32 v23, v20  }
0x103: {  	[tilespmem:s19+$0x5C70] =	vst v22;
	v28 =	vmul.f32 v62, v13;
	v43 =	vadd.f32 $-1.000000000e+00, v26  }
0x104: {  	v42 =	vmul.f32 v41, v41;
	v44 =	vld [tilespmem:s18+$0x5C10];
	v27 =	vadd.f32 v27, v4;
	v20 =	vadd.f32 v25, v20  }
0x105: {  	v30 =	vmul.f32 v39, v14;
	v28 =	vadd.f32 v28, v5  }
0x106: {  	v48 =	vld [tilespmem:s18+$0x5C30];
	v45 =	vmul.f32 v43, v43;
	v47 =	vadd.f32 $-1.000000000e+00, v27;
	v20 =	vadd.f32 v42, v20  }
0x107: {  	v23 =	vmul.f32 v40, v15;
	v30 =	vadd.f32 v30, v6  }
0x108: {  	v50 =	vadd.f32 $-1.000000000e+00, v28;
	v32 =	vmul.f32 v47, v47;
	v20 =	vadd.f32 v45, v20  }
0x109: {  	v51 =	vld [tilespmem:s18+$0x5C50];
	v24 =	vmul.f32 v24, v16;
	v19 =	vmul.f32 v19, v44;
	v23 =	vadd.f32 v23, v7  }
0x10a: {  	v22 =	vld [tilespmem:s18+$0x5C00];
	v52 =	vadd.f32 $-1.000000000e+00, v30;
	v54 =	vmul.f32 v50, v50;
	v20 =	vadd.f32 v32, v20  }
0x10b: {  	v46 =	vld [tilespmem:s18+$0x5C20];
	v24 =	vadd.f32 v24, v8;
	[tilespmem:s18+$0x5C10] =	vst v19;
	v19 =	vmul.f32 v27, v48  }
0x10c: {  	v49 =	vld [tilespmem:s18+$0x5C40];
	v56 =	vadd.f32 $-1.000000000e+00, v23;
	v58 =	vmul.f32 v52, v52;
	v20 =	vadd.f32 v54, v20  }
0x10d: {  	v57 =	vld [tilespmem:s18+$0x5C70];
	v60 =	vadd.f32 $-1.000000000e+00, v24  }
0x10e: {  	v53 =	vld [tilespmem:s18+$0x5C60];
	[tilespmem:s18+$0x5C30] =	vst v19;
	v61 =	vmul.f32 v56, v56;
	v19 =	vadd.f32 v58, v20;
	v20 =	vmul.f32 v30, v51  }
0x10f: {  	v21 =	vmul.f32 v21, v22  }
0x110: {  	p1 =	slt.u32 s17, $0x9C4;
	s17 =	simm.f32 $1.000000000e+00;
	s15 =	sadd.s32 $0x1, s15;
	v55 =	vmul.f32 v26, v46;
	[tilespmem:s18+$0x5C50] =	vst v20;
	v19 =	vadd.f32 v61, v19;
	v20 =	vmul.f32 v60, v60  }
0x111: {  	s17 =	simm.s32 @!p1 $0x0;
	p1 =	sne.s32 s15, $0x28;
	v59 =	vmul.f32 v28, v49;
	[tilespmem:s18+$0x5C00] =	vst v21  }
.Ltmp3:
0x112: {  	v63 =	vmul.f32 v24, v57;
	[tilespmem:s18+$0x5C20] =	vst v55;
	v19 =	vadd.f32 v20, v19;
	(pc) =	sbr.rel @p1 .LBB2_4-.Ltmp3, $4  }
0x113: {  	s16 =	sshll.u32 s16, $0x7;
	[tilespmem:s18+$0x5C40] =	vst v59;
	v62 =	vmul.f32 v23, v53  }
0x114: {  	s16 =	sand.u32 $0x3FFFFF80, s16;
	[tilespmem:s18+$0x5C70] =	vst v63;
	v19 =	vmul.f32 s17, v19  }
0x115: {  	s16 =	sadd.s32 $0x1400, s16;
	[tilespmem:s18+$0x5C60] =	vst v62  }
0x116: {  	[spmem:s5] =	stream.indirect.scatter.add.f32 [tilespmem:s28], [sflag:$0x6], $0x80, s16, s4, $0xb8;
	v18 =	vadd.f32 v19, v18;
	[tilespmem:$0x1FD40] =	vst v63  }
0x117: {  	_ =	swait.ge [sflag:s12], $0x2000  }
0x118: {  	[sflag:s12] =	ssyncset.done $0x0  }
0x119: {  	[sflag:s12] =	ssyncadd.s32 $0xFFFFE000  }
0x11a: {  	s14 =	simm.s32 $0xC400;
	[tilespmem:$0xC400] =	vst v18  }
0x11b: {  	[hbm4b:s23+s6] =	stream.linear.scatter [tilespmem:s14], [sflag:$0x7], $0x10, $0x38;
	[tilespmem:$0x1FD40] =	vst v63  }
0x11c: {  	_ =	swait.ge [sflag:s29], $0x10  }
0x11d: {  	[sflag:s29] =	ssyncset.done $0x0  }
0x11e: {  	s22 =	stileid.u32;
	[sflag:s29] =	ssyncadd.s32 $0xFFFFFFF0  }
0x11f: {  	s14 =	sshll.u32 s22, $0x6;
	[bflag:$0x0] =	sbarrier.arrive $0xFFFF  }
0x120: {  	s15 =	sshrl.u32 s9, $0x3;
	s14 =	sor.u32 $0x1C07, s14;
	s16 =	rddreg [dreg:$0xf]  }
0x121: {  	[hbm:s16], [sflag:s14] =	dma.local [spmem:s15], $0x2700  }
0x122: {  	_ =	swait.ge [sflag:s29], $0x2700  }
0x123: {  	s13 =	sadd.s32 $0x1, s13;
	[sflag:s29] =	ssyncset.done $0x0  }
0x124: {  	p1 =	sne.s32 s13, s25;
	s15 =	sshrl.u32 @!p0 s26, $0x3;
	[sflag:s29] =	ssyncadd.s32 $0xFFFFD900  }
0x125: {  	[hbm:s24], [sflag:s14] =	dma.local @!p0 [spmem:s15], $0x100  }
.Ltmp4:
0x126: {  	_ = 	snop;
	(pc) =	sbr.rel @p1 .LBB2_1-.Ltmp4, $4  }
0x127: {  	s14 =	simm.s32 @!p0 $0x7  }
0x128: {  	_ =	swait.ge @!p0 [sflag:s14], $0x100  }
0x129: {  	[sflag:s14] =	ssyncset.done @!p0 $0x0  }
0x12a: {  	[sflag:s14] =	ssyncadd.s32 @!p0 $0xFFFFFF00  }
0x12b: {  	_ =	sfence.sel $0x180000  }
0x12c: {  	[bflag:$0x0] =	sbarrier.arrive $0xFFFF  }
0x12d: {  	_ =	strace $0x90000047  }
0x12e: {  	s0 =	stileid.u32;
	[bflag:$0x2] =	sbarrier.arrive $0xFFFF  }
0x12f: {  	p0 =	sne.s32 s0, $0x0;
	s0 =	rddreg [dreg:$0x5]  }
0x130: {  	s0 =	sadd.s32 @!p0 $0x100000, s0  }
0x131: {  	[sflag:s0] =	ssyncadd.tile.s32 @!p0 $0x1;
	_ =	shalt  }
.Lfunc_end2:
_tile_overlayer_lowered:
.L_overlay_start_2:
0x132: {  	(tag) =	ssettag $0x2  }
0x133: {  	s0 =	rddreg [dreg:$0x0];
	s2 =	stileid.u32  }
0x134: {  	s1 =	rddreg [dreg:$0x1];
	p0 =	sne.s32 s2, $0x0  }
0x135: {  	s3 =	rddreg [dreg:$0x2];
	[bflag:$0x3] =	sbarrier.arrive $0xFFFF;
	s2 =	simm.s32 @!p0 $0x1C07  }
0x136: {  	[timem:s3], [sflag:s2] =	dma.local @!p0 [hbm:s0], s1  }
0x137: {  	s0 =	simm.s32 @!p0 $0x7  }
0x138: {  	_ =	swait.ge @!p0 [sflag:s0], s1  }
0x139: {  	s1 =	ssub.s32 @!p0 $0x0, s1;
	[sflag:s0] =	ssyncset.done @!p0 $0x0  }
0x13a: {  	[sflag:s0] =	ssyncadd.s32 @!p0 s1  }
0x13b: {  	[bflag:$0x3] =	sbarrier.arrive $0xFFFF  }
0x13c: {  	_ =	shalt  }

// kernel: kernel.9.cloned.1.call-start
scs
__scs_entry_jumppad:
0x0: {  	(pc) =	sbr.rel $0x88, $3  }
0x1: {  	(tag) =	ssettag $0x0;
	lr =	simm.s32 $0x1  }
0x2: {  	[smem:$0x3F95] =	sst lr;
	_ =	strace $0xD0000000  }
0x3: {  	_ = 	snop  }
0x4: {  	_ = 	snop  }
0x5: {  	_ = 	snop  }
0x6: {  	_ = 	snop  }
0x7: {  	_ = 	snop  }
__scs_overlays_trampoline_lowered:
0x8: {  	[smem:$0x3FA4] =	sst s0  }
0x9: {  	[smem:$0x3FA5] =	sst s1  }
0xa: {  	[smem:$0x3FA6] =	sst s2  }
0xb: {  	[smem:$0x3FA7] =	sst s3  }
0xc: {  	[smem:$0x3FA8] =	sst s4  }
0xd: {  	[smem:$0x3FA9] =	sst s5  }
0xe: {  	[smem:$0x3FAA] =	sst s6  }
0xf: {  	[smem:$0x3FAB] =	sst s7  }
0x10: {  	[smem:$0x3FAC] =	sst s8  }
0x11: {  	[smem:$0x3FAD] =	sst s9;
	s0 =	simm.s32 @!p0 $0x0  }
0x12: {  	s1 =	sld [smem:$0x3F93];
	s0 =	simm.s32 @p0 $0x1  }
0x13: {  	[smem:$0x3FAE] =	sst s0;
	s0 =	simm.s32 @!p1 $0x0  }
0x14: {  	s2 =	sld [smem:$0x3F92];
	s0 =	simm.s32 @p1 $0x1  }
0x15: {  	[smem:$0x3FAF] =	sst s0;
	s0 =	simm.s32 @!p2 $0x0  }
0x16: {  	s3 =	sld [smem:$0x3FDB];
	s0 =	simm.s32 @p2 $0x1  }
0x17: {  	s4 =	simm.s32 $0x1BF5;
	[smem:$0x3FB1] =	sst s0  }
0x18: {  	s0 =	sld [smem:$0x3F94];
	_ =	swait.ge [sflag:s4], $0x0  }
0x19: {  	s7 =	sld [smem:$0x3F95]  }
0x1a: {  	s8 =	sadd.s32 $0xFFFFE003, lr  }
0x1b: {  	s9 =	sadd.s32 $0xFFFFFEF7, lr;
	s5 =	simm.s32 $0xFFFFFFFF;
	p2 =	slt.u32 s8, $0xFFFFF086  }
0x1c: {  	p1 =	slt.u32 s9, $0xF7A;
	s5 =	simm.s32 @!p2 $0x0  }
0x1d: {  	s5 =	simm.s32 @p1 $0x1;
	p0 =	seq.s32 s7, s2  }
0x1e: {  	s7 =	smul.u32 @!p0 $0xF7A, s2;
	p2 =	seq.s32 @!p0 s5, $0x0  }
0x1f: {  	s9 =	smul.u32 $0xF7A, s1;
	s8 =	simm.s32 @!p0 $0x1BF5;
	p2 =	por !p2, p0  }
0x20: {  	[sflag:s8] =	ssyncset.s32 @!p0 $0xFFFFF086;
	s6 =	sadd.s32 @!p0 s3, s7;
	s7 =	simm.s32 @!p0 $0x108  }
0x21: {  	s3 =	sadd.s32 s3, s9;
	s6 =	sadd.s32 @!p0 $0x88, s6;
	s7 =	simm.s32 @p2 $0x1082  }
0x22: {  	[simem:s7], [sflag:s8] =	dma.local @!p0 [hbm:s6], $0xF7A  }
0x23: {  	s9 =	sor.u32 $0xD0000000, s2;
	s6 =	simm.s32 $0x108;
	_ =	swait.ge @!p0 [sflag:s8], $0x0  }
0x24: {  	s3 =	sadd.s32 $0x88, s3;
	s6 =	simm.s32 @!p1 $0x1082;
	[sflag:s4] =	ssyncset.s32 $0xFFFFF086  }
0x25: {  	[simem:s6], [sflag:s4] =	dma.local [hbm:s3], $0xF7A  }
0x26: {  	[smem:$0x3F95] =	sst s1;
	(tag) =	ssettag s2;
	_ =	strace s9  }
0x27: {  	s1 =	sld [smem:$0x3FA5]  }
0x28: {  	s2 =	sld [smem:$0x3FA6]  }
0x29: {  	s4 =	sld [smem:$0x3FA8]  }
0x2a: {  	p0 =	seq.s32 s5, $0x0;
	s5 =	sld [smem:$0x3FA9]  }
0x2b: {  	s6 =	sld [smem:$0x3FAA]  }
0x2c: {  	s7 =	sld [smem:$0x3FAB]  }
0x2d: {  	s3 =	simm.s32 $0x108;
	s8 =	sld [smem:$0x3FAC]  }
0x2e: {  	s3 =	simm.s32 @!p0 $0x1082;
	s9 =	sld [smem:$0x3FAD]  }
0x2f: {  	lr =	sadd.s32 s0, s3;
	s0 =	sld [smem:$0x3FA4]  }
0x30: {  	s3 =	sld [smem:$0x3FA7]  }
0x31: {  	[smem:$0x3FB0] =	sst s10  }
0x32: {  	s10 =	sld [smem:$0x3FAE];
	_ =	sdelay $0x3  }
0x33: {  	p0 =	seq.s32 s10, $0x1;
	s10 =	sld [smem:$0x3FB0];
	_ =	sdelay $0x3  }
0x34: {  	[smem:$0x3FB0] =	sst s10  }
0x35: {  	s10 =	sld [smem:$0x3FAF];
	_ =	sdelay $0x3  }
0x36: {  	p1 =	seq.s32 s10, $0x1;
	s10 =	sld [smem:$0x3FB0];
	_ =	sdelay $0x3  }
0x37: {  	[smem:$0x3FB0] =	sst s10  }
0x38: {  	s10 =	sld [smem:$0x3FB1]  }
0x39: {  	_ = 	snop;
	(pc) =	sbr.ind lr, $3  }
0x3a: {  	_ = 	snop  }
0x3b: {  	_ = 	snop  }
0x3c: {  	p2 =	seq.s32 s10, $0x1;
	s10 =	sld [smem:$0x3FB0]  }
0x3d: {  	_ =	shalt  }
0x3e: {  	_ =	shalt  }
0x3f: {  	_ =	shalt  }
0x40: {  	_ =	shalt  }
0x41: {  	_ =	shalt  }
0x42: {  	_ =	shalt  }
0x43: {  	_ =	shalt  }
0x44: {  	_ =	shalt  }
0x45: {  	_ =	shalt  }
0x46: {  	_ =	shalt  }
0x47: {  	_ =	shalt  }
0x48: {  	_ =	shalt  }
0x49: {  	_ =	shalt  }
0x4a: {  	_ =	shalt  }
0x4b: {  	_ =	shalt  }
0x4c: {  	_ =	shalt  }
0x4d: {  	_ =	shalt  }
0x4e: {  	_ =	shalt  }
0x4f: {  	_ =	shalt  }
0x50: {  	_ =	shalt  }
0x51: {  	_ =	shalt  }
0x52: {  	_ =	shalt  }
0x53: {  	_ =	shalt  }
0x54: {  	_ =	shalt  }
0x55: {  	_ =	shalt  }
0x56: {  	_ =	shalt  }
0x57: {  	_ =	shalt  }
0x58: {  	_ =	shalt  }
0x59: {  	_ =	shalt  }
0x5a: {  	_ =	shalt  }
0x5b: {  	_ =	shalt  }
0x5c: {  	_ =	shalt  }
0x5d: {  	_ =	shalt  }
0x5e: {  	_ =	shalt  }
0x5f: {  	_ =	shalt  }
0x60: {  	_ =	shalt  }
0x61: {  	_ =	shalt  }
0x62: {  	_ =	shalt  }
0x63: {  	_ =	shalt  }
0x64: {  	_ =	shalt  }
0x65: {  	_ =	shalt  }
0x66: {  	_ =	shalt  }
0x67: {  	_ =	shalt  }
0x68: {  	_ =	shalt  }
0x69: {  	_ =	shalt  }
0x6a: {  	_ =	shalt  }
0x6b: {  	_ =	shalt  }
0x6c: {  	_ =	shalt  }
0x6d: {  	_ =	shalt  }
0x6e: {  	_ =	shalt  }
0x6f: {  	_ =	shalt  }
0x70: {  	_ =	shalt  }
0x71: {  	_ =	shalt  }
0x72: {  	_ =	shalt  }
0x73: {  	_ =	shalt  }
0x74: {  	_ =	shalt  }
0x75: {  	_ =	shalt  }
0x76: {  	_ =	shalt  }
0x77: {  	_ =	shalt  }
0x78: {  	_ =	shalt  }
0x79: {  	_ =	shalt  }
0x7a: {  	_ =	shalt  }
0x7b: {  	_ =	shalt  }
0x7c: {  	_ =	shalt  }
0x7d: {  	_ =	shalt  }
0x7e: {  	_ =	shalt  }
0x7f: {  	_ =	shalt  }
0x80: {  	_ =	shalt  }
0x81: {  	_ =	shalt  }
0x82: {  	_ =	shalt  }
0x83: {  	_ =	shalt  }
0x84: {  	_ =	shalt  }
0x85: {  	_ =	shalt  }
0x86: {  	_ =	shalt  }
0x87: {  	_ =	shalt  }
.Lfunc_end0:
.L_simem_size_0:
called_computation.1_lowered:
.L_overlay_start_0:
0x88: {  	s2 =	sld [smem:$0x3FD9]  }
0x89: {  	s3 =	sld [smem:$0x3FFE];
	_ =	sdelay $0x1  }
0x8a: {  	s1 =	srdreg.scid  }
0x8b: {  	s0 =	sand.u32 $0x1, s1  }
0x8c: {  	s14 =	sshll.u32 s0, $0xA;
	s2 =	sadd.s32 s3, s2  }
0x8d: {  	s2 =	sadd.s32 s2, s14  }
0x8e: {  	[smem:$0x3FBC] =	sst s2  }
0x8f: {  	_ = 	snop  }
0x90: {  	s2 =	sld [smem:$0x3FD0];
	_ =	sdelay $0x2  }
0x91: {  	s4 =	simm.s32 $0xA;
	s5 =	simm.s32 $0x10;
	s15 =	sld [smem:$0x3FBE]  }
0x92: {  	[smem:s5], [sflag:s4] =	dma.local [hbm:s2], $0x1  }
0x93: {  	_ =	swait.eq [sflag:s4], $0x1  }
0x94: {  	[sflag:s4] =	ssyncset.done $0x0  }
0x95: {  	[sflag:s4] =	ssyncadd.s32 $0xFFFFFFFF  }
0x96: {  	s16 =	sld [smem:$0x10];
	(tm) =	ssettm $0x1  }
0x97: {  	s17 =	sld [smem:$0x3FFB];
	_ =	sdelay $0x3  }
0x98: {  	_ =	strace s17  }
0x99: {  	s4 =	sld [smem:$0x3FFC];
	_ =	sdelay $0x3  }
0x9a: {  	_ =	strace s4  }
0x9b: {  	s4 =	sld [smem:$0x3FFD];
	_ =	sdelay $0x3  }
0x9c: {  	_ =	strace s4  }
0x9d: {  	_ =	strace $0x8FFFFFFF  }
0x9e: {  	s18 =	sld [smem:$0x3FDB];
	_ =	sdelay $0x1  }
0x9f: {  	s19 =	simm.s32 $_scs_section_size  }
0xa0: {  	s6 =	simm.s32 $_size__tile_overlayer_lowered;
	s7 =	simm.s32 $_tile_overlayer_lowered  }
0xa1: {  	s22 =	simm.s32 $0x1BFF;
	s21 =	sshll.u32 s7, $0x1;
	s4 =	sadd.s32 s19, s18  }
0xa2: {  	s8 =	simm.s32 $0x0;
	s20 =	sshll.u32 s6, $0x1;
	s6 =	sadd.s32 s21, s4  }
0xa3: {  	[timem:s8], [sflag:s22] =	dma.local [hbm:s6], s20  }
0xa4: {  	_ =	swait.ge [sflag:s22], s20  }
0xa5: {  	s5 =	ssub.s32 $0x0, s20;
	[sflag:s22] =	ssyncset.done $0x0  }
0xa6: {  	[sflag:s22] =	ssyncadd.s32 s5;
	_ =	sdelay $0x1  }
0xa7: {  	s23 =	simm.s32 $0x1B8B  }
0xa8: {  	_ =	swait.ge [sflag:s23], $0x1  }
0xa9: {  	[sflag:s23] =	ssyncset.done $0x0  }
0xaa: {  	s25 =	simm.s32 $0x1B8E;
	s24 =	sld [smem:$0x3FFE];
	[sflag:s23] =	ssyncadd.s32 $0xFFFFFFFF  }
0xab: {  	s26 =	simm.s32 $execute0_lowered;
	[smem:$0x3FD2] =	sst s25  }
0xac: {  	s6 =	sshll.u32 s26, $0x1;
	_ =	strace $0x80000049;
	[dreg:$0x1] =	wrdreg $0xFFFFFFFF  }
0xad: {  	s28 =	simm.s32 $_size_execute0_lowered;
	s4 =	sadd.s32 s4, s6;
	[dreg:$0x0] =	wrdreg $0x0  }
0xae: {  	s6 =	sshll.u32 s28, $0x1;
	[dreg:$0x2] =	wrdreg s4  }
0xaf: {  	[dreg:$0x3] =	wrdreg s6  }
0xb0: {  	[dreg:$0x4] =	wrdreg $0xC0  }
0xb1: {  	_ =	task [dreg:s8], $0x5FFFF  }
0xb2: {  	[dreg:$0x1] =	wrdreg $0xFFFFFFFF  }
0xb3: {  	[dreg:$0x0] =	wrdreg $0x60  }
0xb4: {  	[dreg:$0x2] =	wrdreg s24  }
0xb5: {  	[dreg:$0x3] =	wrdreg s16  }
0xb6: {  	[dreg:$0x4] =	wrdreg s15  }
0xb7: {  	[dreg:$0x5] =	wrdreg $0xC4800  }
0xb8: {  	[dreg:$0x6] =	wrdreg $0x9  }
0xb9: {  	_ =	task.clear_ibuf [dreg:s8], $0x7FFFF;
	_ =	strace $0x90000049  }
0xba: {  	s29 =	simm.s32 $0x9;
	_ =	strace $0x8000004B  }
0xbb: {  	_ =	swait.ge [sflag:s29], $0x1  }
0xbc: {  	[sflag:s29] =	ssyncadd.s32 $0xFFFFFFFF  }
0xbd: {  	_ =	strace $0x9000004B  }
0xbe: {  	_ =	sfence  }
0xbf: {  	s30 =	sld [smem:$0x0];
	_ =	sdelay $0x2  }
0xc0: {  	s31 =	sshll.u32 s1, $0xD;
	s1 =	sshrl.u32 s1, $0x2  }
0xc1: {  	s3 =	sand.u32 $0x4000, s31;
	s1 =	sadd.s32 s1, s30  }
0xc2: {  	s0 =	sor.u32 s3, s0;
	s1 =	sshll.u32 s1, $0x11  }
0xc3: {  	s0 =	sor.u32 s1, s0  }
0xc4: {  	s0 =	sadd.s32 $0x8F2B, s0  }
0xc5: {  	[sflag:s0] =	ssyncadd.remote.s32 $0x1  }
0xc6: {  	_ =	sfence.sel $0xFFFF  }
0xc7: {  	[dreg:$0x0] =	wrdreg $0xFFFFFFFF;
	(pc) =	sbr.abs _section_cstart, $3  }
0xc8: {  	[dreg:$0x1] =	wrdreg $0xFFFFFFFF  }
0xc9: {  	_ =	task.clear_ibuf [dreg:s8], $0x2FFFF;
	_ =	strace $0x9FFFFFFF  }
0xca: {  	(tm) =	ssettm $0x7FFFFFFF  }
0xcb: {  	_ =	shalt  }
tec
execute0_lowered:
.L_overlay_start_1:
0x0: {  	(tag) =	ssettag $0x1  }
0x1: {  	s2 =	rddreg [dreg:$0x0]  }
0x2: {  	s0 =	srdreg.scid;
	s1 =	rddreg [dreg:$0x1]  }
0x3: {  	s15 =	stileid.u32;
	s3 =	rddreg [dreg:$0x2]  }
0x4: {  	s5 =	simm.s32 $0x0;
	s29 =	simm.s32 $0x7;
	s31 =	simm.s32 $0x3C00  }
0x5: {  	s28 =	simm.s32 $0x40;
	s30 =	simm.s32 $0x3;
	s0 =	sand.u32 $0x1, s0  }
0x6: {  	[smem:$0x7FF] =	sst s5;
	s12 =	sadd.s32 $0x5EC00, s2;
	s4 =	sshll.u32 s0, $0x4  }
0x7: {  	s13 =	sadd.s32 $0x5EA00, s2;
	s14 =	smul.u32 $0x4E000, s15;
	s6 =	sor.u32 s15, s4  }
0x8: {  	s11 =	sadd.s32 $0x10600, s2;
	s4 =	rddreg [dreg:$0x3];
	s7 =	smul.u32 $0x280, s6  }
0x9: {  	_ =	strace $0x8000004A;
	[dreg:$0x6] =	wrdreg s13;
	s8 =	smul.u32 $0x500, s6  }
0xa: {  	s13 =	sshrl.u32 s14, $0x2;
	s9 =	sshll.u32 s6, $0x1;
	s7 =	sadd.s32 s7, s2  }
0xb: {  	s10 =	sadd.s32 s8, s2;
	s2 =	sadd.s32 s9, s2;
	s9 =	sadd.s32 s13, s4  }
0xc: {  	s17 =	smul.u32 $0x2700, s15;
	[dreg:$0x5] =	wrdreg s12;
	s14 =	sadd.s32 $0x2000, s9  }
0xd: {  	p0 =	sne.s32 s15, $0xF;
	s18 =	sadd.s32 $0x4000, s9;
	[dreg:$0x7] =	wrdreg s14  }
0xe: {  	s12 =	ssub.s32 $0x2, s0;
	s19 =	sadd.s32 $0x6000, s9;
	[dreg:$0x8] =	wrdreg s18  }
0xf: {  	s16 =	sshrl.u32 s12, $0x1;
	s20 =	sadd.s32 $0x8000, s9;
	[dreg:$0x9] =	wrdreg s19  }
0x10: {  	s12 =	ssub.s32 s12, s16;
	s16 =	sadd.s32 $0xA000, s9;
	[dreg:$0xa] =	wrdreg s20  }
0x11: {  	s21 =	smul.u32 $0x27100, s0;
	s22 =	sadd.s32 $0xC000, s9;
	[dreg:$0xb] =	wrdreg s16  }
0x12: {  	s0 =	smul.u32 $0x138800, s0;
	s23 =	sadd.s32 $0xE000, s9;
	[dreg:$0xc] =	wrdreg s22  }
0x13: {  	s13 =	sadd.s32 s17, s21;
	s24 =	sadd.s32 $0x10000, s9;
	[dreg:$0xd] =	wrdreg s23  }
0x14: {  	s0 =	sshrl.u32 s0, $0x3;
	s13 =	sadd.s32 s11, s13;
	[dreg:$0xe] =	wrdreg s24  }
0x15: {  	s8 =	smul.u32 $0x50, s6;
	s25 =	sadd.s32 $0x12000, s9;
	[dreg:$0xf] =	wrdreg s13  }
0x16: {  	s6 =	smul.u32 $0x14000, s6;
	s7 =	sadd.s32 $0xB600, s7;
	[dreg:$0x10] =	wrdreg s25  }
0x17: {  	s0 =	sadd.s32 s11, s0;
	s26 =	sadd.s32 $0x1600, s10;
	[dreg:$0x11] =	wrdreg s7  }
0x18: {  	s10 =	simm.s32 $0x4;
	s11 =	simm.s32 $0x5;
	[dreg:$0x12] =	wrdreg s26  }
0x19: {  	s6 =	sadd.s32 s3, s6;
	s23 =	sadd.s32 $0x1400, s2;
	s24 =	sadd.s32 $0x27000, s0  }
0x1a: {  	s25 =	smax.u32 s12, $0x1;
	s26 =	sadd.s32 $0x138000, s4;
	s2 =	simm.s32 $0x1  }
0x1b: {  	s0 =	simm.s32 $0x5C00;
	s7 =	simm.s32 $0x2;
	s12 =	simm.s32 $0x6  }
0x1c: {  	v0 =	vimm.f32 $0.0e+00;
	v17 =	vimm.f32 $0.0e+00;
	s13 =	simm.s32 $0x0;
	[dreg:$0x13] =	wrdreg s6;
	s6 =	simm.s32 $0x9C00  }
.LBB2_1:
0x1d: {  	s14 =	rddreg [dreg:$0x5];
	s15 =	simm.s32 $0xBC00  }
0x1e: {  	[tilespmem:s15], [sflag:$0x7] =	stream.linear.gather [hbm4b:s14+s5], $0x400, $0x38;
	[tilespmem:$0x1FD40] =	vst v63  }
0x1f: {  	_ =	swait.ge [sflag:s29], $0x400  }
0x20: {  	[sflag:s29] =	ssyncset.done $0x0  }
0x21: {  	s22 =	simm.s32 $0xC000;
	s21 =	rddreg [dreg:$0x6];
	[sflag:s29] =	ssyncadd.s32 $0xFFFFFC00  }
0x22: {  	[tilespmem:s22], [sflag:$0x7] =	stream.linear.gather [hbm4b:s21+s5], $0x400, $0x38;
	[tilespmem:$0x1FD40] =	vst v63  }
0x23: {  	_ =	swait.ge [sflag:s29], $0x400  }
0x24: {  	[sflag:s29] =	ssyncset.done $0x0  }
0x25: {  	[sflag:s29] =	ssyncadd.s32 $0xFFFFFC00  }
0x26: {  	v1 =	vld [tilespmem:$0xBC00]  }
0x27: {  	v2 =	vld [tilespmem:$0xBC80]  }
0x28: {  	v3 =	vld [tilespmem:$0xBD00]  }
0x29: {  	v4 =	vld [tilespmem:$0xBD80]  }
0x2a: {  	v5 =	vld [tilespmem:$0xBE00]  }
0x2b: {  	v6 =	vld [tilespmem:$0xBE80]  }
0x2c: {  	v7 =	vld [tilespmem:$0xBF00]  }
0x2d: {  	v8 =	vld [tilespmem:$0xBF80]  }
0x2e: {  	v9 =	vld [tilespmem:$0xC000]  }
0x2f: {  	v10 =	vld [tilespmem:$0xC080]  }
0x30: {  	v11 =	vld [tilespmem:$0xC100]  }
0x31: {  	v12 =	vld [tilespmem:$0xC180]  }
0x32: {  	v13 =	vld [tilespmem:$0xC200]  }
0x33: {  	v14 =	vld [tilespmem:$0xC280]  }
0x34: {  	v15 =	vld [tilespmem:$0xC300]  }
0x35: {  	s14 =	simm.s32 $0x0;
	s15 =	simm.s32 $0x200;
	v16 =	vld [tilespmem:$0xC380]  }
.LBB2_2:
0x36: {  	p1 =	sne.s32 s15, $0x7E00;
	[tilespmem:s14+$0x3C70] =	vst v0  }
0x37: {  	[tilespmem:s14+$0x3C00] =	vst v0  }
0x38: {  	[tilespmem:s14+$0x3C10] =	vst v0  }
.Ltmp0:
0x39: {  	[tilespmem:s14+$0x3C20] =	vst v0;
	(pc) =	sbr.rel @p1 .LBB2_2-.Ltmp0, $4  }
0x3a: {  	[tilespmem:s14+$0x3C30] =	vst v0  }
0x3b: {  	[tilespmem:s14+$0x3C40] =	vst v0  }
0x3c: {  	[tilespmem:s14+$0x3C50] =	vst v0  }
0x3d: {  	[tilespmem:s14+$0x3C60] =	vst v0;
	s14 =	sshra.s32 s15, $0x2;
	s15 =	sadd.s32 $0x200, s15  }
0x3e: {  	[tilespmem:s14+$0x3C70] =	vst v0  }
0x3f: {  	[tilespmem:s14+$0x3C00] =	vst v0  }
0x40: {  	[tilespmem:s14+$0x3C10] =	vst v0  }
0x41: {  	[tilespmem:s14+$0x3C20] =	vst v0  }
0x42: {  	[tilespmem:s14+$0x3C30] =	vst v0  }
0x43: {  	[tilespmem:s14+$0x3C40] =	vst v0  }
0x44: {  	[tilespmem:s14+$0x3C50] =	vst v0  }
0x45: {  	[tilespmem:s14+$0x3C60] =	vst v0  }
0x46: {  	[spmem:s9] =	stream.linear.scatter [tilespmem:s31], [sflag:$0x7], $0x2000, $0x38;
	[tilespmem:$0x1FD40] =	vst v63  }
0x47: {  	_ =	swait.ge [sflag:s29], $0x2000  }
0x48: {  	[sflag:s29] =	ssyncset.done $0x0  }
0x49: {  	s19 =	rddreg [dreg:$0x7];
	[sflag:s29] =	ssyncadd.s32 $0xFFFFE000  }
0x4a: {  	[spmem:s19] =	stream.linear.scatter [tilespmem:s31], [sflag:$0x7], $0x2000, $0x38;
	[tilespmem:$0x1FD40] =	vst v63  }
0x4b: {  	_ =	swait.ge [sflag:s29], $0x2000  }
0x4c: {  	[sflag:s29] =	ssyncset.done $0x0  }
0x4d: {  	s20 =	rddreg [dreg:$0x8];
	[sflag:s29] =	ssyncadd.s32 $0xFFFFE000  }
0x4e: {  	[spmem:s20] =	stream.linear.scatter [tilespmem:s31], [sflag:$0x7], $0x2000, $0x38;
	[tilespmem:$0x1FD40] =	vst v63  }
0x4f: {  	_ =	swait.ge [sflag:s29], $0x2000  }
0x50: {  	[sflag:s29] =	ssyncset.done $0x0  }
0x51: {  	s21 =	rddreg [dreg:$0x9];
	[sflag:s29] =	ssyncadd.s32 $0xFFFFE000  }
0x52: {  	[spmem:s21] =	stream.linear.scatter [tilespmem:s31], [sflag:$0x7], $0x2000, $0x38;
	[tilespmem:$0x1FD40] =	vst v63  }
0x53: {  	_ =	swait.ge [sflag:s29], $0x2000  }
0x54: {  	[sflag:s29] =	ssyncset.done $0x0  }
0x55: {  	s22 =	rddreg [dreg:$0xa];
	[sflag:s29] =	ssyncadd.s32 $0xFFFFE000  }
0x56: {  	[spmem:s22] =	stream.linear.scatter [tilespmem:s31], [sflag:$0x7], $0x2000, $0x38;
	[tilespmem:$0x1FD40] =	vst v63  }
0x57: {  	_ =	swait.ge [sflag:s29], $0x2000  }
0x58: {  	[sflag:s29] =	ssyncset.done $0x0  }
0x59: {  	s15 =	rddreg [dreg:$0xb];
	[sflag:s29] =	ssyncadd.s32 $0xFFFFE000  }
0x5a: {  	[spmem:s15] =	stream.linear.scatter [tilespmem:s31], [sflag:$0x7], $0x2000, $0x38;
	[tilespmem:$0x1FD40] =	vst v63  }
0x5b: {  	_ =	swait.ge [sflag:s29], $0x2000  }
0x5c: {  	[sflag:s29] =	ssyncset.done $0x0  }
0x5d: {  	s16 =	rddreg [dreg:$0xc];
	[sflag:s29] =	ssyncadd.s32 $0xFFFFE000  }
0x5e: {  	[spmem:s16] =	stream.linear.scatter [tilespmem:s31], [sflag:$0x7], $0x2000, $0x38;
	[tilespmem:$0x1FD40] =	vst v63  }
0x5f: {  	_ =	swait.ge [sflag:s29], $0x2000  }
0x60: {  	[sflag:s29] =	ssyncset.done $0x0  }
0x61: {  	s17 =	rddreg [dreg:$0xd];
	[sflag:s29] =	ssyncadd.s32 $0xFFFFE000  }
0x62: {  	[spmem:s17] =	stream.linear.scatter [tilespmem:s31], [sflag:$0x7], $0x2000, $0x38;
	[tilespmem:$0x1FD40] =	vst v63  }
0x63: {  	_ =	swait.ge [sflag:s29], $0x2000  }
0x64: {  	[sflag:s29] =	ssyncset.done $0x0  }
0x65: {  	s18 =	rddreg [dreg:$0xe];
	[sflag:s29] =	ssyncadd.s32 $0xFFFFE000  }
0x66: {  	[spmem:s18] =	stream.linear.scatter [tilespmem:s31], [sflag:$0x7], $0x2000, $0x38;
	[tilespmem:$0x1FD40] =	vst v63  }
0x67: {  	_ =	swait.ge [sflag:s29], $0x2000  }
0x68: {  	[sflag:s29] =	ssyncset.done $0x0  }
0x69: {  	s19 =	rddreg [dreg:$0x10];
	[sflag:s29] =	ssyncadd.s32 $0xFFFFE000  }
0x6a: {  	[spmem:s19] =	stream.linear.scatter [tilespmem:s31], [sflag:$0x7], $0x1800, $0x38;
	[tilespmem:$0x1FD40] =	vst v63  }
0x6b: {  	_ =	swait.ge [sflag:s29], $0x1800  }
0x6c: {  	[sflag:s29] =	ssyncset.done $0x0  }
0x6d: {  	s14 =	simm.s32 @!p0 $0x3C00;
	[sflag:s29] =	ssyncadd.s32 $0xFFFFE800  }
0x6e: {  	[spmem:s26] =	stream.linear.scatter @!p0 [tilespmem:s14], [sflag:$0x7], $0xC00, $0x38;
	[tilespmem:$0x1FD40] =	vst v63  }
0x6f: {  	s14 =	simm.s32 @!p0 $0x7  }
0x70: {  	_ =	swait.ge @!p0 [sflag:s14], $0xC00  }
0x71: {  	[sflag:s14] =	ssyncset.done @!p0 $0x0  }
0x72: {  	s15 =	rddreg [dreg:$0x11];
	[sflag:s14] =	ssyncadd.s32 @!p0 $0xFFFFF400;
	s14 =	simm.s32 $0x0  }
0x73: {  	[tilespmem:s14], [sflag:$0x7] =	stream.linear.gather [hbm4b:s15+s14], $0x1400, $0x38;
	[tilespmem:$0x1FD40] =	vst v63  }
0x74: {  	_ =	swait.ge [sflag:s29], $0x1400  }
0x75: {  	[sflag:s29] =	ssyncset.done $0x0  }
0x76: {  	s16 =	simm.s32 $0x1400;
	s20 =	rddreg [dreg:$0x12];
	[sflag:s29] =	ssyncadd.s32 $0xFFFFEC00  }
0x77: {  	[tilespmem:s16], [sflag:$0x7] =	stream.linear.gather [hbm4b:s20+s14], $0x2800, $0x38;
	[tilespmem:$0x1FD40] =	vst v63  }
0x78: {  	_ =	swait.ge [sflag:s29], $0x2800  }
0x79: {  	[sflag:s29] =	ssyncset.done $0x0  }
0x7a: {  	[sflag:s29] =	ssyncadd.s32 $0xFFFFD800  }
0x7b: {  	[bflag:$0x0] =	sbarrier.arrive $0xFFFF  }
0x7c: {  	[tilespmem:s31], [sflag:$0x1] =	stream.indirect.gather [hbm4b:s1+s28], $0x80, s14, s28, $0xb8;
	[tilespmem:$0x1FD40] =	vst v63  }
0x7d: {  	s22 =	simm.s32 $0x7C00;
	s15 =	simm.s32 $0x0;
	s21 =	rddreg [dreg:$0x13]  }
0x7e: {  	v18 =	vimm.f32 $0.0e+00;
	[tilespmem:s22], [sflag:$0x3] =	stream.linear.gather [hbm4b:s21+s14], $0x2000, $0x38;
	[tilespmem:$0x1FD40] =	vst v63  }
.LBB2_4:
0x7f: {  	_ =	swait.ge [sflag:s2], $0x2000  }
0x80: {  	[sflag:s2] =	ssyncset.done $0x0  }
0x81: {  	[sflag:s2] =	ssyncadd.s32 $0xFFFFE000  }
0x82: {  	_ =	swait.ge [sflag:s30], $0x2000  }
0x83: {  	p1 =	seq.s32 s15, $0x0;
	[sflag:s30] =	ssyncset.done $0x0  }
0x84: {  	s18 =	sshll.u32 s15, $0x1;
	s17 =	simm.s32 @!p1 $0x6;
	[sflag:s30] =	ssyncadd.s32 $0xFFFFE000  }
0x85: {  	s16 =	sor.u32 $0x1, s18;
	_ =	swait.ge @!p1 [sflag:s17], $0x2000  }
0x86: {  	s19 =	sshll.u32 s16, $0x6;
	[sflag:s17] =	ssyncset.done @!p1 $0x0  }
0x87: {  	s21 =	sand.u32 $0x3FFFFFC0, s19;
	[sflag:s17] =	ssyncadd.s32 @!p1 $0xFFFFE000;
	s17 =	sadd.s32 s8, s16  }
0x88: {  	[tilespmem:s0], [sflag:$0x2] =	stream.indirect.gather [hbm4b:s1+s28], $0x80, s21, s28, $0xb8;
	[tilespmem:$0x1FD40] =	vst v63  }
0x89: {  	s22 =	smin.u32 s17, $0x9C3  }
0x8a: {  	s19 =	sshll.u32 s22, $0xA  }
0x8b: {  	s20 =	simm.s32 $0x0;
	s19 =	sadd.s32 s3, s19  }
0x8c: {  	[tilespmem:s6], [sflag:$0x4] =	stream.linear.gather [hbm4b:s19+s14], $0x2000, $0x38;
	[tilespmem:$0x1FD40] =	vst v63  }
0x8d: {  	v19 =	vld [tilespmem:s20+$0x7C00];
	_ =	sdelay $0x1  }
0x8e: {  	v20 =	vld [tilespmem:s20+$0x7C10];
	_ =	sdelay $0x1  }
0x8f: {  	v21 =	vld [tilespmem:s20+$0x7C20]  }
0x90: {  	v22 =	vld [tilespmem:s20+$0x7C30];
	v19 =	vmul.f32 v19, v9;
	_ =	sdelay $0x1  }
0x91: {  	v24 =	vld [tilespmem:s20+$0x7C40];
	v23 =	vadd.f32 v19, v1;
	v19 =	vmul.f32 v20, v10  }
0x92: {  	v32 =	vld [tilespmem:s20+$0x7C70]  }
0x93: {  	v25 =	vadd.f32 $-1.000000000e+00, v23;
	v27 =	vadd.f32 v19, v2;
	v19 =	vmul.f32 v21, v11;
	v21 =	vld [tilespmem:s20+$0x7C50]  }
0x94: {  	v35 =	vld [tilespmem:s20+$0x7C60];
	v26 =	vmul.f32 v22, v12  }
0x95: {  	v33 =	vld [tilespmem:s20+$0x3C00];
	v25 =	vmul.f32 v25, v25;
	v30 =	vadd.f32 $-1.000000000e+00, v27;
	v29 =	vadd.f32 v19, v3  }
0x96: {  	v34 =	vld [tilespmem:s20+$0x3C20];
	v28 =	vadd.f32 v26, v4;
	v19 =	vmul.f32 v24, v13  }
0x97: {  	v31 =	vld [tilespmem:s20+$0x3C30];
	v24 =	vadd.f32 v25, v17;
	v25 =	vmul.f32 v30, v30;
	v26 =	vadd.f32 $-1.000000000e+00, v29  }
0x98: {  	s19 =	simm.s32 $0x80;
	v30 =	vld [tilespmem:s20+$0x3C10];
	v19 =	vadd.f32 v19, v5;
	v21 =	vmul.f32 v21, v14  }
0x99: {  	v22 =	vld [tilespmem:s19+$0x7C00];
	v24 =	vadd.f32 v25, v24;
	v25 =	vmul.f32 v26, v26;
	v26 =	vadd.f32 $-1.000000000e+00, v28  }
0x9a: {  	s21 =	simm.s32 $0x400;
	v35 =	vmul.f32 v35, v15;
	v32 =	vmul.f32 v32, v16;
	v20 =	vld [tilespmem:s19+$0x7C10];
	v21 =	vadd.f32 v21, v6  }
.LBB2_5:
0x9b: {  	p1 =	sne.s32 s21, $0x7E00;
	v24 =	vadd.f32 v25, v24;
	v25 =	vmul.f32 v26, v26;
	v26 =	vadd.f32 $-1.000000000e+00, v19;
	v36 =	vld [tilespmem:s20+$0x3C40]  }
0x9c: {  	v23 =	vmul.f32 v23, v33;
	v33 =	vadd.f32 $-1.000000000e+00, v21;
	v37 =	vld [tilespmem:s20+$0x3C50];
	v35 =	vadd.f32 v35, v7  }
0x9d: {  	v27 =	vmul.f32 v27, v30;
	v24 =	vadd.f32 v25, v24;
	v25 =	vmul.f32 v26, v26;
	v26 =	vld [tilespmem:s20+$0x3C60]  }
0x9e: {  	v30 =	vadd.f32 v32, v8;
	[tilespmem:s20+$0x3C00] =	vst v23;
	v23 =	vmul.f32 v29, v34;
	v29 =	vadd.f32 $-1.000000000e+00, v35;
	v32 =	vld [tilespmem:s20+$0x3C70]  }
0x9f: {  	v34 =	vld [tilespmem:s19+$0x7C20];
	[tilespmem:s20+$0x3C10] =	vst v27;
	v27 =	vmul.f32 v28, v31;
	v24 =	vadd.f32 v25, v24;
	v25 =	vmul.f32 v33, v33  }
0xa0: {  	v22 =	vmul.f32 v22, v9;
	v31 =	vadd.f32 $-1.000000000e+00, v30;
	v28 =	vld [tilespmem:s19+$0x7C30];
	[tilespmem:s20+$0x3C20] =	vst v23;
	v19 =	vmul.f32 v19, v36  }
0xa1: {  	[tilespmem:s20+$0x3C30] =	vst v27;
	v24 =	vadd.f32 v25, v24;
	v21 =	vmul.f32 v21, v37;
	v25 =	vmul.f32 v29, v29  }
0xa2: {  	v20 =	vmul.f32 v20, v10;
	v23 =	vadd.f32 v22, v1;
	v33 =	vld [tilespmem:s19+$0x7C40];
	[tilespmem:s20+$0x3C40] =	vst v19;
	v19 =	vmul.f32 v35, v26  }
0xa3: {  	v22 =	vmul.f32 v31, v31;
	v36 =	vld [tilespmem:s19+$0x7C70];
	[tilespmem:s20+$0x3C50] =	vst v21;
	v21 =	vadd.f32 v25, v24;
	v24 =	vmul.f32 v30, v32  }
0xa4: {  	v27 =	vadd.f32 v20, v2;
	v25 =	vadd.f32 $-1.000000000e+00, v23;
	v26 =	vmul.f32 v34, v11;
	v31 =	vld [tilespmem:s19+$0x7C50];
	[tilespmem:s20+$0x3C60] =	vst v19  }
0xa5: {  	v19 =	vmul.f32 v28, v12;
	v32 =	vld [tilespmem:s19+$0x7C60];
	v21 =	vadd.f32 v22, v21;
	[tilespmem:s20+$0x3C70] =	vst v24;
	s20 =	smov.u32 s19;
	s19 =	sshra.s32 s21, $0x2  }
0xa6: {  	v24 =	vmul.f32 v25, v25;
	v25 =	vadd.f32 $-1.000000000e+00, v27;
	v20 =	vld [tilespmem:s19+$0x7C10];
	v29 =	vadd.f32 v26, v3  }
.Ltmp1:
0xa7: {  	v22 =	vld [tilespmem:s19+$0x7C00];
	v28 =	vadd.f32 v19, v4;
	v19 =	vmul.f32 v33, v13;
	(pc) =	sbr.rel @p1 .LBB2_5-.Ltmp1, $4  }
0xa8: {  	v21 =	vadd.f32 v24, v21;
	v24 =	vmul.f32 v25, v25;
	v33 =	vld [tilespmem:s20+$0x3C00];
	v25 =	vadd.f32 $-1.000000000e+00, v29  }
0xa9: {  	v30 =	vld [tilespmem:s20+$0x3C10];
	v19 =	vadd.f32 v19, v5;
	v35 =	vmul.f32 v31, v14  }
0xaa: {  	v24 =	vadd.f32 v24, v21;
	v26 =	vadd.f32 $-1.000000000e+00, v28;
	v25 =	vmul.f32 v25, v25;
	v34 =	vld [tilespmem:s20+$0x3C20]  }
0xab: {  	s21 =	sadd.s32 $0x200, s21;
	v31 =	vld [tilespmem:s20+$0x3C30];
	v21 =	vadd.f32 v35, v6;
	v35 =	vmul.f32 v32, v15;
	v32 =	vmul.f32 v36, v16  }
0xac: {  	_ = 	snop  }
0xad: {  	v36 =	vld [tilespmem:s20+$0x3C40];
	v23 =	vmul.f32 v23, v33  }
0xae: {  	v48 =	vld [tilespmem:s20+$0x3C50]  }
0xaf: {  	v37 =	vld [tilespmem:s20+$0x3C60];
	[tilespmem:s20+$0x3C00] =	vst v23;
	v23 =	vmul.f32 v27, v30  }
0xb0: {  	v27 =	vld [tilespmem:s20+$0x3C70];
	v29 =	vmul.f32 v29, v34  }
0xb1: {  	v30 =	vld [tilespmem:s19+$0x7C20];
	[tilespmem:s20+$0x3C10] =	vst v23;
	v23 =	vmul.f32 v28, v31  }
0xb2: {  	v31 =	vadd.f32 v35, v7;
	v28 =	vld [tilespmem:s19+$0x7C30];
	[tilespmem:s20+$0x3C20] =	vst v29;
	v29 =	vmul.f32 v19, v36  }
0xb3: {  	v32 =	vadd.f32 v32, v8;
	v33 =	vmul.f32 v21, v48;
	[tilespmem:s20+$0x3C30] =	vst v23  }
0xb4: {  	v49 =	vmul.f32 v31, v37;
	v23 =	vld [tilespmem:s19+$0x7C40];
	[tilespmem:s20+$0x3C40] =	vst v29  }
0xb5: {  	v27 =	vmul.f32 v32, v27;
	v29 =	vld [tilespmem:s19+$0x7C70];
	[tilespmem:s20+$0x3C50] =	vst v33  }
0xb6: {  	v33 =	vld [tilespmem:s19+$0x7C50];
	[tilespmem:s20+$0x3C60] =	vst v49  }
0xb7: {  	v34 =	vld [tilespmem:s19+$0x7C60];
	[tilespmem:s20+$0x3C70] =	vst v27  }
0xb8: {  	v27 =	vld [tilespmem:s19+$0x3C00]  }
0xb9: {  	v22 =	vmul.f32 v22, v9;
	v50 =	vld [tilespmem:s19+$0x3C10]  }
0xba: {  	v20 =	vmul.f32 v20, v10;
	v51 =	vld [tilespmem:s19+$0x3C20]  }
0xbb: {  	v22 =	vadd.f32 v22, v1;
	v30 =	vmul.f32 v30, v11;
	v52 =	vld [tilespmem:s19+$0x3C30]  }
0xbc: {  	v20 =	vadd.f32 v20, v2;
	v28 =	vmul.f32 v28, v12;
	v38 =	vld [tilespmem:s19+$0x3C40]  }
0xbd: {  	v30 =	vadd.f32 v30, v3;
	v54 =	vld [tilespmem:s19+$0x3C70];
	v23 =	vmul.f32 v23, v13;
	v27 =	vmul.f32 v22, v27  }
0xbe: {  	v39 =	vld [tilespmem:s19+$0x3C50];
	v28 =	vadd.f32 v28, v4;
	v29 =	vmul.f32 v29, v16;
	v35 =	vmul.f32 v20, v50  }
0xbf: {  	v40 =	vld [tilespmem:s19+$0x3C60];
	v33 =	vmul.f32 v33, v14;
	v23 =	vadd.f32 v23, v5;
	v53 =	vmul.f32 v30, v51;
	[tilespmem:s19+$0x3C00] =	vst v27  }
0xc0: {  	v29 =	vadd.f32 v29, v8;
	v55 =	vmul.f32 v28, v52;
	v27 =	vmul.f32 v34, v15;
	[tilespmem:s19+$0x3C10] =	vst v35  }
0xc1: {  	v33 =	vadd.f32 v33, v6;
	v56 =	vmul.f32 v23, v38;
	[tilespmem:s19+$0x3C20] =	vst v53  }
0xc2: {  	v24 =	vadd.f32 v25, v24;
	v59 =	vmul.f32 v29, v54;
	[tilespmem:s19+$0x3C30] =	vst v55;
	v27 =	vadd.f32 v27, v7  }
0xc3: {  	v25 =	vmul.f32 v26, v26;
	v19 =	vadd.f32 $-1.000000000e+00, v19;
	v57 =	vmul.f32 v33, v39;
	[tilespmem:s19+$0x3C40] =	vst v56  }
0xc4: {  	s22 =	sshll.u32 s15, $0x8;
	[tilespmem:s19+$0x3C70] =	vst v59;
	v58 =	vmul.f32 v27, v40  }
0xc5: {  	v24 =	vadd.f32 v25, v24;
	v21 =	vadd.f32 $-1.000000000e+00, v21;
	v19 =	vmul.f32 v19, v19;
	s20 =	sand.u32 $0x3FFFFF00, s22;
	[tilespmem:s19+$0x3C50] =	vst v57  }
0xc6: {  	s21 =	sadd.s32 $0x1400, s20;
	[tilespmem:s19+$0x3C60] =	vst v58  }
0xc7: {  	v25 =	vadd.f32 $-1.000000000e+00, v31;
	v21 =	vmul.f32 v21, v21;
	v19 =	vadd.f32 v19, v24;
	[spmem:s4] =	stream.indirect.scatter.add.f32 [tilespmem:s31], [sflag:$0x5], $0x80, s21, s28, $0xb8;
	[tilespmem:$0x1FD40] =	vst v63  }
0xc8: {  	_ =	swait.ge [sflag:s7], $0x2000  }
0xc9: {  	v24 =	vadd.f32 $-1.000000000e+00, v32;
	v19 =	vadd.f32 v21, v19;
	v21 =	vmul.f32 v25, v25;
	[sflag:s7] =	ssyncset.done $0x0  }
0xca: {  	[sflag:s7] =	ssyncadd.s32 $0xFFFFE000  }
0xcb: {  	v19 =	vadd.f32 v21, v19;
	v21 =	vmul.f32 v24, v24;
	v22 =	vadd.f32 $-1.000000000e+00, v22;
	_ =	swait.ge [sflag:s10], $0x2000  }
0xcc: {  	p1 =	seq.s32 s15, $0x27;
	[sflag:s10] =	ssyncset.done $0x0  }
0xcd: {  	s22 =	simm.s32 @!p1 $0x3C00;
	v19 =	vadd.f32 v21, v19;
	v20 =	vadd.f32 $-1.000000000e+00, v20;
	v21 =	vmul.f32 v22, v22;
	s19 =	sadd.s32 @!p1 $0x2, s18;
	[sflag:s10] =	ssyncadd.s32 $0xFFFFE000  }
0xce: {  	s20 =	sshll.u32 @!p1 s19, $0x6;
	s19 =	sadd.s32 @!p1 s8, s19;
	_ =	swait.ge [sflag:s11], $0x2000  }
0xcf: {  	v20 =	vmul.f32 v20, v20;
	v19 =	vadd.f32 v21, v19;
	v21 =	vadd.f32 $-1.000000000e+00, v30;
	s21 =	simm.s32 @!p1 $0x40;
	s19 =	smin.u32 @!p1 s19, $0x9C3;
	[sflag:s11] =	ssyncset.done $0x0  }
0xd0: {  	s20 =	sand.u32 @!p1 $0x3FFFFFC0, s20;
	s19 =	sshll.u32 @!p1 s19, $0xA;
	[sflag:s11] =	ssyncadd.s32 $0xFFFFE000  }
0xd1: {  	v19 =	vadd.f32 v20, v19;
	v20 =	vmul.f32 v21, v21;
	v21 =	vadd.f32 $-1.000000000e+00, v28;
	[tilespmem:s22], [sflag:$0x1] =	stream.indirect.gather @!p1 [hbm4b:s1+s21], $0x80, s20, s21, $0xb8;
	[tilespmem:$0x1FD40] =	vst v63  }
0xd2: {  	s19 =	sadd.s32 @!p1 s3, s19;
	s20 =	simm.s32 @!p1 $0x0;
	s21 =	simm.s32 @!p1 $0x7C00  }
0xd3: {  	v19 =	vadd.f32 v20, v19;
	v20 =	vmul.f32 v21, v21;
	v21 =	vadd.f32 $-1.000000000e+00, v23;
	[tilespmem:s21], [sflag:$0x3] =	stream.linear.gather @!p1 [hbm4b:s19+s20], $0x2000, $0x38;
	[tilespmem:$0x1FD40] =	vst v63  }
0xd4: {  	s19 =	simm.s32 $0x0  }
0xd5: {  	v22 =	vadd.f32 $-1.000000000e+00, v33;
	v19 =	vadd.f32 v20, v19;
	v20 =	vmul.f32 v21, v21;
	v21 =	vld [tilespmem:s19+$0x9C00];
	_ =	sdelay $0x1  }
0xd6: {  	v23 =	vadd.f32 $-1.000000000e+00, v27;
	v19 =	vadd.f32 v20, v19;
	v20 =	vmul.f32 v22, v22;
	v22 =	vld [tilespmem:s19+$0x9C10];
	_ =	sdelay $0x1  }
0xd7: {  	v24 =	vadd.f32 $-1.000000000e+00, v29;
	v19 =	vadd.f32 v20, v19;
	v20 =	vmul.f32 v23, v23;
	v23 =	vld [tilespmem:s19+$0x9C20]  }
0xd8: {  	v25 =	vld [tilespmem:s19+$0x9C30];
	v21 =	vmul.f32 v21, v9  }
0xd9: {  	v24 =	vmul.f32 v24, v24;
	v19 =	vadd.f32 v20, v19  }
0xda: {  	s22 =	sadd.s32 s8, s18;
	v26 =	vld [tilespmem:s19+$0x9C40];
	v20 =	vadd.f32 v21, v1;
	v21 =	vmul.f32 v22, v10  }
0xdb: {  	v19 =	vadd.f32 v24, v19;
	s18 =	simm.f32 $1.000000000e+00;
	p1 =	slt.u32 s22, $0x9C4;
	v31 =	vld [tilespmem:s19+$0x9C70]  }
0xdc: {  	s18 =	simm.s32 @!p1 $0x0;
	v27 =	vld [tilespmem:s19+$0x9C50];
	v24 =	vadd.f32 $-1.000000000e+00, v20;
	v22 =	vadd.f32 v21, v2;
	v21 =	vmul.f32 v23, v11  }
0xdd: {  	v30 =	vimm.f32 $0.0e+00;
	v60 =	vld [tilespmem:s19+$0x9C60];
	v28 =	vmul.f32 s18, v19;
	s18 =	simm.s32 $0x80;
	v23 =	vmul.f32 v25, v12  }
0xde: {  	v19 =	vld [tilespmem:s18+$0x9C10];
	v24 =	vmul.f32 v24, v24;
	v29 =	vadd.f32 $-1.000000000e+00, v22;
	v25 =	vadd.f32 v21, v3  }
0xdf: {  	v18 =	vadd.f32 v28, v18;
	v28 =	vld [tilespmem:s19+$0x5C20];
	v26 =	vmul.f32 v26, v13;
	v23 =	vadd.f32 v23, v4  }
0xe0: {  	v61 =	vadd.f32 v24, v30;
	v30 =	vld [tilespmem:s19+$0x5C00];
	v62 =	vmul.f32 v29, v29;
	v63 =	vadd.f32 $-1.000000000e+00, v25  }
0xe1: {  	v29 =	vld [tilespmem:s19+$0x5C10];
	v24 =	vadd.f32 v26, v5;
	v26 =	vmul.f32 v27, v14  }
0xe2: {  	v21 =	vld [tilespmem:s18+$0x9C00];
	v35 =	vadd.f32 $-1.000000000e+00, v23;
	v32 =	vadd.f32 v62, v61;
	v34 =	vmul.f32 v63, v63  }
0xe3: {  	s20 =	simm.s32 $0x400;
	v33 =	vmul.f32 v60, v15;
	v31 =	vmul.f32 v31, v16;
	v27 =	vld [tilespmem:s19+$0x5C30];
	v26 =	vadd.f32 v26, v6  }
.LBB2_7:
0xe4: {  	p1 =	sne.s32 s20, $0x7E00;
	v32 =	vadd.f32 v34, v32;
	v34 =	vmul.f32 v35, v35;
	v35 =	vadd.f32 $-1.000000000e+00, v24;
	v36 =	vld [tilespmem:s19+$0x5C40]  }
0xe5: {  	v20 =	vmul.f32 v20, v30;
	v30 =	vadd.f32 $-1.000000000e+00, v26;
	v37 =	vld [tilespmem:s19+$0x5C50];
	v33 =	vadd.f32 v33, v7  }
0xe6: {  	v22 =	vmul.f32 v22, v29;
	v29 =	vadd.f32 v34, v32;
	v32 =	vmul.f32 v35, v35;
	v34 =	vld [tilespmem:s19+$0x5C60]  }
0xe7: {  	[tilespmem:s19+$0x5C00] =	vst v20;
	v20 =	vmul.f32 v25, v28;
	v25 =	vadd.f32 $-1.000000000e+00, v33;
	v28 =	vadd.f32 v31, v8;
	v31 =	vld [tilespmem:s19+$0x5C70]  }
0xe8: {  	v35 =	vld [tilespmem:s18+$0x9C20];
	[tilespmem:s19+$0x5C10] =	vst v22;
	v22 =	vmul.f32 v23, v27;
	v23 =	vadd.f32 v32, v29;
	v27 =	vmul.f32 v30, v30  }
0xe9: {  	v21 =	vmul.f32 v21, v9;
	v29 =	vld [tilespmem:s18+$0x9C30];
	[tilespmem:s19+$0x5C20] =	vst v20;
	v24 =	vmul.f32 v24, v36;
	v30 =	vadd.f32 $-1.000000000e+00, v28  }
0xea: {  	v25 =	vmul.f32 v25, v25;
	[tilespmem:s19+$0x5C30] =	vst v22;
	v22 =	vadd.f32 v27, v23;
	v23 =	vmul.f32 v26, v37  }
0xeb: {  	v19 =	vmul.f32 v19, v10;
	v20 =	vadd.f32 v21, v1;
	v26 =	vld [tilespmem:s18+$0x9C40];
	[tilespmem:s19+$0x5C40] =	vst v24;
	v21 =	vmul.f32 v33, v34  }
0xec: {  	v24 =	vmul.f32 v30, v30;
	v36 =	vld [tilespmem:s18+$0x9C70];
	[tilespmem:s19+$0x5C50] =	vst v23;
	v23 =	vadd.f32 v25, v22;
	v25 =	vmul.f32 v28, v31  }
0xed: {  	v27 =	vadd.f32 $-1.000000000e+00, v20;
	v22 =	vadd.f32 v19, v2;
	v28 =	vmul.f32 v35, v11;
	v31 =	vld [tilespmem:s18+$0x9C50];
	[tilespmem:s19+$0x5C60] =	vst v21  }
0xee: {  	v29 =	vmul.f32 v29, v12;
	v33 =	vld [tilespmem:s18+$0x9C60];
	v24 =	vadd.f32 v24, v23;
	[tilespmem:s19+$0x5C70] =	vst v25;
	s19 =	smov.u32 s18;
	s18 =	sshra.s32 s20, $0x2  }
0xef: {  	v27 =	vmul.f32 v27, v27;
	v32 =	vadd.f32 $-1.000000000e+00, v22;
	v19 =	vld [tilespmem:s18+$0x9C10];
	v25 =	vadd.f32 v28, v3  }
.Ltmp2:
0xf0: {  	v21 =	vld [tilespmem:s18+$0x9C00];
	v23 =	vadd.f32 v29, v4;
	v26 =	vmul.f32 v26, v13;
	(pc) =	sbr.rel @p1 .LBB2_7-.Ltmp2, $4  }
0xf1: {  	v27 =	vadd.f32 v27, v24;
	v28 =	vmul.f32 v32, v32;
	v30 =	vld [tilespmem:s19+$0x5C00];
	v34 =	vadd.f32 $-1.000000000e+00, v25  }
0xf2: {  	v29 =	vld [tilespmem:s19+$0x5C10];
	v24 =	vadd.f32 v26, v5;
	v26 =	vmul.f32 v31, v14  }
0xf3: {  	v32 =	vadd.f32 v28, v27;
	v35 =	vadd.f32 $-1.000000000e+00, v23;
	v34 =	vmul.f32 v34, v34;
	v28 =	vld [tilespmem:s19+$0x5C20]  }
0xf4: {  	s20 =	sadd.s32 $0x200, s20;
	v31 =	vmul.f32 v36, v16;
	v33 =	vmul.f32 v33, v15;
	v27 =	vld [tilespmem:s19+$0x5C30];
	v26 =	vadd.f32 v26, v6  }
0xf5: {  	_ = 	snop  }
0xf6: {  	v20 =	vmul.f32 v20, v30  }
0xf7: {  	v36 =	vld [tilespmem:s19+$0x5C40];
	v51 =	vadd.f32 v34, v32  }
0xf8: {  	v49 =	vld [tilespmem:s19+$0x5C50];
	v52 =	vmul.f32 v35, v35;
	v53 =	vadd.f32 $-1.000000000e+00, v24;
	[tilespmem:s19+$0x5C00] =	vst v20;
	v20 =	vmul.f32 v22, v29  }
0xf9: {  	v37 =	vld [tilespmem:s19+$0x5C60];
	v21 =	vmul.f32 v21, v9;
	v55 =	vadd.f32 $-1.000000000e+00, v26;
	v33 =	vadd.f32 v33, v7  }
0xfa: {  	v56 =	vmul.f32 v53, v53;
	v25 =	vmul.f32 v25, v28;
	v54 =	vld [tilespmem:s18+$0x9C20];
	[tilespmem:s19+$0x5C10] =	vst v20;
	v20 =	vadd.f32 v52, v51  }
0xfb: {  	v50 =	vld [tilespmem:s19+$0x5C70];
	v31 =	vadd.f32 v31, v8;
	v58 =	vadd.f32 $-1.000000000e+00, v33;
	v23 =	vmul.f32 v23, v27  }
0xfc: {  	v59 =	vmul.f32 v55, v55;
	v60 =	vmul.f32 v24, v36;
	v57 =	vld [tilespmem:s18+$0x9C30];
	[tilespmem:s19+$0x5C20] =	vst v25;
	v20 =	vadd.f32 v56, v20  }
0xfd: {  	v19 =	vmul.f32 v19, v10;
	v21 =	vadd.f32 v21, v1;
	v63 =	vmul.f32 v26, v49;
	[tilespmem:s19+$0x5C30] =	vst v23  }
0xfe: {  	v61 =	vadd.f32 $-1.000000000e+00, v31;
	v34 =	vmul.f32 v58, v58;
	v62 =	vld [tilespmem:s18+$0x9C40];
	[tilespmem:s19+$0x5C40] =	vst v60;
	v20 =	vadd.f32 v59, v20  }
0xff: {  	v19 =	vadd.f32 v19, v2;
	v36 =	vmul.f32 v33, v37;
	v24 =	vld [tilespmem:s18+$0x9C70];
	[tilespmem:s19+$0x5C50] =	vst v63;
	v38 =	vmul.f32 v54, v11  }
0x100: {  	v37 =	vadd.f32 $-1.000000000e+00, v21;
	v23 =	vmul.f32 v61, v61;
	v39 =	vld [tilespmem:s18+$0x9C50];
	v20 =	vadd.f32 v34, v20  }
0x101: {  	v41 =	vadd.f32 $-1.000000000e+00, v19;
	v22 =	vmul.f32 v31, v50;
	[tilespmem:s19+$0x5C60] =	vst v36;
	v26 =	vadd.f32 v38, v3  }
0x102: {  	v25 =	vmul.f32 v37, v37;
	v40 =	vld [tilespmem:s18+$0x9C60];
	v27 =	vmul.f32 v57, v12;
	v20 =	vadd.f32 v23, v20  }
0x103: {  	[tilespmem:s19+$0x5C70] =	vst v22;
	v28 =	vmul.f32 v62, v13;
	v43 =	vadd.f32 $-1.000000000e+00, v26  }
0x104: {  	v42 =	vmul.f32 v41, v41;
	v44 =	vld [tilespmem:s18+$0x5C10];
	v27 =	vadd.f32 v27, v4;
	v20 =	vadd.f32 v25, v20  }
0x105: {  	v30 =	vmul.f32 v39, v14;
	v28 =	vadd.f32 v28, v5  }
0x106: {  	v48 =	vld [tilespmem:s18+$0x5C30];
	v45 =	vmul.f32 v43, v43;
	v47 =	vadd.f32 $-1.000000000e+00, v27;
	v20 =	vadd.f32 v42, v20  }
0x107: {  	v23 =	vmul.f32 v40, v15;
	v30 =	vadd.f32 v30, v6  }
0x108: {  	v50 =	vadd.f32 $-1.000000000e+00, v28;
	v32 =	vmul.f32 v47, v47;
	v20 =	vadd.f32 v45, v20  }
0x109: {  	v51 =	vld [tilespmem:s18+$0x5C50];
	v24 =	vmul.f32 v24, v16;
	v19 =	vmul.f32 v19, v44;
	v23 =	vadd.f32 v23, v7  }
0x10a: {  	v22 =	vld [tilespmem:s18+$0x5C00];
	v52 =	vadd.f32 $-1.000000000e+00, v30;
	v54 =	vmul.f32 v50, v50;
	v20 =	vadd.f32 v32, v20  }
0x10b: {  	v46 =	vld [tilespmem:s18+$0x5C20];
	v24 =	vadd.f32 v24, v8;
	[tilespmem:s18+$0x5C10] =	vst v19;
	v19 =	vmul.f32 v27, v48  }
0x10c: {  	v49 =	vld [tilespmem:s18+$0x5C40];
	v56 =	vadd.f32 $-1.000000000e+00, v23;
	v58 =	vmul.f32 v52, v52;
	v20 =	vadd.f32 v54, v20  }
0x10d: {  	v57 =	vld [tilespmem:s18+$0x5C70];
	v60 =	vadd.f32 $-1.000000000e+00, v24  }
0x10e: {  	v53 =	vld [tilespmem:s18+$0x5C60];
	[tilespmem:s18+$0x5C30] =	vst v19;
	v61 =	vmul.f32 v56, v56;
	v19 =	vadd.f32 v58, v20;
	v20 =	vmul.f32 v30, v51  }
0x10f: {  	v21 =	vmul.f32 v21, v22  }
0x110: {  	p1 =	slt.u32 s17, $0x9C4;
	s17 =	simm.f32 $1.000000000e+00;
	s15 =	sadd.s32 $0x1, s15;
	v55 =	vmul.f32 v26, v46;
	[tilespmem:s18+$0x5C50] =	vst v20;
	v19 =	vadd.f32 v61, v19;
	v20 =	vmul.f32 v60, v60  }
0x111: {  	s17 =	simm.s32 @!p1 $0x0;
	p1 =	sne.s32 s15, $0x28;
	v59 =	vmul.f32 v28, v49;
	[tilespmem:s18+$0x5C00] =	vst v21  }
.Ltmp3:
0x112: {  	v63 =	vmul.f32 v24, v57;
	[tilespmem:s18+$0x5C20] =	vst v55;
	v19 =	vadd.f32 v20, v19;
	(pc) =	sbr.rel @p1 .LBB2_4-.Ltmp3, $4  }
0x113: {  	s16 =	sshll.u32 s16, $0x7;
	[tilespmem:s18+$0x5C40] =	vst v59;
	v62 =	vmul.f32 v23, v53  }
0x114: {  	s16 =	sand.u32 $0x3FFFFF80, s16;
	[tilespmem:s18+$0x5C70] =	vst v63;
	v19 =	vmul.f32 s17, v19  }
0x115: {  	s16 =	sadd.s32 $0x1400, s16;
	[tilespmem:s18+$0x5C60] =	vst v62  }
0x116: {  	[spmem:s4] =	stream.indirect.scatter.add.f32 [tilespmem:s0], [sflag:$0x6], $0x80, s16, s28, $0xb8;
	v18 =	vadd.f32 v19, v18;
	[tilespmem:$0x1FD40] =	vst v63  }
0x117: {  	_ =	swait.ge [sflag:s12], $0x2000  }
0x118: {  	[sflag:s12] =	ssyncset.done $0x0  }
0x119: {  	[sflag:s12] =	ssyncadd.s32 $0xFFFFE000  }
0x11a: {  	s14 =	simm.s32 $0xC400;
	[tilespmem:$0xC400] =	vst v18  }
0x11b: {  	[hbm4b:s23+s5] =	stream.linear.scatter [tilespmem:s14], [sflag:$0x7], $0x10, $0x38;
	[tilespmem:$0x1FD40] =	vst v63  }
0x11c: {  	_ =	swait.ge [sflag:s29], $0x10  }
0x11d: {  	[sflag:s29] =	ssyncset.done $0x0  }
0x11e: {  	s22 =	stileid.u32;
	[sflag:s29] =	ssyncadd.s32 $0xFFFFFFF0  }
0x11f: {  	s14 =	sshll.u32 s22, $0x6;
	[bflag:$0x0] =	sbarrier.arrive $0xFFFF  }
0x120: {  	s15 =	sshrl.u32 s9, $0x3;
	s14 =	sor.u32 $0x1C07, s14;
	s16 =	rddreg [dreg:$0xf]  }
0x121: {  	[hbm:s16], [sflag:s14] =	dma.local [spmem:s15], $0x2700  }
0x122: {  	_ =	swait.ge [sflag:s29], $0x2700  }
0x123: {  	s13 =	sadd.s32 $0x1, s13;
	[sflag:s29] =	ssyncset.done $0x0  }
0x124: {  	p1 =	sne.s32 s13, s25;
	s15 =	sshrl.u32 @!p0 s26, $0x3;
	[sflag:s29] =	ssyncadd.s32 $0xFFFFD900  }
0x125: {  	[hbm:s24], [sflag:s14] =	dma.local @!p0 [spmem:s15], $0x100  }
.Ltmp4:
0x126: {  	_ = 	snop;
	(pc) =	sbr.rel @p1 .LBB2_1-.Ltmp4, $4  }
0x127: {  	s14 =	simm.s32 @!p0 $0x7  }
0x128: {  	_ =	swait.ge @!p0 [sflag:s14], $0x100  }
0x129: {  	[sflag:s14] =	ssyncset.done @!p0 $0x0  }
0x12a: {  	[sflag:s14] =	ssyncadd.s32 @!p0 $0xFFFFFF00  }
0x12b: {  	_ =	sfence.sel $0x180000  }
0x12c: {  	[bflag:$0x0] =	sbarrier.arrive $0xFFFF  }
0x12d: {  	_ =	strace $0x9000004A  }
0x12e: {  	s0 =	stileid.u32;
	[bflag:$0x2] =	sbarrier.arrive $0xFFFF  }
0x12f: {  	p0 =	sne.s32 s0, $0x0;
	s0 =	rddreg [dreg:$0x4]  }
0x130: {  	s0 =	sadd.s32 @!p0 $0x100000, s0  }
0x131: {  	[sflag:s0] =	ssyncadd.tile.s32 @!p0 $0x1;
	_ =	shalt  }
.Lfunc_end2:
_tile_overlayer_lowered:
.L_overlay_start_2:
0x132: {  	(tag) =	ssettag $0x2  }
0x133: {  	s0 =	rddreg [dreg:$0x0];
	s2 =	stileid.u32  }
0x134: {  	s1 =	rddreg [dreg:$0x1];
	p0 =	sne.s32 s2, $0x0  }
0x135: {  	s3 =	rddreg [dreg:$0x2];
	[bflag:$0x3] =	sbarrier.arrive $0xFFFF;
	s2 =	simm.s32 @!p0 $0x1C07  }
0x136: {  	[timem:s3], [sflag:s2] =	dma.local @!p0 [hbm:s0], s1  }
0x137: {  	s0 =	simm.s32 @!p0 $0x7  }
0x138: {  	_ =	swait.ge @!p0 [sflag:s0], s1  }
0x139: {  	s1 =	ssub.s32 @!p0 $0x0, s1;
	[sflag:s0] =	ssyncset.done @!p0 $0x0  }
0x13a: {  	[sflag:s0] =	ssyncadd.s32 @!p0 s1  }
0x13b: {  	[bflag:$0x3] =	sbarrier.arrive $0xFFFF  }
0x13c: {  	_ =	shalt  }

</sc_bundles>
